<compile_context>
chip_gen: v7x
topology: tpu7x:2x2x1
jax: 0.10.2.dev20260603
libtpu: 0.0.44.dev20260713+nightly
codegen_flags: <defaults>
</compile_context>

<pallas_src>
import functools

import jax
import jax.numpy as jnp
from jax import lax
from jax.experimental import pallas as pl
from jax.experimental.pallas import tpu as pltpu
from jax.experimental.pallas import tpu_sc as plsc

N = 10000
F = 128
H = 32
A = 64
E = 320000

NC = 2
NS = 16
L = 16
W = NC * NS

CH = 125
NCHUNK = 80
EPT = NCHUNK * CH
NB = 4

NN = 10240
NPK = NN // 4
NPS = NN // NS

_mesh = plsc.VectorSubcoreMesh(
    core_axis_name="c", subcore_axis_name="s", num_cores=NC, num_subcores=NS
)



@functools.partial(
    pl.kernel,
    out_type=jax.ShapeDtypeStruct((NC, NN), jnp.float32),
    mesh=_mesh,
    scratch_types=[
        pltpu.VMEM((NCHUNK, CH), jnp.int32),
        pltpu.VMEM((128,), jnp.float32),
        pltpu.VMEM((NPS,), jnp.float32),
        pltpu.VMEM_SHARED((NN,), jnp.float32),
        pltpu.SemaphoreType.DMA,
    ],
    compiler_params=pltpu.CompilerParams(use_tc_tiling_on_sc=False),
)
def _sc_deg(dst_hbm, zeros_hbm, out_hbm, didx_v, ones_v, stage_v, accum_sh, sem):
    c = lax.axis_index("c")
    s = lax.axis_index("s")
    w = c * NS + s
    pltpu.sync_copy(dst_hbm.at[w], didx_v)
    for k in range(8):
        ones_v[pl.ds(k * L, L)] = jnp.full((L,), 1.0, jnp.float32)
    pltpu.sync_copy(zeros_hbm.at[pl.ds(s * NPS, NPS)], accum_sh.at[pl.ds(s * NPS, NPS)])
    plsc.subcore_barrier()

    def fire(j, carry):
        pltpu.async_copy(ones_v.at[pl.ds(0, CH)], accum_sh.at[didx_v.at[j]], sem, add=True)
        return carry

    lax.fori_loop(0, NCHUNK, fire, 0)

    def drain(j, carry):
        pltpu.make_async_copy(ones_v.at[pl.ds(0, CH)], accum_sh.at[didx_v.at[0]], sem).wait()
        return carry

    lax.fori_loop(0, NCHUNK, drain, 0)
    plsc.subcore_barrier()
    pltpu.sync_copy(accum_sh.at[pl.ds(s * NPS, NPS)], stage_v)
    pltpu.sync_copy(stage_v, out_hbm.at[c, pl.ds(s * NPS, NPS)])



@functools.partial(
    pl.kernel,
    out_type=jax.ShapeDtypeStruct((NC, NN, H), jnp.float32),
    mesh=_mesh,
    scratch_types=[
        pltpu.VMEM((NCHUNK, CH), jnp.int32),
        pltpu.VMEM((NCHUNK, CH), jnp.int32),
        pltpu.VMEM((CH, H), jnp.float32),
        pltpu.VMEM((CH, H), jnp.float32),
        pltpu.VMEM((CH, H), jnp.float32),
        pltpu.VMEM((CH, H), jnp.float32),
        pltpu.VMEM((NPS, H), jnp.float32),
        pltpu.VMEM_SHARED((NN, H), jnp.float32),
        pltpu.VMEM_SHARED((NN, H), jnp.float32),
        pltpu.SemaphoreType.DMA,
        pltpu.SemaphoreType.DMA,
        pltpu.SemaphoreType.DMA,
        pltpu.SemaphoreType.DMA,
        pltpu.SemaphoreType.DMA,
        pltpu.SemaphoreType.DMA,
        pltpu.SemaphoreType.DMA,
        pltpu.SemaphoreType.DMA,
    ],
    compiler_params=pltpu.CompilerParams(use_tc_tiling_on_sc=False),
)
def _sc_prop(src_hbm, dst_hbm, g_hbm, zeros_hbm, out_hbm,
             sidx_v, didx_v, r0, r1, r2, r3, stage_v, accum_sh, g_sh,
             g0, g1, g2, g3, s0, s1, s2, s3):
    c = lax.axis_index("c")
    s = lax.axis_index("s")
    w = c * NS + s
    bufs = (r0, r1, r2, r3)
    gsem = (g0, g1, g2, g3)
    ssem = (s0, s1, s2, s3)

    pltpu.sync_copy(src_hbm.at[w], sidx_v)
    pltpu.sync_copy(dst_hbm.at[w], didx_v)
    pltpu.sync_copy(zeros_hbm.at[pl.ds(s * NPS, NPS)], accum_sh.at[pl.ds(s * NPS, NPS)])
    pltpu.sync_copy(g_hbm.at[pl.ds(s * NPS, NPS)], g_sh.at[pl.ds(s * NPS, NPS)])
    plsc.subcore_barrier()

    for b in range(NB):
        pltpu.async_copy(g_sh.at[sidx_v.at[b]], bufs[b], gsem[b])

    def group(i, carry):
        j0 = NB * i
        for b in range(NB):
            pltpu.make_async_copy(g_sh.at[sidx_v.at[0]], bufs[b], gsem[b]).wait()
            pltpu.async_copy(bufs[b], accum_sh.at[didx_v.at[j0 + b]], ssem[b], add=True)
        for b in range(NB):
            pltpu.make_async_copy(bufs[b], accum_sh.at[didx_v.at[0]], ssem[b]).wait()
            pltpu.async_copy(g_sh.at[sidx_v.at[j0 + NB + b]], bufs[b], gsem[b])
        return carry

    lax.fori_loop(0, NCHUNK // NB - 1, group, 0)
    j0 = NCHUNK - NB
    for b in range(NB):
        pltpu.make_async_copy(g_sh.at[sidx_v.at[0]], bufs[b], gsem[b]).wait()
        pltpu.async_copy(bufs[b], accum_sh.at[didx_v.at[j0 + b]], ssem[b], add=True)
    for b in range(NB):
        pltpu.make_async_copy(bufs[b], accum_sh.at[didx_v.at[0]], ssem[b]).wait()

    plsc.subcore_barrier()
    pltpu.sync_copy(accum_sh.at[pl.ds(s * NPS, NPS)], stage_v)
    pltpu.sync_copy(stage_v, out_hbm.at[c, pl.ds(s * NPS, NPS)])



R = 256
GRID = NPK // R

_pk = pl.BlockSpec((R, 128), lambda p: (p, 0))
_pk3 = pl.BlockSpec((NC, R, 128), lambda p: (0, p, 0))


def _col(lane_vec):
    return jnp.transpose(lane_vec.reshape(1, R))


def _z1_body(x0_ref, x1_ref, x2_ref, x3_ref, w1p_ref, z_ref):
    xs = (x0_ref, x1_ref, x2_ref, x3_ref)
    acc = jnp.zeros((R, 128), jnp.float32)
    for k in range(4):
        acc = acc + jnp.dot(
            xs[k][...], w1p_ref[k], preferred_element_type=jnp.float32
        )
    z_ref[...] = acc


def _x_spec(k):
    return pl.BlockSpec((R, F), lambda p, k=k: (GRID * k + p, 0))


_z1_call = pl.pallas_call(
    _z1_body,
    grid=(GRID,),
    in_specs=[
        _x_spec(0), _x_spec(1), _x_spec(2), _x_spec(3),
        pl.BlockSpec((4, F, 128), lambda p: (0, 0, 0)),
    ],
    out_specs=_pk,
    out_shape=jax.ShapeDtypeStruct((NPK, 128), jnp.float32),
)


def _d_spec(k):
    return pl.BlockSpec((NC, R), lambda p, k=k: (0, GRID * k + p))


def _pre_body(z_ref, d0_ref, d1_ref, d2_ref, d3_ref, dm_ref, g_ref):
    ds = (d0_ref, d1_ref, d2_ref, d3_ref)
    lane = lax.broadcasted_iota(jnp.int32, (R, 128), 1) // H
    dm = jnp.zeros((R, 128), jnp.float32)
    for k in range(4):
        dinv_k = jax.lax.rsqrt(1.0 + ds[k][0] + ds[k][1])
        dm = dm + jnp.where(lane == k, _col(dinv_k), 0.0)
    dm_ref[...] = dm
    g_ref[...] = z_ref[...] * dm


_pre_call = pl.pallas_call(
    _pre_body,
    grid=(GRID,),
    in_specs=[_pk, _d_spec(0), _d_spec(1), _d_spec(2), _d_spec(3)],
    out_specs=[_pk, _pk],
    out_shape=[
        jax.ShapeDtypeStruct((NPK, 128), jnp.float32),
        jax.ShapeDtypeStruct((NPK, 128), jnp.float32),
    ],
)


def _mid_body(z_ref, p_ref, dm_ref, b1_ref, w2bd_ref, z2_ref, g2_ref):
    dm = dm_ref[...]
    scat = p_ref[0] + p_ref[1]
    h = jnp.maximum(dm * scat + dm * dm * z_ref[...] + b1_ref[...], 0.0)
    z2 = jnp.dot(h, w2bd_ref[...], preferred_element_type=jnp.float32)
    z2_ref[...] = z2
    g2_ref[...] = z2 * dm


_mid_call = pl.pallas_call(
    _mid_body,
    grid=(GRID,),
    in_specs=[
        _pk,
        _pk3,
        _pk,
        pl.BlockSpec((1, 128), lambda p: (0, 0)),
        pl.BlockSpec((128, 128), lambda p: (0, 0)),
    ],
    out_specs=[_pk, _pk],
    out_shape=[
        jax.ShapeDtypeStruct((NPK, 128), jnp.float32),
        jax.ShapeDtypeStruct((NPK, 128), jnp.float32),
    ],
)


def _post_body(z_ref, p_ref, dm_ref, b2_ref, p1e_ref, pb1_ref, p2_ref, pb2_ref, out_ref):
    dm = dm_ref[...]
    scat = p_ref[0] + p_ref[1]
    h = jnp.maximum(dm * scat + dm * dm * z_ref[...] + b2_ref[...], 0.0)
    for k in range(4):
        hidden = jnp.maximum(
            jnp.dot(h, p1e_ref[k], preferred_element_type=jnp.float32) + pb1_ref[...],
            0.0,
        )
        out_ref[k] = (
            jnp.dot(hidden, p2_ref[...], preferred_element_type=jnp.float32)
            + pb2_ref[...]
        )


_post_call = pl.pallas_call(
    _post_body,
    grid=(GRID,),
    in_specs=[
        _pk,
        _pk3,
        _pk,
        pl.BlockSpec((1, 128), lambda p: (0, 0)),
        pl.BlockSpec((4, 128, 512), lambda p: (0, 0, 0)),
        pl.BlockSpec((1, 512), lambda p: (0, 0)),
        pl.BlockSpec((512, A), lambda p: (0, 0)),
        pl.BlockSpec((1, A), lambda p: (0, 0)),
    ],
    out_specs=pl.BlockSpec((4, R, A), lambda p: (0, p, 0)),
    out_shape=jax.ShapeDtypeStruct((4, NPK, A), jnp.float32),
)


def kernel(features, edge_index, W1, b1, W2, b2, P1, pb1, P2, pb2):
    src = edge_index[0]
    dst = edge_index[1]
    src_p = 4 * (src % NPK) + src // NPK
    dst_p = 4 * (dst % NPK) + dst // NPK
    src3 = src_p.reshape(W, NCHUNK, CH)
    dst3p = dst_p.reshape(W, NCHUNK, CH)
    dst3 = dst.reshape(W, NCHUNK, CH)
    zeros1 = jnp.zeros((NN,), jnp.float32)
    zerosH = jnp.zeros((NN, H), jnp.float32)

    w1p = jnp.stack(
        [jnp.pad(W1, ((0, 0), (H * k, 128 - H * (k + 1)))) for k in range(4)]
    )
    w2bd = jax.scipy.linalg.block_diag(W2, W2, W2, W2)
    p1e = jnp.stack(
        [jnp.pad(P1, ((H * k, 128 - H * (k + 1)), (0, 0))) for k in range(4)]
    )
    b1t = jnp.tile(b1, 4).reshape(1, 128)
    b2t = jnp.tile(b2, 4).reshape(1, 128)

    dpart = _sc_deg(dst3, zeros1)
    z1 = _z1_call(features, features, features, features, w1p)
    dm, g1 = _pre_call(z1, dpart, dpart, dpart, dpart)
    pp1 = _sc_prop(src3, dst3p, g1.reshape(NN, H), zerosH).reshape(NC, NPK, 128)
    z2, g2 = _mid_call(z1, pp1, dm, b1t, w2bd)
    pp2 = _sc_prop(src3, dst3p, g2.reshape(NN, H), zerosH).reshape(NC, NPK, 128)
    pol4 = _post_call(z2, pp2, dm, b2t, p1e, pb1.reshape(1, 512), P2, pb2.reshape(1, A))
    return pol4.reshape(NN, A)[:N]

# --- scband reference (transcript-rebuilt; emitter-appended) ---
"""Pipeline reference for scband-model-actor-86784109183564 (READ-ONLY COPY).

The authoritative reference and input builder live on the scoring server;
editing this copy changes nothing except your own understanding.
"""

import jax, jax.numpy as jnp
import numpy as np

N = 10000
E = 320000
F = 128
H = 32
A = 64


def setup_inputs(seed: int = 0) -> dict:
    key = jax.random.key(seed)
    ks = jax.random.split(key, 12)
    features = jax.random.normal(ks[0], (N, F), dtype=jnp.float32)
    edge_index = jax.random.randint(ks[1], (2, E), 0, N, dtype=jnp.int32)
    # GCN layer 1 params (in=F, out=H)
    W1 = jax.random.normal(ks[2], (F, H), dtype=jnp.float32) / np.sqrt(F)
    b1 = jnp.zeros((H,), dtype=jnp.float32)
    # GCN layer 2 params (in=H, out=H)
    W2 = jax.random.normal(ks[3], (H, H), dtype=jnp.float32) / np.sqrt(H)
    b2 = jnp.zeros((H,), dtype=jnp.float32)
    # policy MLP: Linear(H, 512) -> ReLU -> Linear(512, A)
    P1 = jax.random.normal(ks[4], (H, 512), dtype=jnp.float32) / np.sqrt(H)
    pb1 = jnp.zeros((512,), dtype=jnp.float32)
    P2 = jax.random.normal(ks[5], (512, A), dtype=jnp.float32) / np.sqrt(512)
    pb2 = jnp.zeros((A,), dtype=jnp.float32)
    return {
        "features": features,
        "edge_index": edge_index,
        "W1": W1, "b1": b1,
        "W2": W2, "b2": b2,
        "P1": P1, "pb1": pb1,
        "P2": P2, "pb2": pb2,
    }


def _gcn_layer(x, W, b, src, dst):
    n = x.shape[0]
    loop = jnp.arange(n, dtype=src.dtype)
    s = jnp.concatenate([src, loop])
    d = jnp.concatenate([dst, loop])
    deg = jax.ops.segment_sum(jnp.ones_like(d, dtype=x.dtype), d, num_segments=n)
    dinv = jnp.where(deg > 0, 1.0 / jnp.sqrt(deg), 0.0)
    norm = dinv[s] * dinv[d]
    h = x @ W
    msg = h[s] * norm[:, None]
    out = jax.ops.segment_sum(msg, d, num_segments=n)
    return out + b


def reference(features, edge_index, W1, b1, W2, b2, P1, pb1, P2, pb2):
    src = edge_index[0]
    dst = edge_index[1]
    h = _gcn_layer(features, W1, b1, src, dst)
    h = jax.nn.relu(h)
    h = _gcn_layer(h, W2, b2, src, dst)
    h = jax.nn.relu(h)
    conv_out = h.reshape(h.shape[0], -1)
    hidden = jax.nn.relu(conv_out @ P1 + pb1)
    policy = hidden @ P2 + pb2
    return policy

if __name__ == "__main__":
    import jax
    _d = setup_inputs()
    print(jax.jit(kernel)(*tuple(_d.values())))

</pallas_src>

<mosaic_0001>
#map = affine_map<(d0, d1) -> (0, 0, 0)>
#map1 = affine_map<(d0, d1) -> (0, 0)>
module attributes {stable_mosaic.version = 14 : i64} {
  func.func @_sc_prop(%arg0: i32, %arg1: i32, %arg2: memref<32x80x125xi32, #tpu.memory_space<hbm>>, %arg3: memref<32x80x125xi32, #tpu.memory_space<hbm>>, %arg4: memref<10240x32xf32, #tpu.memory_space<hbm>>, %arg5: memref<10240x32xf32, #tpu.memory_space<hbm>>, %arg6: memref<2x10240x32xf32, #tpu.memory_space<hbm>>, %arg7: memref<80x125xi32, #tpu.memory_space<vmem>>, %arg8: memref<80x125xi32, #tpu.memory_space<vmem>>, %arg9: memref<125x32xf32, #tpu.memory_space<vmem>>, %arg10: memref<125x32xf32, #tpu.memory_space<vmem>>, %arg11: memref<125x32xf32, #tpu.memory_space<vmem>>, %arg12: memref<125x32xf32, #tpu.memory_space<vmem>>, %arg13: memref<640x32xf32, #tpu.memory_space<vmem>>, %arg14: memref<10240x32xf32, #tpu.memory_space<vmem_shared>>, %arg15: memref<10240x32xf32, #tpu.memory_space<vmem_shared>>, %arg16: memref<!tpu.dma_semaphore, #tpu.memory_space<semaphore_mem>>, %arg17: memref<!tpu.dma_semaphore, #tpu.memory_space<semaphore_mem>>, %arg18: memref<!tpu.dma_semaphore, #tpu.memory_space<semaphore_mem>>, %arg19: memref<!tpu.dma_semaphore, #tpu.memory_space<semaphore_mem>>, %arg20: memref<!tpu.dma_semaphore, #tpu.memory_space<semaphore_mem>>, %arg21: memref<!tpu.dma_semaphore, #tpu.memory_space<semaphore_mem>>, %arg22: memref<!tpu.dma_semaphore, #tpu.memory_space<semaphore_mem>>, %arg23: memref<!tpu.dma_semaphore, #tpu.memory_space<semaphore_mem>>) attributes {dimension_semantics = [#tpu.dimension_semantics<core_parallel>, #tpu.dimension_semantics<subcore_parallel>], iteration_bounds = array<i64: 2, 16>, scalar_prefetch = 0 : i64, scratch_operands = 17 : i64, tpu.core_type = #tpu.core_type<sc_vector_subcore>, window_params = [{transform_indices = #map}, {transform_indices = #map}, {transform_indices = #map1}, {transform_indices = #map1}, {transform_indices = #map}]} {
    %mul3A = arith.constant 16 : i32
    %mul3A_0 = arith.muli %arg0, %mul3A : i32
    %add3A = arith.addi %mul3A_0, %arg1 : i32
    "tpu.region"() ({
      %run_scoped3A = tpu.sem_alloc : memref<!tpu.dma_semaphore, #tpu.memory_space<semaphore_mem>>
      %dma_start3A_129 = arith.constant 0 : i32
      %dma_start3A_130 = arith.constant 0 : i32
      %dma_start3A_131 = tpu.memref_slice %arg2[%add3A, %dma_start3A_129, %dma_start3A_130] : memref<32x80x125xi32, #tpu.memory_space<hbm>> -> memref<1x80x125xi32, #tpu.memory_space<hbm>>
      %dma_start3A_132 = tpu.memref_squeeze %dma_start3A_131 : memref<1x80x125xi32, #tpu.memory_space<hbm>> -> memref<80x125xi32, #tpu.memory_space<hbm>>
      %dma_start3A_133 = arith.constant 0 : i32
      %dma_start3A_134 = arith.constant 0 : i32
      %dma_start3A_135 = tpu.memref_slice %arg2[%add3A, %dma_start3A_133, %dma_start3A_134] : memref<32x80x125xi32, #tpu.memory_space<hbm>> -> memref<1x80x125xi32, #tpu.memory_space<hbm>>
      %dma_start3A_136 = tpu.memref_squeeze %dma_start3A_135 : memref<1x80x125xi32, #tpu.memory_space<hbm>> -> memref<80x125xi32, #tpu.memory_space<hbm>>
      tpu.enqueue_dma source(%dma_start3A_136 : memref<80x125xi32, #tpu.memory_space<hbm>>) target(%arg7 : memref<80x125xi32, #tpu.memory_space<vmem>>) target_semaphore(%run_scoped3A : memref<!tpu.dma_semaphore, #tpu.memory_space<semaphore_mem>>)
      %dma_wait3A_137 = arith.constant 0 : i32
      %dma_wait3A_138 = arith.constant 0 : i32
      %dma_wait3A_139 = tpu.memref_slice %arg2[%add3A, %dma_wait3A_137, %dma_wait3A_138] : memref<32x80x125xi32, #tpu.memory_space<hbm>> -> memref<1x80x125xi32, #tpu.memory_space<hbm>>
      %dma_wait3A_140 = tpu.memref_squeeze %dma_wait3A_139 : memref<1x80x125xi32, #tpu.memory_space<hbm>> -> memref<80x125xi32, #tpu.memory_space<hbm>>
      %dma_wait3A_141 = arith.constant 0 : i32
      %dma_wait3A_142 = arith.constant 0 : i32
      %dma_wait3A_143 = tpu.memref_slice %arg2[%add3A, %dma_wait3A_141, %dma_wait3A_142] : memref<32x80x125xi32, #tpu.memory_space<hbm>> -> memref<1x80x125xi32, #tpu.memory_space<hbm>>
      %dma_wait3A_144 = tpu.memref_squeeze %dma_wait3A_143 : memref<1x80x125xi32, #tpu.memory_space<hbm>> -> memref<80x125xi32, #tpu.memory_space<hbm>>
      tpu.wait_dma2 semaphore(%run_scoped3A : memref<!tpu.dma_semaphore, #tpu.memory_space<semaphore_mem>>) src(%dma_wait3A_144 : memref<80x125xi32, #tpu.memory_space<hbm>>) dst(%arg7 : memref<80x125xi32, #tpu.memory_space<vmem>>)
      tpu.yield
    }) : () -> ()
    "tpu.region"() ({
      %run_scoped3A = tpu.sem_alloc : memref<!tpu.dma_semaphore, #tpu.memory_space<semaphore_mem>>
      %dma_start3A_129 = arith.constant 0 : i32
      %dma_start3A_130 = arith.constant 0 : i32
      %dma_start3A_131 = tpu.memref_slice %arg3[%add3A, %dma_start3A_129, %dma_start3A_130] : memref<32x80x125xi32, #tpu.memory_space<hbm>> -> memref<1x80x125xi32, #tpu.memory_space<hbm>>
      %dma_start3A_132 = tpu.memref_squeeze %dma_start3A_131 : memref<1x80x125xi32, #tpu.memory_space<hbm>> -> memref<80x125xi32, #tpu.memory_space<hbm>>
      %dma_start3A_133 = arith.constant 0 : i32
      %dma_start3A_134 = arith.constant 0 : i32
      %dma_start3A_135 = tpu.memref_slice %arg3[%add3A, %dma_start3A_133, %dma_start3A_134] : memref<32x80x125xi32, #tpu.memory_space<hbm>> -> memref<1x80x125xi32, #tpu.memory_space<hbm>>
      %dma_start3A_136 = tpu.memref_squeeze %dma_start3A_135 : memref<1x80x125xi32, #tpu.memory_space<hbm>> -> memref<80x125xi32, #tpu.memory_space<hbm>>
      tpu.enqueue_dma source(%dma_start3A_136 : memref<80x125xi32, #tpu.memory_space<hbm>>) target(%arg8 : memref<80x125xi32, #tpu.memory_space<vmem>>) target_semaphore(%run_scoped3A : memref<!tpu.dma_semaphore, #tpu.memory_space<semaphore_mem>>)
      %dma_wait3A_137 = arith.constant 0 : i32
      %dma_wait3A_138 = arith.constant 0 : i32
      %dma_wait3A_139 = tpu.memref_slice %arg3[%add3A, %dma_wait3A_137, %dma_wait3A_138] : memref<32x80x125xi32, #tpu.memory_space<hbm>> -> memref<1x80x125xi32, #tpu.memory_space<hbm>>
      %dma_wait3A_140 = tpu.memref_squeeze %dma_wait3A_139 : memref<1x80x125xi32, #tpu.memory_space<hbm>> -> memref<80x125xi32, #tpu.memory_space<hbm>>
      %dma_wait3A_141 = arith.constant 0 : i32
      %dma_wait3A_142 = arith.constant 0 : i32
      %dma_wait3A_143 = tpu.memref_slice %arg3[%add3A, %dma_wait3A_141, %dma_wait3A_142] : memref<32x80x125xi32, #tpu.memory_space<hbm>> -> memref<1x80x125xi32, #tpu.memory_space<hbm>>
      %dma_wait3A_144 = tpu.memref_squeeze %dma_wait3A_143 : memref<1x80x125xi32, #tpu.memory_space<hbm>> -> memref<80x125xi32, #tpu.memory_space<hbm>>
      tpu.wait_dma2 semaphore(%run_scoped3A : memref<!tpu.dma_semaphore, #tpu.memory_space<semaphore_mem>>) src(%dma_wait3A_144 : memref<80x125xi32, #tpu.memory_space<hbm>>) dst(%arg8 : memref<80x125xi32, #tpu.memory_space<vmem>>)
      tpu.yield
    }) : () -> ()
    %mul3A_1 = arith.constant 640 : i32
    %mul3A_2 = arith.muli %arg1, %mul3A_1 : i32
    %mul3A_3 = arith.constant 640 : i32
    %mul3A_4 = arith.muli %arg1, %mul3A_3 : i32
    "tpu.region"() ({
      %run_scoped3A = tpu.sem_alloc : memref<!tpu.dma_semaphore, #tpu.memory_space<semaphore_mem>>
      %dma_start3A_129 = arith.constant 0 : i32
      %dma_start3A_130 = tpu.memref_slice %arg14[%mul3A_4, %dma_start3A_129] : memref<10240x32xf32, #tpu.memory_space<vmem_shared>> -> memref<640x32xf32, #tpu.memory_space<vmem_shared>>
      %dma_start3A_131 = arith.constant 0 : i32
      %dma_start3A_132 = tpu.memref_slice %arg5[%mul3A_2, %dma_start3A_131] : memref<10240x32xf32, #tpu.memory_space<hbm>> -> memref<640x32xf32, #tpu.memory_space<hbm>>
      tpu.enqueue_dma source(%dma_start3A_132 : memref<640x32xf32, #tpu.memory_space<hbm>>) target(%dma_start3A_130 : memref<640x32xf32, #tpu.memory_space<vmem_shared>>) target_semaphore(%run_scoped3A : memref<!tpu.dma_semaphore, #tpu.memory_space<semaphore_mem>>)
      %dma_wait3A_133 = arith.constant 0 : i32
      %dma_wait3A_134 = tpu.memref_slice %arg14[%mul3A_4, %dma_wait3A_133] : memref<10240x32xf32, #tpu.memory_space<vmem_shared>> -> memref<640x32xf32, #tpu.memory_space<vmem_shared>>
      %dma_wait3A_135 = arith.constant 0 : i32
      %dma_wait3A_136 = tpu.memref_slice %arg5[%mul3A_2, %dma_wait3A_135] : memref<10240x32xf32, #tpu.memory_space<hbm>> -> memref<640x32xf32, #tpu.memory_space<hbm>>
      tpu.wait_dma2 semaphore(%run_scoped3A : memref<!tpu.dma_semaphore, #tpu.memory_space<semaphore_mem>>) src(%dma_wait3A_136 : memref<640x32xf32, #tpu.memory_space<hbm>>) dst(%dma_wait3A_134 : memref<640x32xf32, #tpu.memory_space<vmem_shared>>)
      tpu.yield
    }) : () -> ()
    %mul3A_5 = arith.constant 640 : i32
    %mul3A_6 = arith.muli %arg1, %mul3A_5 : i32
    %mul3A_7 = arith.constant 640 : i32
    %mul3A_8 = arith.muli %arg1, %mul3A_7 : i32
    "tpu.region"() ({
      %run_scoped3A = tpu.sem_alloc : memref<!tpu.dma_semaphore, #tpu.memory_space<semaphore_mem>>
      %dma_start3A_129 = arith.constant 0 : i32
      %dma_start3A_130 = tpu.memref_slice %arg15[%mul3A_8, %dma_start3A_129] : memref<10240x32xf32, #tpu.memory_space<vmem_shared>> -> memref<640x32xf32, #tpu.memory_space<vmem_shared>>
      %dma_start3A_131 = arith.constant 0 : i32
      %dma_start3A_132 = tpu.memref_slice %arg4[%mul3A_6, %dma_start3A_131] : memref<10240x32xf32, #tpu.memory_space<hbm>> -> memref<640x32xf32, #tpu.memory_space<hbm>>
      tpu.enqueue_dma source(%dma_start3A_132 : memref<640x32xf32, #tpu.memory_space<hbm>>) target(%dma_start3A_130 : memref<640x32xf32, #tpu.memory_space<vmem_shared>>) target_semaphore(%run_scoped3A : memref<!tpu.dma_semaphore, #tpu.memory_space<semaphore_mem>>)
      %dma_wait3A_133 = arith.constant 0 : i32
      %dma_wait3A_134 = tpu.memref_slice %arg15[%mul3A_8, %dma_wait3A_133] : memref<10240x32xf32, #tpu.memory_space<vmem_shared>> -> memref<640x32xf32, #tpu.memory_space<vmem_shared>>
      %dma_wait3A_135 = arith.constant 0 : i32
      %dma_wait3A_136 = tpu.memref_slice %arg4[%mul3A_6, %dma_wait3A_135] : memref<10240x32xf32, #tpu.memory_space<hbm>> -> memref<640x32xf32, #tpu.memory_space<hbm>>
      tpu.wait_dma2 semaphore(%run_scoped3A : memref<!tpu.dma_semaphore, #tpu.memory_space<semaphore_mem>>) src(%dma_wait3A_136 : memref<640x32xf32, #tpu.memory_space<hbm>>) dst(%dma_wait3A_134 : memref<640x32xf32, #tpu.memory_space<vmem_shared>>)
      tpu.yield
    }) : () -> ()
    %barrier3A = arith.constant 0 : index
    tpu.barrier barrier_id(%barrier3A)
    %dma_start3A = arith.constant 0 : i32
    %dma_start3A_9 = arith.constant 0 : i32
    %dma_start3A_10 = tpu.memref_slice %arg7[%dma_start3A, %dma_start3A_9] : memref<80x125xi32, #tpu.memory_space<vmem>> -> memref<1x125xi32, #tpu.memory_space<vmem>>
    %dma_start3A_11 = tpu.memref_squeeze %dma_start3A_10 : memref<1x125xi32, #tpu.memory_space<vmem>> -> memref<125xi32, #tpu.memory_space<vmem>>
    %dma_start3A_12 = arith.constant 0 : i32
    %dma_start3A_13 = arith.constant 0 : i32
    %dma_start3A_14 = tpu.memref_slice %arg15[%dma_start3A_12, %dma_start3A_13] : memref<10240x32xf32, #tpu.memory_space<vmem_shared>> -> memref<10240x32xf32, #tpu.memory_space<vmem_shared>>
    tpu.enqueue_indirect_dma source(%dma_start3A_14 : memref<10240x32xf32, #tpu.memory_space<vmem_shared>>) target(%arg9 : memref<125x32xf32, #tpu.memory_space<vmem>>) offsets(%dma_start3A_11 : memref<125xi32, #tpu.memory_space<vmem>>) semaphore(%arg16 : memref<!tpu.dma_semaphore, #tpu.memory_space<semaphore_mem>>)
    %dma_start3A_15 = arith.constant 1 : i32
    %dma_start3A_16 = arith.constant 0 : i32
    %dma_start3A_17 = tpu.memref_slice %arg7[%dma_start3A_15, %dma_start3A_16] : memref<80x125xi32, #tpu.memory_space<vmem>> -> memref<1x125xi32, #tpu.memory_space<vmem>>
    %dma_start3A_18 = tpu.memref_squeeze %dma_start3A_17 : memref<1x125xi32, #tpu.memory_space<vmem>> -> memref<125xi32, #tpu.memory_space<vmem>>
    %dma_start3A_19 = arith.constant 0 : i32
    %dma_start3A_20 = arith.constant 0 : i32
    %dma_start3A_21 = tpu.memref_slice %arg15[%dma_start3A_19, %dma_start3A_20] : memref<10240x32xf32, #tpu.memory_space<vmem_shared>> -> memref<10240x32xf32, #tpu.memory_space<vmem_shared>>
    tpu.enqueue_indirect_dma source(%dma_start3A_21 : memref<10240x32xf32, #tpu.memory_space<vmem_shared>>) target(%arg10 : memref<125x32xf32, #tpu.memory_space<vmem>>) offsets(%dma_start3A_18 : memref<125xi32, #tpu.memory_space<vmem>>) semaphore(%arg17 : memref<!tpu.dma_semaphore, #tpu.memory_space<semaphore_mem>>)
    %dma_start3A_22 = arith.constant 2 : i32
    %dma_start3A_23 = arith.constant 0 : i32
    %dma_start3A_24 = tpu.memref_slice %arg7[%dma_start3A_22, %dma_start3A_23] : memref<80x125xi32, #tpu.memory_space<vmem>> -> memref<1x125xi32, #tpu.memory_space<vmem>>
    %dma_start3A_25 = tpu.memref_squeeze %dma_start3A_24 : memref<1x125xi32, #tpu.memory_space<vmem>> -> memref<125xi32, #tpu.memory_space<vmem>>
    %dma_start3A_26 = arith.constant 0 : i32
    %dma_start3A_27 = arith.constant 0 : i32
    %dma_start3A_28 = tpu.memref_slice %arg15[%dma_start3A_26, %dma_start3A_27] : memref<10240x32xf32, #tpu.memory_space<vmem_shared>> -> memref<10240x32xf32, #tpu.memory_space<vmem_shared>>
    tpu.enqueue_indirect_dma source(%dma_start3A_28 : memref<10240x32xf32, #tpu.memory_space<vmem_shared>>) target(%arg11 : memref<125x32xf32, #tpu.memory_space<vmem>>) offsets(%dma_start3A_25 : memref<125xi32, #tpu.memory_space<vmem>>) semaphore(%arg18 : memref<!tpu.dma_semaphore, #tpu.memory_space<semaphore_mem>>)
    %dma_start3A_29 = arith.constant 3 : i32
    %dma_start3A_30 = arith.constant 0 : i32
    %dma_start3A_31 = tpu.memref_slice %arg7[%dma_start3A_29, %dma_start3A_30] : memref<80x125xi32, #tpu.memory_space<vmem>> -> memref<1x125xi32, #tpu.memory_space<vmem>>
    %dma_start3A_32 = tpu.memref_squeeze %dma_start3A_31 : memref<1x125xi32, #tpu.memory_space<vmem>> -> memref<125xi32, #tpu.memory_space<vmem>>
    %dma_start3A_33 = arith.constant 0 : i32
    %dma_start3A_34 = arith.constant 0 : i32
    %dma_start3A_35 = tpu.memref_slice %arg15[%dma_start3A_33, %dma_start3A_34] : memref<10240x32xf32, #tpu.memory_space<vmem_shared>> -> memref<10240x32xf32, #tpu.memory_space<vmem_shared>>
    tpu.enqueue_indirect_dma source(%dma_start3A_35 : memref<10240x32xf32, #tpu.memory_space<vmem_shared>>) target(%arg12 : memref<125x32xf32, #tpu.memory_space<vmem>>) offsets(%dma_start3A_32 : memref<125xi32, #tpu.memory_space<vmem>>) semaphore(%arg19 : memref<!tpu.dma_semaphore, #tpu.memory_space<semaphore_mem>>)
    %scan3A = arith.constant 0 : i32
    %scan3A_36 = arith.constant 0 : i32
    %scan3A_37 = arith.constant 19 : i32
    %scan3A_38 = arith.addi %scan3A_36, %scan3A_37 : i32
    %scan3A_39 = arith.constant 1 : i32
    scf.for %scan3A_129 = %scan3A_36 to %scan3A_38 step %scan3A_39  : i32 {
      %mul3A_130 = arith.constant 4 : i32
      %mul3A_131 = arith.muli %mul3A_130, %scan3A_129 : i32
      %dma_wait3A_132 = arith.constant 0 : i32
      %dma_wait3A_133 = arith.constant 0 : i32
      %dma_wait3A_134 = tpu.memref_slice %arg7[%dma_wait3A_132, %dma_wait3A_133] : memref<80x125xi32, #tpu.memory_space<vmem>> -> memref<1x125xi32, #tpu.memory_space<vmem>>
      %dma_wait3A_135 = tpu.memref_squeeze %dma_wait3A_134 : memref<1x125xi32, #tpu.memory_space<vmem>> -> memref<125xi32, #tpu.memory_space<vmem>>
      %dma_wait3A_136 = arith.constant 0 : i32
      %dma_wait3A_137 = arith.constant 0 : i32
      %dma_wait3A_138 = tpu.memref_slice %arg15[%dma_wait3A_136, %dma_wait3A_137] : memref<10240x32xf32, #tpu.memory_space<vmem_shared>> -> memref<10240x32xf32, #tpu.memory_space<vmem_shared>>
      tpu.wait_indirect_dma semaphore(%arg16 : memref<!tpu.dma_semaphore, #tpu.memory_space<semaphore_mem>>) src(%dma_wait3A_138 : memref<10240x32xf32, #tpu.memory_space<vmem_shared>>) dst(%arg9 : memref<125x32xf32, #tpu.memory_space<vmem>>)
      %add3A_139 = arith.constant 0 : i32
      %add3A_140 = arith.addi %mul3A_131, %add3A_139 : i32
      %dma_start3A_141 = arith.constant 0 : i32
      %dma_start3A_142 = tpu.memref_slice %arg8[%add3A_140, %dma_start3A_141] : memref<80x125xi32, #tpu.memory_space<vmem>> -> memref<1x125xi32, #tpu.memory_space<vmem>>
      %dma_start3A_143 = tpu.memref_squeeze %dma_start3A_142 : memref<1x125xi32, #tpu.memory_space<vmem>> -> memref<125xi32, #tpu.memory_space<vmem>>
      %dma_start3A_144 = arith.constant 0 : i32
      %dma_start3A_145 = arith.constant 0 : i32
      %dma_start3A_146 = tpu.memref_slice %arg14[%dma_start3A_144, %dma_start3A_145] : memref<10240x32xf32, #tpu.memory_space<vmem_shared>> -> memref<10240x32xf32, #tpu.memory_space<vmem_shared>>
      tpu.enqueue_indirect_dma source(%arg9 : memref<125x32xf32, #tpu.memory_space<vmem>>) target(%dma_start3A_146 : memref<10240x32xf32, #tpu.memory_space<vmem_shared>>) offsets(%dma_start3A_143 : memref<125xi32, #tpu.memory_space<vmem>>) semaphore(%arg20 : memref<!tpu.dma_semaphore, #tpu.memory_space<semaphore_mem>>) {add = true}
      %dma_wait3A_147 = arith.constant 0 : i32
      %dma_wait3A_148 = arith.constant 0 : i32
      %dma_wait3A_149 = tpu.memref_slice %arg7[%dma_wait3A_147, %dma_wait3A_148] : memref<80x125xi32, #tpu.memory_space<vmem>> -> memref<1x125xi32, #tpu.memory_space<vmem>>
      %dma_wait3A_150 = tpu.memref_squeeze %dma_wait3A_149 : memref<1x125xi32, #tpu.memory_space<vmem>> -> memref<125xi32, #tpu.memory_space<vmem>>
      %dma_wait3A_151 = arith.constant 0 : i32
      %dma_wait3A_152 = arith.constant 0 : i32
      %dma_wait3A_153 = tpu.memref_slice %arg15[%dma_wait3A_151, %dma_wait3A_152] : memref<10240x32xf32, #tpu.memory_space<vmem_shared>> -> memref<10240x32xf32, #tpu.memory_space<vmem_shared>>
      tpu.wait_indirect_dma semaphore(%arg17 : memref<!tpu.dma_semaphore, #tpu.memory_space<semaphore_mem>>) src(%dma_wait3A_153 : memref<10240x32xf32, #tpu.memory_space<vmem_shared>>) dst(%arg10 : memref<125x32xf32, #tpu.memory_space<vmem>>)
      %add3A_154 = arith.constant 1 : i32
      %add3A_155 = arith.addi %mul3A_131, %add3A_154 : i32
      %dma_start3A_156 = arith.constant 0 : i32
      %dma_start3A_157 = tpu.memref_slice %arg8[%add3A_155, %dma_start3A_156] : memref<80x125xi32, #tpu.memory_space<vmem>> -> memref<1x125xi32, #tpu.memory_space<vmem>>
      %dma_start3A_158 = tpu.memref_squeeze %dma_start3A_157 : memref<1x125xi32, #tpu.memory_space<vmem>> -> memref<125xi32, #tpu.memory_space<vmem>>
      %dma_start3A_159 = arith.constant 0 : i32
      %dma_start3A_160 = arith.constant 0 : i32
      %dma_start3A_161 = tpu.memref_slice %arg14[%dma_start3A_159, %dma_start3A_160] : memref<10240x32xf32, #tpu.memory_space<vmem_shared>> -> memref<10240x32xf32, #tpu.memory_space<vmem_shared>>
      tpu.enqueue_indirect_dma source(%arg10 : memref<125x32xf32, #tpu.memory_space<vmem>>) target(%dma_start3A_161 : memref<10240x32xf32, #tpu.memory_space<vmem_shared>>) offsets(%dma_start3A_158 : memref<125xi32, #tpu.memory_space<vmem>>) semaphore(%arg21 : memref<!tpu.dma_semaphore, #tpu.memory_space<semaphore_mem>>) {add = true}
      %dma_wait3A_162 = arith.constant 0 : i32
      %dma_wait3A_163 = arith.constant 0 : i32
      %dma_wait3A_164 = tpu.memref_slice %arg7[%dma_wait3A_162, %dma_wait3A_163] : memref<80x125xi32, #tpu.memory_space<vmem>> -> memref<1x125xi32, #tpu.memory_space<vmem>>
      %dma_wait3A_165 = tpu.memref_squeeze %dma_wait3A_164 : memref<1x125xi32, #tpu.memory_space<vmem>> -> memref<125xi32, #tpu.memory_space<vmem>>
      %dma_wait3A_166 = arith.constant 0 : i32
      %dma_wait3A_167 = arith.constant 0 : i32
      %dma_wait3A_168 = tpu.memref_slice %arg15[%dma_wait3A_166, %dma_wait3A_167] : memref<10240x32xf32, #tpu.memory_space<vmem_shared>> -> memref<10240x32xf32, #tpu.memory_space<vmem_shared>>
      tpu.wait_indirect_dma semaphore(%arg18 : memref<!tpu.dma_semaphore, #tpu.memory_space<semaphore_mem>>) src(%dma_wait3A_168 : memref<10240x32xf32, #tpu.memory_space<vmem_shared>>) dst(%arg11 : memref<125x32xf32, #tpu.memory_space<vmem>>)
      %add3A_169 = arith.constant 2 : i32
      %add3A_170 = arith.addi %mul3A_131, %add3A_169 : i32
      %dma_start3A_171 = arith.constant 0 : i32
      %dma_start3A_172 = tpu.memref_slice %arg8[%add3A_170, %dma_start3A_171] : memref<80x125xi32, #tpu.memory_space<vmem>> -> memref<1x125xi32, #tpu.memory_space<vmem>>
      %dma_start3A_173 = tpu.memref_squeeze %dma_start3A_172 : memref<1x125xi32, #tpu.memory_space<vmem>> -> memref<125xi32, #tpu.memory_space<vmem>>
      %dma_start3A_174 = arith.constant 0 : i32
      %dma_start3A_175 = arith.constant 0 : i32
      %dma_start3A_176 = tpu.memref_slice %arg14[%dma_start3A_174, %dma_start3A_175] : memref<10240x32xf32, #tpu.memory_space<vmem_shared>> -> memref<10240x32xf32, #tpu.memory_space<vmem_shared>>
      tpu.enqueue_indirect_dma source(%arg11 : memref<125x32xf32, #tpu.memory_space<vmem>>) target(%dma_start3A_176 : memref<10240x32xf32, #tpu.memory_space<vmem_shared>>) offsets(%dma_start3A_173 : memref<125xi32, #tpu.memory_space<vmem>>) semaphore(%arg22 : memref<!tpu.dma_semaphore, #tpu.memory_space<semaphore_mem>>) {add = true}
      %dma_wait3A_177 = arith.constant 0 : i32
      %dma_wait3A_178 = arith.constant 0 : i32
      %dma_wait3A_179 = tpu.memref_slice %arg7[%dma_wait3A_177, %dma_wait3A_178] : memref<80x125xi32, #tpu.memory_space<vmem>> -> memref<1x125xi32, #tpu.memory_space<vmem>>
      %dma_wait3A_180 = tpu.memref_squeeze %dma_wait3A_179 : memref<1x125xi32, #tpu.memory_space<vmem>> -> memref<125xi32, #tpu.memory_space<vmem>>
      %dma_wait3A_181 = arith.constant 0 : i32
      %dma_wait3A_182 = arith.constant 0 : i32
      %dma_wait3A_183 = tpu.memref_slice %arg15[%dma_wait3A_181, %dma_wait3A_182] : memref<10240x32xf32, #tpu.memory_space<vmem_shared>> -> memref<10240x32xf32, #tpu.memory_space<vmem_shared>>
      tpu.wait_indirect_dma semaphore(%arg19 : memref<!tpu.dma_semaphore, #tpu.memory_space<semaphore_mem>>) src(%dma_wait3A_183 : memref<10240x32xf32, #tpu.memory_space<vmem_shared>>) dst(%arg12 : memref<125x32xf32, #tpu.memory_space<vmem>>)
      %add3A_184 = arith.constant 3 : i32
      %add3A_185 = arith.addi %mul3A_131, %add3A_184 : i32
      %dma_start3A_186 = arith.constant 0 : i32
      %dma_start3A_187 = tpu.memref_slice %arg8[%add3A_185, %dma_start3A_186] : memref<80x125xi32, #tpu.memory_space<vmem>> -> memref<1x125xi32, #tpu.memory_space<vmem>>
      %dma_start3A_188 = tpu.memref_squeeze %dma_start3A_187 : memref<1x125xi32, #tpu.memory_space<vmem>> -> memref<125xi32, #tpu.memory_space<vmem>>
      %dma_start3A_189 = arith.constant 0 : i32
      %dma_start3A_190 = arith.constant 0 : i32
      %dma_start3A_191 = tpu.memref_slice %arg14[%dma_start3A_189, %dma_start3A_190] : memref<10240x32xf32, #tpu.memory_space<vmem_shared>> -> memref<10240x32xf32, #tpu.memory_space<vmem_shared>>
      tpu.enqueue_indirect_dma source(%arg12 : memref<125x32xf32, #tpu.memory_space<vmem>>) target(%dma_start3A_191 : memref<10240x32xf32, #tpu.memory_space<vmem_shared>>) offsets(%dma_start3A_188 : memref<125xi32, #tpu.memory_space<vmem>>) semaphore(%arg23 : memref<!tpu.dma_semaphore, #tpu.memory_space<semaphore_mem>>) {add = true}
      %dma_wait3A_192 = arith.constant 0 : i32
      %dma_wait3A_193 = arith.constant 0 : i32
      %dma_wait3A_194 = tpu.memref_slice %arg8[%dma_wait3A_192, %dma_wait3A_193] : memref<80x125xi32, #tpu.memory_space<vmem>> -> memref<1x125xi32, #tpu.memory_space<vmem>>
      %dma_wait3A_195 = tpu.memref_squeeze %dma_wait3A_194 : memref<1x125xi32, #tpu.memory_space<vmem>> -> memref<125xi32, #tpu.memory_space<vmem>>
      %dma_wait3A_196 = arith.constant 0 : i32
      %dma_wait3A_197 = arith.constant 0 : i32
      %dma_wait3A_198 = tpu.memref_slice %arg14[%dma_wait3A_196, %dma_wait3A_197] : memref<10240x32xf32, #tpu.memory_space<vmem_shared>> -> memref<10240x32xf32, #tpu.memory_space<vmem_shared>>
      tpu.wait_indirect_dma semaphore(%arg20 : memref<!tpu.dma_semaphore, #tpu.memory_space<semaphore_mem>>) src(%arg9 : memref<125x32xf32, #tpu.memory_space<vmem>>) dst(%dma_wait3A_198 : memref<10240x32xf32, #tpu.memory_space<vmem_shared>>)
      %add3A_199 = arith.constant 4 : i32
      %add3A_200 = arith.addi %mul3A_131, %add3A_199 : i32
      %add3A_201 = arith.constant 0 : i32
      %add3A_202 = arith.addi %add3A_200, %add3A_201 : i32
      %dma_start3A_203 = arith.constant 0 : i32
      %dma_start3A_204 = tpu.memref_slice %arg7[%add3A_202, %dma_start3A_203] : memref<80x125xi32, #tpu.memory_space<vmem>> -> memref<1x125xi32, #tpu.memory_space<vmem>>
      %dma_start3A_205 = tpu.memref_squeeze %dma_start3A_204 : memref<1x125xi32, #tpu.memory_space<vmem>> -> memref<125xi32, #tpu.memory_space<vmem>>
      %dma_start3A_206 = arith.constant 0 : i32
      %dma_start3A_207 = arith.constant 0 : i32
      %dma_start3A_208 = tpu.memref_slice %arg15[%dma_start3A_206, %dma_start3A_207] : memref<10240x32xf32, #tpu.memory_space<vmem_shared>> -> memref<10240x32xf32, #tpu.memory_space<vmem_shared>>
      tpu.enqueue_indirect_dma source(%dma_start3A_208 : memref<10240x32xf32, #tpu.memory_space<vmem_shared>>) target(%arg9 : memref<125x32xf32, #tpu.memory_space<vmem>>) offsets(%dma_start3A_205 : memref<125xi32, #tpu.memory_space<vmem>>) semaphore(%arg16 : memref<!tpu.dma_semaphore, #tpu.memory_space<semaphore_mem>>)
      %dma_wait3A_209 = arith.constant 0 : i32
      %dma_wait3A_210 = arith.constant 0 : i32
      %dma_wait3A_211 = tpu.memref_slice %arg8[%dma_wait3A_209, %dma_wait3A_210] : memref<80x125xi32, #tpu.memory_space<vmem>> -> memref<1x125xi32, #tpu.memory_space<vmem>>
      %dma_wait3A_212 = tpu.memref_squeeze %dma_wait3A_211 : memref<1x125xi32, #tpu.memory_space<vmem>> -> memref<125xi32, #tpu.memory_space<vmem>>
      %dma_wait3A_213 = arith.constant 0 : i32
      %dma_wait3A_214 = arith.constant 0 : i32
      %dma_wait3A_215 = tpu.memref_slice %arg14[%dma_wait3A_213, %dma_wait3A_214] : memref<10240x32xf32, #tpu.memory_space<vmem_shared>> -> memref<10240x32xf32, #tpu.memory_space<vmem_shared>>
      tpu.wait_indirect_dma semaphore(%arg21 : memref<!tpu.dma_semaphore, #tpu.memory_space<semaphore_mem>>) src(%arg10 : memref<125x32xf32, #tpu.memory_space<vmem>>) dst(%dma_wait3A_215 : memref<10240x32xf32, #tpu.memory_space<vmem_shared>>)
      %add3A_216 = arith.constant 4 : i32
      %add3A_217 = arith.addi %mul3A_131, %add3A_216 : i32
      %add3A_218 = arith.constant 1 : i32
      %add3A_219 = arith.addi %add3A_217, %add3A_218 : i32
      %dma_start3A_220 = arith.constant 0 : i32
      %dma_start3A_221 = tpu.memref_slice %arg7[%add3A_219, %dma_start3A_220] : memref<80x125xi32, #tpu.memory_space<vmem>> -> memref<1x125xi32, #tpu.memory_space<vmem>>
      %dma_start3A_222 = tpu.memref_squeeze %dma_start3A_221 : memref<1x125xi32, #tpu.memory_space<vmem>> -> memref<125xi32, #tpu.memory_space<vmem>>
      %dma_start3A_223 = arith.constant 0 : i32
      %dma_start3A_224 = arith.constant 0 : i32
      %dma_start3A_225 = tpu.memref_slice %arg15[%dma_start3A_223, %dma_start3A_224] : memref<10240x32xf32, #tpu.memory_space<vmem_shared>> -> memref<10240x32xf32, #tpu.memory_space<vmem_shared>>
      tpu.enqueue_indirect_dma source(%dma_start3A_225 : memref<10240x32xf32, #tpu.memory_space<vmem_shared>>) target(%arg10 : memref<125x32xf32, #tpu.memory_space<vmem>>) offsets(%dma_start3A_222 : memref<125xi32, #tpu.memory_space<vmem>>) semaphore(%arg17 : memref<!tpu.dma_semaphore, #tpu.memory_space<semaphore_mem>>)
      %dma_wait3A_226 = arith.constant 0 : i32
      %dma_wait3A_227 = arith.constant 0 : i32
      %dma_wait3A_228 = tpu.memref_slice %arg8[%dma_wait3A_226, %dma_wait3A_227] : memref<80x125xi32, #tpu.memory_space<vmem>> -> memref<1x125xi32, #tpu.memory_space<vmem>>
      %dma_wait3A_229 = tpu.memref_squeeze %dma_wait3A_228 : memref<1x125xi32, #tpu.memory_space<vmem>> -> memref<125xi32, #tpu.memory_space<vmem>>
      %dma_wait3A_230 = arith.constant 0 : i32
      %dma_wait3A_231 = arith.constant 0 : i32
      %dma_wait3A_232 = tpu.memref_slice %arg14[%dma_wait3A_230, %dma_wait3A_231] : memref<10240x32xf32, #tpu.memory_space<vmem_shared>> -> memref<10240x32xf32, #tpu.memory_space<vmem_shared>>
      tpu.wait_indirect_dma semaphore(%arg22 : memref<!tpu.dma_semaphore, #tpu.memory_space<semaphore_mem>>) src(%arg11 : memref<125x32xf32, #tpu.memory_space<vmem>>) dst(%dma_wait3A_232 : memref<10240x32xf32, #tpu.memory_space<vmem_shared>>)
      %add3A_233 = arith.constant 4 : i32
      %add3A_234 = arith.addi %mul3A_131, %add3A_233 : i32
      %add3A_235 = arith.constant 2 : i32
      %add3A_236 = arith.addi %add3A_234, %add3A_235 : i32
      %dma_start3A_237 = arith.constant 0 : i32
      %dma_start3A_238 = tpu.memref_slice %arg7[%add3A_236, %dma_start3A_237] : memref<80x125xi32, #tpu.memory_space<vmem>> -> memref<1x125xi32, #tpu.memory_space<vmem>>
      %dma_start3A_239 = tpu.memref_squeeze %dma_start3A_238 : memref<1x125xi32, #tpu.memory_space<vmem>> -> memref<125xi32, #tpu.memory_space<vmem>>
      %dma_start3A_240 = arith.constant 0 : i32
      %dma_start3A_241 = arith.constant 0 : i32
      %dma_start3A_242 = tpu.memref_slice %arg15[%dma_start3A_240, %dma_start3A_241] : memref<10240x32xf32, #tpu.memory_space<vmem_shared>> -> memref<10240x32xf32, #tpu.memory_space<vmem_shared>>
      tpu.enqueue_indirect_dma source(%dma_start3A_242 : memref<10240x32xf32, #tpu.memory_space<vmem_shared>>) target(%arg11 : memref<125x32xf32, #tpu.memory_space<vmem>>) offsets(%dma_start3A_239 : memref<125xi32, #tpu.memory_space<vmem>>) semaphore(%arg18 : memref<!tpu.dma_semaphore, #tpu.memory_space<semaphore_mem>>)
      %dma_wait3A_243 = arith.constant 0 : i32
      %dma_wait3A_244 = arith.constant 0 : i32
      %dma_wait3A_245 = tpu.memref_slice %arg8[%dma_wait3A_243, %dma_wait3A_244] : memref<80x125xi32, #tpu.memory_space<vmem>> -> memref<1x125xi32, #tpu.memory_space<vmem>>
      %dma_wait3A_246 = tpu.memref_squeeze %dma_wait3A_245 : memref<1x125xi32, #tpu.memory_space<vmem>> -> memref<125xi32, #tpu.memory_space<vmem>>
      %dma_wait3A_247 = arith.constant 0 : i32
      %dma_wait3A_248 = arith.constant 0 : i32
      %dma_wait3A_249 = tpu.memref_slice %arg14[%dma_wait3A_247, %dma_wait3A_248] : memref<10240x32xf32, #tpu.memory_space<vmem_shared>> -> memref<10240x32xf32, #tpu.memory_space<vmem_shared>>
      tpu.wait_indirect_dma semaphore(%arg23 : memref<!tpu.dma_semaphore, #tpu.memory_space<semaphore_mem>>) src(%arg12 : memref<125x32xf32, #tpu.memory_space<vmem>>) dst(%dma_wait3A_249 : memref<10240x32xf32, #tpu.memory_space<vmem_shared>>)
      %add3A_250 = arith.constant 4 : i32
      %add3A_251 = arith.addi %mul3A_131, %add3A_250 : i32
      %add3A_252 = arith.constant 3 : i32
      %add3A_253 = arith.addi %add3A_251, %add3A_252 : i32
      %dma_start3A_254 = arith.constant 0 : i32
      %dma_start3A_255 = tpu.memref_slice %arg7[%add3A_253, %dma_start3A_254] : memref<80x125xi32, #tpu.memory_space<vmem>> -> memref<1x125xi32, #tpu.memory_space<vmem>>
      %dma_start3A_256 = tpu.memref_squeeze %dma_start3A_255 : memref<1x125xi32, #tpu.memory_space<vmem>> -> memref<125xi32, #tpu.memory_space<vmem>>
      %dma_start3A_257 = arith.constant 0 : i32
      %dma_start3A_258 = arith.constant 0 : i32
      %dma_start3A_259 = tpu.memref_slice %arg15[%dma_start3A_257, %dma_start3A_258] : memref<10240x32xf32, #tpu.memory_space<vmem_shared>> -> memref<10240x32xf32, #tpu.memory_space<vmem_shared>>
      tpu.enqueue_indirect_dma source(%dma_start3A_259 : memref<10240x32xf32, #tpu.memory_space<vmem_shared>>) target(%arg12 : memref<125x32xf32, #tpu.memory_space<vmem>>) offsets(%dma_start3A_256 : memref<125xi32, #tpu.memory_space<vmem>>) semaphore(%arg19 : memref<!tpu.dma_semaphore, #tpu.memory_space<semaphore_mem>>)
    }
    %scan3A_40 = arith.constant 19 : i32
    %dma_wait3A = arith.constant 0 : i32
    %dma_wait3A_41 = arith.constant 0 : i32
    %dma_wait3A_42 = tpu.memref_slice %arg7[%dma_wait3A, %dma_wait3A_41] : memref<80x125xi32, #tpu.memory_space<vmem>> -> memref<1x125xi32, #tpu.memory_space<vmem>>
    %dma_wait3A_43 = tpu.memref_squeeze %dma_wait3A_42 : memref<1x125xi32, #tpu.memory_space<vmem>> -> memref<125xi32, #tpu.memory_space<vmem>>
    %dma_wait3A_44 = arith.constant 0 : i32
    %dma_wait3A_45 = arith.constant 0 : i32
    %dma_wait3A_46 = tpu.memref_slice %arg15[%dma_wait3A_44, %dma_wait3A_45] : memref<10240x32xf32, #tpu.memory_space<vmem_shared>> -> memref<10240x32xf32, #tpu.memory_space<vmem_shared>>
    tpu.wait_indirect_dma semaphore(%arg16 : memref<!tpu.dma_semaphore, #tpu.memory_space<semaphore_mem>>) src(%dma_wait3A_46 : memref<10240x32xf32, #tpu.memory_space<vmem_shared>>) dst(%arg9 : memref<125x32xf32, #tpu.memory_space<vmem>>)
    %dma_start3A_47 = arith.constant 76 : i32
    %dma_start3A_48 = arith.constant 0 : i32
    %dma_start3A_49 = tpu.memref_slice %arg8[%dma_start3A_47, %dma_start3A_48] : memref<80x125xi32, #tpu.memory_space<vmem>> -> memref<1x125xi32, #tpu.memory_space<vmem>>
    %dma_start3A_50 = tpu.memref_squeeze %dma_start3A_49 : memref<1x125xi32, #tpu.memory_space<vmem>> -> memref<125xi32, #tpu.memory_space<vmem>>
    %dma_start3A_51 = arith.constant 0 : i32
    %dma_start3A_52 = arith.constant 0 : i32
    %dma_start3A_53 = tpu.memref_slice %arg14[%dma_start3A_51, %dma_start3A_52] : memref<10240x32xf32, #tpu.memory_space<vmem_shared>> -> memref<10240x32xf32, #tpu.memory_space<vmem_shared>>
    tpu.enqueue_indirect_dma source(%arg9 : memref<125x32xf32, #tpu.memory_space<vmem>>) target(%dma_start3A_53 : memref<10240x32xf32, #tpu.memory_space<vmem_shared>>) offsets(%dma_start3A_50 : memref<125xi32, #tpu.memory_space<vmem>>) semaphore(%arg20 : memref<!tpu.dma_semaphore, #tpu.memory_space<semaphore_mem>>) {add = true}
    %dma_wait3A_54 = arith.constant 0 : i32
    %dma_wait3A_55 = arith.constant 0 : i32
    %dma_wait3A_56 = tpu.memref_slice %arg7[%dma_wait3A_54, %dma_wait3A_55] : memref<80x125xi32, #tpu.memory_space<vmem>> -> memref<1x125xi32, #tpu.memory_space<vmem>>
    %dma_wait3A_57 = tpu.memref_squeeze %dma_wait3A_56 : memref<1x125xi32, #tpu.memory_space<vmem>> -> memref<125xi32, #tpu.memory_space<vmem>>
    %dma_wait3A_58 = arith.constant 0 : i32
    %dma_wait3A_59 = arith.constant 0 : i32
    %dma_wait3A_60 = tpu.memref_slice %arg15[%dma_wait3A_58, %dma_wait3A_59] : memref<10240x32xf32, #tpu.memory_space<vmem_shared>> -> memref<10240x32xf32, #tpu.memory_space<vmem_shared>>
    tpu.wait_indirect_dma semaphore(%arg17 : memref<!tpu.dma_semaphore, #tpu.memory_space<semaphore_mem>>) src(%dma_wait3A_60 : memref<10240x32xf32, #tpu.memory_space<vmem_shared>>) dst(%arg10 : memref<125x32xf32, #tpu.memory_space<vmem>>)
    %dma_start3A_61 = arith.constant 77 : i32
    %dma_start3A_62 = arith.constant 0 : i32
    %dma_start3A_63 = tpu.memref_slice %arg8[%dma_start3A_61, %dma_start3A_62] : memref<80x125xi32, #tpu.memory_space<vmem>> -> memref<1x125xi32, #tpu.memory_space<vmem>>
    %dma_start3A_64 = tpu.memref_squeeze %dma_start3A_63 : memref<1x125xi32, #tpu.memory_space<vmem>> -> memref<125xi32, #tpu.memory_space<vmem>>
    %dma_start3A_65 = arith.constant 0 : i32
    %dma_start3A_66 = arith.constant 0 : i32
    %dma_start3A_67 = tpu.memref_slice %arg14[%dma_start3A_65, %dma_start3A_66] : memref<10240x32xf32, #tpu.memory_space<vmem_shared>> -> memref<10240x32xf32, #tpu.memory_space<vmem_shared>>
    tpu.enqueue_indirect_dma source(%arg10 : memref<125x32xf32, #tpu.memory_space<vmem>>) target(%dma_start3A_67 : memref<10240x32xf32, #tpu.memory_space<vmem_shared>>) offsets(%dma_start3A_64 : memref<125xi32, #tpu.memory_space<vmem>>) semaphore(%arg21 : memref<!tpu.dma_semaphore, #tpu.memory_space<semaphore_mem>>) {add = true}
    %dma_wait3A_68 = arith.constant 0 : i32
    %dma_wait3A_69 = arith.constant 0 : i32
    %dma_wait3A_70 = tpu.memref_slice %arg7[%dma_wait3A_68, %dma_wait3A_69] : memref<80x125xi32, #tpu.memory_space<vmem>> -> memref<1x125xi32, #tpu.memory_space<vmem>>
    %dma_wait3A_71 = tpu.memref_squeeze %dma_wait3A_70 : memref<1x125xi32, #tpu.memory_space<vmem>> -> memref<125xi32, #tpu.memory_space<vmem>>
    %dma_wait3A_72 = arith.constant 0 : i32
    %dma_wait3A_73 = arith.constant 0 : i32
    %dma_wait3A_74 = tpu.memref_slice %arg15[%dma_wait3A_72, %dma_wait3A_73] : memref<10240x32xf32, #tpu.memory_space<vmem_shared>> -> memref<10240x32xf32, #tpu.memory_space<vmem_shared>>
    tpu.wait_indirect_dma semaphore(%arg18 : memref<!tpu.dma_semaphore, #tpu.memory_space<semaphore_mem>>) src(%dma_wait3A_74 : memref<10240x32xf32, #tpu.memory_space<vmem_shared>>) dst(%arg11 : memref<125x32xf32, #tpu.memory_space<vmem>>)
    %dma_start3A_75 = arith.constant 78 : i32
    %dma_start3A_76 = arith.constant 0 : i32
    %dma_start3A_77 = tpu.memref_slice %arg8[%dma_start3A_75, %dma_start3A_76] : memref<80x125xi32, #tpu.memory_space<vmem>> -> memref<1x125xi32, #tpu.memory_space<vmem>>
    %dma_start3A_78 = tpu.memref_squeeze %dma_start3A_77 : memref<1x125xi32, #tpu.memory_space<vmem>> -> memref<125xi32, #tpu.memory_space<vmem>>
    %dma_start3A_79 = arith.constant 0 : i32
    %dma_start3A_80 = arith.constant 0 : i32
    %dma_start3A_81 = tpu.memref_slice %arg14[%dma_start3A_79, %dma_start3A_80] : memref<10240x32xf32, #tpu.memory_space<vmem_shared>> -> memref<10240x32xf32, #tpu.memory_space<vmem_shared>>
    tpu.enqueue_indirect_dma source(%arg11 : memref<125x32xf32, #tpu.memory_space<vmem>>) target(%dma_start3A_81 : memref<10240x32xf32, #tpu.memory_space<vmem_shared>>) offsets(%dma_start3A_78 : memref<125xi32, #tpu.memory_space<vmem>>) semaphore(%arg22 : memref<!tpu.dma_semaphore, #tpu.memory_space<semaphore_mem>>) {add = true}
    %dma_wait3A_82 = arith.constant 0 : i32
    %dma_wait3A_83 = arith.constant 0 : i32
    %dma_wait3A_84 = tpu.memref_slice %arg7[%dma_wait3A_82, %dma_wait3A_83] : memref<80x125xi32, #tpu.memory_space<vmem>> -> memref<1x125xi32, #tpu.memory_space<vmem>>
    %dma_wait3A_85 = tpu.memref_squeeze %dma_wait3A_84 : memref<1x125xi32, #tpu.memory_space<vmem>> -> memref<125xi32, #tpu.memory_space<vmem>>
    %dma_wait3A_86 = arith.constant 0 : i32
    %dma_wait3A_87 = arith.constant 0 : i32
    %dma_wait3A_88 = tpu.memref_slice %arg15[%dma_wait3A_86, %dma_wait3A_87] : memref<10240x32xf32, #tpu.memory_space<vmem_shared>> -> memref<10240x32xf32, #tpu.memory_space<vmem_shared>>
    tpu.wait_indirect_dma semaphore(%arg19 : memref<!tpu.dma_semaphore, #tpu.memory_space<semaphore_mem>>) src(%dma_wait3A_88 : memref<10240x32xf32, #tpu.memory_space<vmem_shared>>) dst(%arg12 : memref<125x32xf32, #tpu.memory_space<vmem>>)
    %dma_start3A_89 = arith.constant 79 : i32
    %dma_start3A_90 = arith.constant 0 : i32
    %dma_start3A_91 = tpu.memref_slice %arg8[%dma_start3A_89, %dma_start3A_90] : memref<80x125xi32, #tpu.memory_space<vmem>> -> memref<1x125xi32, #tpu.memory_space<vmem>>
    %dma_start3A_92 = tpu.memref_squeeze %dma_start3A_91 : memref<1x125xi32, #tpu.memory_space<vmem>> -> memref<125xi32, #tpu.memory_space<vmem>>
    %dma_start3A_93 = arith.constant 0 : i32
    %dma_start3A_94 = arith.constant 0 : i32
    %dma_start3A_95 = tpu.memref_slice %arg14[%dma_start3A_93, %dma_start3A_94] : memref<10240x32xf32, #tpu.memory_space<vmem_shared>> -> memref<10240x32xf32, #tpu.memory_space<vmem_shared>>
    tpu.enqueue_indirect_dma source(%arg12 : memref<125x32xf32, #tpu.memory_space<vmem>>) target(%dma_start3A_95 : memref<10240x32xf32, #tpu.memory_space<vmem_shared>>) offsets(%dma_start3A_92 : memref<125xi32, #tpu.memory_space<vmem>>) semaphore(%arg23 : memref<!tpu.dma_semaphore, #tpu.memory_space<semaphore_mem>>) {add = true}
    %dma_wait3A_96 = arith.constant 0 : i32
    %dma_wait3A_97 = arith.constant 0 : i32
    %dma_wait3A_98 = tpu.memref_slice %arg8[%dma_wait3A_96, %dma_wait3A_97] : memref<80x125xi32, #tpu.memory_space<vmem>> -> memref<1x125xi32, #tpu.memory_space<vmem>>
    %dma_wait3A_99 = tpu.memref_squeeze %dma_wait3A_98 : memref<1x125xi32, #tpu.memory_space<vmem>> -> memref<125xi32, #tpu.memory_space<vmem>>
    %dma_wait3A_100 = arith.constant 0 : i32
    %dma_wait3A_101 = arith.constant 0 : i32
    %dma_wait3A_102 = tpu.memref_slice %arg14[%dma_wait3A_100, %dma_wait3A_101] : memref<10240x32xf32, #tpu.memory_space<vmem_shared>> -> memref<10240x32xf32, #tpu.memory_space<vmem_shared>>
    tpu.wait_indirect_dma semaphore(%arg20 : memref<!tpu.dma_semaphore, #tpu.memory_space<semaphore_mem>>) src(%arg9 : memref<125x32xf32, #tpu.memory_space<vmem>>) dst(%dma_wait3A_102 : memref<10240x32xf32, #tpu.memory_space<vmem_shared>>)
    %dma_wait3A_103 = arith.constant 0 : i32
    %dma_wait3A_104 = arith.constant 0 : i32
    %dma_wait3A_105 = tpu.memref_slice %arg8[%dma_wait3A_103, %dma_wait3A_104] : memref<80x125xi32, #tpu.memory_space<vmem>> -> memref<1x125xi32, #tpu.memory_space<vmem>>
    %dma_wait3A_106 = tpu.memref_squeeze %dma_wait3A_105 : memref<1x125xi32, #tpu.memory_space<vmem>> -> memref<125xi32, #tpu.memory_space<vmem>>
    %dma_wait3A_107 = arith.constant 0 : i32
    %dma_wait3A_108 = arith.constant 0 : i32
    %dma_wait3A_109 = tpu.memref_slice %arg14[%dma_wait3A_107, %dma_wait3A_108] : memref<10240x32xf32, #tpu.memory_space<vmem_shared>> -> memref<10240x32xf32, #tpu.memory_space<vmem_shared>>
    tpu.wait_indirect_dma semaphore(%arg21 : memref<!tpu.dma_semaphore, #tpu.memory_space<semaphore_mem>>) src(%arg10 : memref<125x32xf32, #tpu.memory_space<vmem>>) dst(%dma_wait3A_109 : memref<10240x32xf32, #tpu.memory_space<vmem_shared>>)
    %dma_wait3A_110 = arith.constant 0 : i32
    %dma_wait3A_111 = arith.constant 0 : i32
    %dma_wait3A_112 = tpu.memref_slice %arg8[%dma_wait3A_110, %dma_wait3A_111] : memref<80x125xi32, #tpu.memory_space<vmem>> -> memref<1x125xi32, #tpu.memory_space<vmem>>
    %dma_wait3A_113 = tpu.memref_squeeze %dma_wait3A_112 : memref<1x125xi32, #tpu.memory_space<vmem>> -> memref<125xi32, #tpu.memory_space<vmem>>
    %dma_wait3A_114 = arith.constant 0 : i32
    %dma_wait3A_115 = arith.constant 0 : i32
    %dma_wait3A_116 = tpu.memref_slice %arg14[%dma_wait3A_114, %dma_wait3A_115] : memref<10240x32xf32, #tpu.memory_space<vmem_shared>> -> memref<10240x32xf32, #tpu.memory_space<vmem_shared>>
    tpu.wait_indirect_dma semaphore(%arg22 : memref<!tpu.dma_semaphore, #tpu.memory_space<semaphore_mem>>) src(%arg11 : memref<125x32xf32, #tpu.memory_space<vmem>>) dst(%dma_wait3A_116 : memref<10240x32xf32, #tpu.memory_space<vmem_shared>>)
    %dma_wait3A_117 = arith.constant 0 : i32
    %dma_wait3A_118 = arith.constant 0 : i32
    %dma_wait3A_119 = tpu.memref_slice %arg8[%dma_wait3A_117, %dma_wait3A_118] : memref<80x125xi32, #tpu.memory_space<vmem>> -> memref<1x125xi32, #tpu.memory_space<vmem>>
    %dma_wait3A_120 = tpu.memref_squeeze %dma_wait3A_119 : memref<1x125xi32, #tpu.memory_space<vmem>> -> memref<125xi32, #tpu.memory_space<vmem>>
    %dma_wait3A_121 = arith.constant 0 : i32
    %dma_wait3A_122 = arith.constant 0 : i32
    %dma_wait3A_123 = tpu.memref_slice %arg14[%dma_wait3A_121, %dma_wait3A_122] : memref<10240x32xf32, #tpu.memory_space<vmem_shared>> -> memref<10240x32xf32, #tpu.memory_space<vmem_shared>>
    tpu.wait_indirect_dma semaphore(%arg23 : memref<!tpu.dma_semaphore, #tpu.memory_space<semaphore_mem>>) src(%arg12 : memref<125x32xf32, #tpu.memory_space<vmem>>) dst(%dma_wait3A_123 : memref<10240x32xf32, #tpu.memory_space<vmem_shared>>)
    %barrier3A_124 = arith.constant 0 : index
    tpu.barrier barrier_id(%barrier3A_124)
    %mul3A_125 = arith.constant 640 : i32
    %mul3A_126 = arith.muli %arg1, %mul3A_125 : i32
    "tpu.region"() ({
      %run_scoped3A = tpu.sem_alloc : memref<!tpu.dma_semaphore, #tpu.memory_space<semaphore_mem>>
      %dma_start3A_129 = arith.constant 0 : i32
      %dma_start3A_130 = tpu.memref_slice %arg14[%mul3A_126, %dma_start3A_129] : memref<10240x32xf32, #tpu.memory_space<vmem_shared>> -> memref<640x32xf32, #tpu.memory_space<vmem_shared>>
      %dma_start3A_131 = arith.constant 0 : i32
      %dma_start3A_132 = tpu.memref_slice %arg14[%mul3A_126, %dma_start3A_131] : memref<10240x32xf32, #tpu.memory_space<vmem_shared>> -> memref<640x32xf32, #tpu.memory_space<vmem_shared>>
      tpu.enqueue_dma source(%dma_start3A_132 : memref<640x32xf32, #tpu.memory_space<vmem_shared>>) target(%arg13 : memref<640x32xf32, #tpu.memory_space<vmem>>) target_semaphore(%run_scoped3A : memref<!tpu.dma_semaphore, #tpu.memory_space<semaphore_mem>>)
      %dma_wait3A_133 = arith.constant 0 : i32
      %dma_wait3A_134 = tpu.memref_slice %arg14[%mul3A_126, %dma_wait3A_133] : memref<10240x32xf32, #tpu.memory_space<vmem_shared>> -> memref<640x32xf32, #tpu.memory_space<vmem_shared>>
      %dma_wait3A_135 = arith.constant 0 : i32
      %dma_wait3A_136 = tpu.memref_slice %arg14[%mul3A_126, %dma_wait3A_135] : memref<10240x32xf32, #tpu.memory_space<vmem_shared>> -> memref<640x32xf32, #tpu.memory_space<vmem_shared>>
      tpu.wait_dma2 semaphore(%run_scoped3A : memref<!tpu.dma_semaphore, #tpu.memory_space<semaphore_mem>>) src(%dma_wait3A_136 : memref<640x32xf32, #tpu.memory_space<vmem_shared>>) dst(%arg13 : memref<640x32xf32, #tpu.memory_space<vmem>>)
      tpu.yield
    }) : () -> ()
    %mul3A_127 = arith.constant 640 : i32
    %mul3A_128 = arith.muli %arg1, %mul3A_127 : i32
    "tpu.region"() ({
      %run_scoped3A = tpu.sem_alloc : memref<!tpu.dma_semaphore, #tpu.memory_space<semaphore_mem>>
      %dma_start3A_129 = arith.constant 0 : i32
      %dma_start3A_130 = tpu.memref_slice %arg6[%arg0, %mul3A_128, %dma_start3A_129] : memref<2x10240x32xf32, #tpu.memory_space<hbm>> -> memref<1x640x32xf32, #tpu.memory_space<hbm>>
      %dma_start3A_131 = tpu.memref_squeeze %dma_start3A_130 : memref<1x640x32xf32, #tpu.memory_space<hbm>> -> memref<640x32xf32, #tpu.memory_space<hbm>>
      %dma_start3A_132 = arith.constant 0 : i32
      %dma_start3A_133 = tpu.memref_slice %arg6[%arg0, %mul3A_128, %dma_start3A_132] : memref<2x10240x32xf32, #tpu.memory_space<hbm>> -> memref<1x640x32xf32, #tpu.memory_space<hbm>>
      %dma_start3A_134 = tpu.memref_squeeze %dma_start3A_133 : memref<1x640x32xf32, #tpu.memory_space<hbm>> -> memref<640x32xf32, #tpu.memory_space<hbm>>
      tpu.enqueue_dma source(%arg13 : memref<640x32xf32, #tpu.memory_space<vmem>>) target(%dma_start3A_134 : memref<640x32xf32, #tpu.memory_space<hbm>>) target_semaphore(%run_scoped3A : memref<!tpu.dma_semaphore, #tpu.memory_space<semaphore_mem>>)
      %dma_wait3A_135 = arith.constant 0 : i32
      %dma_wait3A_136 = tpu.memref_slice %arg6[%arg0, %mul3A_128, %dma_wait3A_135] : memref<2x10240x32xf32, #tpu.memory_space<hbm>> -> memref<1x640x32xf32, #tpu.memory_space<hbm>>
      %dma_wait3A_137 = tpu.memref_squeeze %dma_wait3A_136 : memref<1x640x32xf32, #tpu.memory_space<hbm>> -> memref<640x32xf32, #tpu.memory_space<hbm>>
      %dma_wait3A_138 = arith.constant 0 : i32
      %dma_wait3A_139 = tpu.memref_slice %arg6[%arg0, %mul3A_128, %dma_wait3A_138] : memref<2x10240x32xf32, #tpu.memory_space<hbm>> -> memref<1x640x32xf32, #tpu.memory_space<hbm>>
      %dma_wait3A_140 = tpu.memref_squeeze %dma_wait3A_139 : memref<1x640x32xf32, #tpu.memory_space<hbm>> -> memref<640x32xf32, #tpu.memory_space<hbm>>
      tpu.wait_dma2 semaphore(%run_scoped3A : memref<!tpu.dma_semaphore, #tpu.memory_space<semaphore_mem>>) src(%arg13 : memref<640x32xf32, #tpu.memory_space<vmem>>) dst(%dma_wait3A_140 : memref<640x32xf32, #tpu.memory_space<hbm>>)
      tpu.yield
    }) : () -> ()
    return
  }
}

#map = affine_map<(d0, d1) -> (0, 0, 0)>
#map1 = affine_map<(d0, d1) -> (0)>
#map2 = affine_map<(d0, d1) -> (0, 0)>
module attributes {stable_mosaic.version = 14 : i64} {
  func.func @_sc_deg(%arg0: i32, %arg1: i32, %arg2: memref<32x80x125xi32, #tpu.memory_space<hbm>>, %arg3: memref<10240xf32, #tpu.memory_space<hbm>>, %arg4: memref<2x10240xf32, #tpu.memory_space<hbm>>, %arg5: memref<80x125xi32, #tpu.memory_space<vmem>>, %arg6: memref<128xf32, #tpu.memory_space<vmem>>, %arg7: memref<640xf32, #tpu.memory_space<vmem>>, %arg8: memref<10240xf32, #tpu.memory_space<vmem_shared>>, %arg9: memref<!tpu.dma_semaphore, #tpu.memory_space<semaphore_mem>>) attributes {dimension_semantics = [#tpu.dimension_semantics<core_parallel>, #tpu.dimension_semantics<subcore_parallel>], iteration_bounds = array<i64: 2, 16>, scalar_prefetch = 0 : i64, scratch_operands = 5 : i64, tpu.core_type = #tpu.core_type<sc_vector_subcore>, window_params = [{transform_indices = #map}, {transform_indices = #map1}, {transform_indices = #map2}]} {
    %mul3A = arith.constant 16 : i32
    %mul3A_0 = arith.muli %arg0, %mul3A : i32
    %add3A = arith.addi %mul3A_0, %arg1 : i32
    "tpu.region"() ({
      %run_scoped3A = tpu.sem_alloc : memref<!tpu.dma_semaphore, #tpu.memory_space<semaphore_mem>>
      %dma_start3A = arith.constant 0 : i32
      %dma_start3A_67 = arith.constant 0 : i32
      %dma_start3A_68 = tpu.memref_slice %arg2[%add3A, %dma_start3A, %dma_start3A_67] : memref<32x80x125xi32, #tpu.memory_space<hbm>> -> memref<1x80x125xi32, #tpu.memory_space<hbm>>
      %dma_start3A_69 = tpu.memref_squeeze %dma_start3A_68 : memref<1x80x125xi32, #tpu.memory_space<hbm>> -> memref<80x125xi32, #tpu.memory_space<hbm>>
      %dma_start3A_70 = arith.constant 0 : i32
      %dma_start3A_71 = arith.constant 0 : i32
      %dma_start3A_72 = tpu.memref_slice %arg2[%add3A, %dma_start3A_70, %dma_start3A_71] : memref<32x80x125xi32, #tpu.memory_space<hbm>> -> memref<1x80x125xi32, #tpu.memory_space<hbm>>
      %dma_start3A_73 = tpu.memref_squeeze %dma_start3A_72 : memref<1x80x125xi32, #tpu.memory_space<hbm>> -> memref<80x125xi32, #tpu.memory_space<hbm>>
      tpu.enqueue_dma source(%dma_start3A_73 : memref<80x125xi32, #tpu.memory_space<hbm>>) target(%arg5 : memref<80x125xi32, #tpu.memory_space<vmem>>) target_semaphore(%run_scoped3A : memref<!tpu.dma_semaphore, #tpu.memory_space<semaphore_mem>>)
      %dma_wait3A = arith.constant 0 : i32
      %dma_wait3A_74 = arith.constant 0 : i32
      %dma_wait3A_75 = tpu.memref_slice %arg2[%add3A, %dma_wait3A, %dma_wait3A_74] : memref<32x80x125xi32, #tpu.memory_space<hbm>> -> memref<1x80x125xi32, #tpu.memory_space<hbm>>
      %dma_wait3A_76 = tpu.memref_squeeze %dma_wait3A_75 : memref<1x80x125xi32, #tpu.memory_space<hbm>> -> memref<80x125xi32, #tpu.memory_space<hbm>>
      %dma_wait3A_77 = arith.constant 0 : i32
      %dma_wait3A_78 = arith.constant 0 : i32
      %dma_wait3A_79 = tpu.memref_slice %arg2[%add3A, %dma_wait3A_77, %dma_wait3A_78] : memref<32x80x125xi32, #tpu.memory_space<hbm>> -> memref<1x80x125xi32, #tpu.memory_space<hbm>>
      %dma_wait3A_80 = tpu.memref_squeeze %dma_wait3A_79 : memref<1x80x125xi32, #tpu.memory_space<hbm>> -> memref<80x125xi32, #tpu.memory_space<hbm>>
      tpu.wait_dma2 semaphore(%run_scoped3A : memref<!tpu.dma_semaphore, #tpu.memory_space<semaphore_mem>>) src(%dma_wait3A_80 : memref<80x125xi32, #tpu.memory_space<hbm>>) dst(%arg5 : memref<80x125xi32, #tpu.memory_space<vmem>>)
      tpu.yield
    }) : () -> ()
    %broadcast_in_dim3A = arith.constant 1.000000e+00 : f32
    %broadcast_in_dim3A_1 = vector.broadcast %broadcast_in_dim3A : f32 to vector<16xf32>
    %swap3A = arith.constant 0 : index
    %swap3A_2 = tpu.vector_load %arg6[%swap3A] {strides = array<i32>} : memref<128xf32, #tpu.memory_space<vmem>>, vector<16xf32>,
    %swap3A_3 = vector.shape_cast %swap3A_2 : vector<16xf32> to vector<16xf32>
    %swap3A_4 = vector.shape_cast %broadcast_in_dim3A_1 : vector<16xf32> to vector<16xf32>
    tpu.vector_store %arg6[%swap3A], %swap3A_4 {strides = array<i32>} : memref<128xf32, #tpu.memory_space<vmem>>, vector<16xf32>,
    %broadcast_in_dim3A_5 = arith.constant 1.000000e+00 : f32
    %broadcast_in_dim3A_6 = vector.broadcast %broadcast_in_dim3A_5 : f32 to vector<16xf32>
    %swap3A_7 = arith.constant 16 : index
    %swap3A_8 = tpu.vector_load %arg6[%swap3A_7] {strides = array<i32>} : memref<128xf32, #tpu.memory_space<vmem>>, vector<16xf32>,
    %swap3A_9 = vector.shape_cast %swap3A_8 : vector<16xf32> to vector<16xf32>
    %swap3A_10 = vector.shape_cast %broadcast_in_dim3A_6 : vector<16xf32> to vector<16xf32>
    tpu.vector_store %arg6[%swap3A_7], %swap3A_10 {strides = array<i32>} : memref<128xf32, #tpu.memory_space<vmem>>, vector<16xf32>,
    %broadcast_in_dim3A_11 = arith.constant 1.000000e+00 : f32
    %broadcast_in_dim3A_12 = vector.broadcast %broadcast_in_dim3A_11 : f32 to vector<16xf32>
    %swap3A_13 = arith.constant 32 : index
    %swap3A_14 = tpu.vector_load %arg6[%swap3A_13] {strides = array<i32>} : memref<128xf32, #tpu.memory_space<vmem>>, vector<16xf32>,
    %swap3A_15 = vector.shape_cast %swap3A_14 : vector<16xf32> to vector<16xf32>
    %swap3A_16 = vector.shape_cast %broadcast_in_dim3A_12 : vector<16xf32> to vector<16xf32>
    tpu.vector_store %arg6[%swap3A_13], %swap3A_16 {strides = array<i32>} : memref<128xf32, #tpu.memory_space<vmem>>, vector<16xf32>,
    %broadcast_in_dim3A_17 = arith.constant 1.000000e+00 : f32
    %broadcast_in_dim3A_18 = vector.broadcast %broadcast_in_dim3A_17 : f32 to vector<16xf32>
    %swap3A_19 = arith.constant 48 : index
    %swap3A_20 = tpu.vector_load %arg6[%swap3A_19] {strides = array<i32>} : memref<128xf32, #tpu.memory_space<vmem>>, vector<16xf32>,
    %swap3A_21 = vector.shape_cast %swap3A_20 : vector<16xf32> to vector<16xf32>
    %swap3A_22 = vector.shape_cast %broadcast_in_dim3A_18 : vector<16xf32> to vector<16xf32>
    tpu.vector_store %arg6[%swap3A_19], %swap3A_22 {strides = array<i32>} : memref<128xf32, #tpu.memory_space<vmem>>, vector<16xf32>,
    %broadcast_in_dim3A_23 = arith.constant 1.000000e+00 : f32
    %broadcast_in_dim3A_24 = vector.broadcast %broadcast_in_dim3A_23 : f32 to vector<16xf32>
    %swap3A_25 = arith.constant 64 : index
    %swap3A_26 = tpu.vector_load %arg6[%swap3A_25] {strides = array<i32>} : memref<128xf32, #tpu.memory_space<vmem>>, vector<16xf32>,
    %swap3A_27 = vector.shape_cast %swap3A_26 : vector<16xf32> to vector<16xf32>
    %swap3A_28 = vector.shape_cast %broadcast_in_dim3A_24 : vector<16xf32> to vector<16xf32>
    tpu.vector_store %arg6[%swap3A_25], %swap3A_28 {strides = array<i32>} : memref<128xf32, #tpu.memory_space<vmem>>, vector<16xf32>,
    %broadcast_in_dim3A_29 = arith.constant 1.000000e+00 : f32
    %broadcast_in_dim3A_30 = vector.broadcast %broadcast_in_dim3A_29 : f32 to vector<16xf32>
    %swap3A_31 = arith.constant 80 : index
    %swap3A_32 = tpu.vector_load %arg6[%swap3A_31] {strides = array<i32>} : memref<128xf32, #tpu.memory_space<vmem>>, vector<16xf32>,
    %swap3A_33 = vector.shape_cast %swap3A_32 : vector<16xf32> to vector<16xf32>
    %swap3A_34 = vector.shape_cast %broadcast_in_dim3A_30 : vector<16xf32> to vector<16xf32>
    tpu.vector_store %arg6[%swap3A_31], %swap3A_34 {strides = array<i32>} : memref<128xf32, #tpu.memory_space<vmem>>, vector<16xf32>,
    %broadcast_in_dim3A_35 = arith.constant 1.000000e+00 : f32
    %broadcast_in_dim3A_36 = vector.broadcast %broadcast_in_dim3A_35 : f32 to vector<16xf32>
    %swap3A_37 = arith.constant 96 : index
    %swap3A_38 = tpu.vector_load %arg6[%swap3A_37] {strides = array<i32>} : memref<128xf32, #tpu.memory_space<vmem>>, vector<16xf32>,
    %swap3A_39 = vector.shape_cast %swap3A_38 : vector<16xf32> to vector<16xf32>
    %swap3A_40 = vector.shape_cast %broadcast_in_dim3A_36 : vector<16xf32> to vector<16xf32>
    tpu.vector_store %arg6[%swap3A_37], %swap3A_40 {strides = array<i32>} : memref<128xf32, #tpu.memory_space<vmem>>, vector<16xf32>,
    %broadcast_in_dim3A_41 = arith.constant 1.000000e+00 : f32
    %broadcast_in_dim3A_42 = vector.broadcast %broadcast_in_dim3A_41 : f32 to vector<16xf32>
    %swap3A_43 = arith.constant 112 : index
    %swap3A_44 = tpu.vector_load %arg6[%swap3A_43] {strides = array<i32>} : memref<128xf32, #tpu.memory_space<vmem>>, vector<16xf32>,
    %swap3A_45 = vector.shape_cast %swap3A_44 : vector<16xf32> to vector<16xf32>
    %swap3A_46 = vector.shape_cast %broadcast_in_dim3A_42 : vector<16xf32> to vector<16xf32>
    tpu.vector_store %arg6[%swap3A_43], %swap3A_46 {strides = array<i32>} : memref<128xf32, #tpu.memory_space<vmem>>, vector<16xf32>,
    %mul3A_47 = arith.constant 640 : i32
    %mul3A_48 = arith.muli %arg1, %mul3A_47 : i32
    %mul3A_49 = arith.constant 640 : i32
    %mul3A_50 = arith.muli %arg1, %mul3A_49 : i32
    "tpu.region"() ({
      %run_scoped3A = tpu.sem_alloc : memref<!tpu.dma_semaphore, #tpu.memory_space<semaphore_mem>>
      %dma_start3A = tpu.memref_slice %arg8[%mul3A_50] : memref<10240xf32, #tpu.memory_space<vmem_shared>> -> memref<640xf32, #tpu.memory_space<vmem_shared>>
      %dma_start3A_67 = tpu.memref_slice %arg3[%mul3A_48] : memref<10240xf32, #tpu.memory_space<hbm>> -> memref<640xf32, #tpu.memory_space<hbm>>
      tpu.enqueue_dma source(%dma_start3A_67 : memref<640xf32, #tpu.memory_space<hbm>>) target(%dma_start3A : memref<640xf32, #tpu.memory_space<vmem_shared>>) target_semaphore(%run_scoped3A : memref<!tpu.dma_semaphore, #tpu.memory_space<semaphore_mem>>)
      %dma_wait3A = tpu.memref_slice %arg8[%mul3A_50] : memref<10240xf32, #tpu.memory_space<vmem_shared>> -> memref<640xf32, #tpu.memory_space<vmem_shared>>
      %dma_wait3A_68 = tpu.memref_slice %arg3[%mul3A_48] : memref<10240xf32, #tpu.memory_space<hbm>> -> memref<640xf32, #tpu.memory_space<hbm>>
      tpu.wait_dma2 semaphore(%run_scoped3A : memref<!tpu.dma_semaphore, #tpu.memory_space<semaphore_mem>>) src(%dma_wait3A_68 : memref<640xf32, #tpu.memory_space<hbm>>) dst(%dma_wait3A : memref<640xf32, #tpu.memory_space<vmem_shared>>)
      tpu.yield
    }) : () -> ()
    %barrier3A = arith.constant 0 : index
    tpu.barrier barrier_id(%barrier3A)
    %scan3A = arith.constant 0 : i32
    %scan3A_51 = arith.constant 0 : i32
    %scan3A_52 = arith.constant 80 : i32
    %scan3A_53 = arith.addi %scan3A_51, %scan3A_52 : i32
    %scan3A_54 = arith.constant 1 : i32
    scf.for %scan3A_67 = %scan3A_51 to %scan3A_53 step %scan3A_54  : i32 {
      %dma_start3A = arith.constant 0 : i32
      %dma_start3A_68 = tpu.memref_slice %arg6[%dma_start3A] : memref<128xf32, #tpu.memory_space<vmem>> -> memref<125xf32, #tpu.memory_space<vmem>>
      %dma_start3A_69 = arith.constant 0 : i32
      %dma_start3A_70 = tpu.memref_slice %arg5[%scan3A_67, %dma_start3A_69] : memref<80x125xi32, #tpu.memory_space<vmem>> -> memref<1x125xi32, #tpu.memory_space<vmem>>
      %dma_start3A_71 = tpu.memref_squeeze %dma_start3A_70 : memref<1x125xi32, #tpu.memory_space<vmem>> -> memref<125xi32, #tpu.memory_space<vmem>>
      %dma_start3A_72 = arith.constant 0 : i32
      %dma_start3A_73 = tpu.memref_slice %arg8[%dma_start3A_72] : memref<10240xf32, #tpu.memory_space<vmem_shared>> -> memref<10240xf32, #tpu.memory_space<vmem_shared>>
      tpu.enqueue_indirect_dma source(%dma_start3A_68 : memref<125xf32, #tpu.memory_space<vmem>>) target(%dma_start3A_73 : memref<10240xf32, #tpu.memory_space<vmem_shared>>) offsets(%dma_start3A_71 : memref<125xi32, #tpu.memory_space<vmem>>) semaphore(%arg9 : memref<!tpu.dma_semaphore, #tpu.memory_space<semaphore_mem>>) {add = true}
    }
    %scan3A_55 = arith.constant 80 : i32
    %scan3A_56 = arith.constant 0 : i32
    %scan3A_57 = arith.constant 0 : i32
    %scan3A_58 = arith.constant 80 : i32
    %scan3A_59 = arith.addi %scan3A_57, %scan3A_58 : i32
    %scan3A_60 = arith.constant 1 : i32
    scf.for %scan3A_67 = %scan3A_57 to %scan3A_59 step %scan3A_60  : i32 {
      %dma_wait3A = arith.constant 0 : i32
      %dma_wait3A_68 = arith.constant 0 : i32
      %dma_wait3A_69 = tpu.memref_slice %arg6[%dma_wait3A_68] : memref<128xf32, #tpu.memory_space<vmem>> -> memref<125xf32, #tpu.memory_space<vmem>>
      %dma_wait3A_70 = arith.constant 0 : i32
      %dma_wait3A_71 = tpu.memref_slice %arg5[%dma_wait3A, %dma_wait3A_70] : memref<80x125xi32, #tpu.memory_space<vmem>> -> memref<1x125xi32, #tpu.memory_space<vmem>>
      %dma_wait3A_72 = tpu.memref_squeeze %dma_wait3A_71 : memref<1x125xi32, #tpu.memory_space<vmem>> -> memref<125xi32, #tpu.memory_space<vmem>>
      %dma_wait3A_73 = arith.constant 0 : i32
      %dma_wait3A_74 = tpu.memref_slice %arg8[%dma_wait3A_73] : memref<10240xf32, #tpu.memory_space<vmem_shared>> -> memref<10240xf32, #tpu.memory_space<vmem_shared>>
      tpu.wait_indirect_dma semaphore(%arg9 : memref<!tpu.dma_semaphore, #tpu.memory_space<semaphore_mem>>) src(%dma_wait3A_69 : memref<125xf32, #tpu.memory_space<vmem>>) dst(%dma_wait3A_74 : memref<10240xf32, #tpu.memory_space<vmem_shared>>)
    }
    %scan3A_61 = arith.constant 80 : i32
    %barrier3A_62 = arith.constant 0 : index
    tpu.barrier barrier_id(%barrier3A_62)
    %mul3A_63 = arith.constant 640 : i32
    %mul3A_64 = arith.muli %arg1, %mul3A_63 : i32
    "tpu.region"() ({
      %run_scoped3A = tpu.sem_alloc : memref<!tpu.dma_semaphore, #tpu.memory_space<semaphore_mem>>
      %dma_start3A = tpu.memref_slice %arg8[%mul3A_64] : memref<10240xf32, #tpu.memory_space<vmem_shared>> -> memref<640xf32, #tpu.memory_space<vmem_shared>>
      %dma_start3A_67 = tpu.memref_slice %arg8[%mul3A_64] : memref<10240xf32, #tpu.memory_space<vmem_shared>> -> memref<640xf32, #tpu.memory_space<vmem_shared>>
      tpu.enqueue_dma source(%dma_start3A_67 : memref<640xf32, #tpu.memory_space<vmem_shared>>) target(%arg7 : memref<640xf32, #tpu.memory_space<vmem>>) target_semaphore(%run_scoped3A : memref<!tpu.dma_semaphore, #tpu.memory_space<semaphore_mem>>)
      %dma_wait3A = tpu.memref_slice %arg8[%mul3A_64] : memref<10240xf32, #tpu.memory_space<vmem_shared>> -> memref<640xf32, #tpu.memory_space<vmem_shared>>
      %dma_wait3A_68 = tpu.memref_slice %arg8[%mul3A_64] : memref<10240xf32, #tpu.memory_space<vmem_shared>> -> memref<640xf32, #tpu.memory_space<vmem_shared>>
      tpu.wait_dma2 semaphore(%run_scoped3A : memref<!tpu.dma_semaphore, #tpu.memory_space<semaphore_mem>>) src(%dma_wait3A_68 : memref<640xf32, #tpu.memory_space<vmem_shared>>) dst(%arg7 : memref<640xf32, #tpu.memory_space<vmem>>)
      tpu.yield
    }) : () -> ()
    %mul3A_65 = arith.constant 640 : i32
    %mul3A_66 = arith.muli %arg1, %mul3A_65 : i32
    "tpu.region"() ({
      %run_scoped3A = tpu.sem_alloc : memref<!tpu.dma_semaphore, #tpu.memory_space<semaphore_mem>>
      %dma_start3A = tpu.memref_slice %arg4[%arg0, %mul3A_66] : memref<2x10240xf32, #tpu.memory_space<hbm>> -> memref<1x640xf32, #tpu.memory_space<hbm>>
      %dma_start3A_67 = tpu.memref_squeeze %dma_start3A : memref<1x640xf32, #tpu.memory_space<hbm>> -> memref<640xf32, #tpu.memory_space<hbm>>
      %dma_start3A_68 = tpu.memref_slice %arg4[%arg0, %mul3A_66] : memref<2x10240xf32, #tpu.memory_space<hbm>> -> memref<1x640xf32, #tpu.memory_space<hbm>>
      %dma_start3A_69 = tpu.memref_squeeze %dma_start3A_68 : memref<1x640xf32, #tpu.memory_space<hbm>> -> memref<640xf32, #tpu.memory_space<hbm>>
      tpu.enqueue_dma source(%arg7 : memref<640xf32, #tpu.memory_space<vmem>>) target(%dma_start3A_69 : memref<640xf32, #tpu.memory_space<hbm>>) target_semaphore(%run_scoped3A : memref<!tpu.dma_semaphore, #tpu.memory_space<semaphore_mem>>)
      %dma_wait3A = tpu.memref_slice %arg4[%arg0, %mul3A_66] : memref<2x10240xf32, #tpu.memory_space<hbm>> -> memref<1x640xf32, #tpu.memory_space<hbm>>
      %dma_wait3A_70 = tpu.memref_squeeze %dma_wait3A : memref<1x640xf32, #tpu.memory_space<hbm>> -> memref<640xf32, #tpu.memory_space<hbm>>
      %dma_wait3A_71 = tpu.memref_slice %arg4[%arg0, %mul3A_66] : memref<2x10240xf32, #tpu.memory_space<hbm>> -> memref<1x640xf32, #tpu.memory_space<hbm>>
      %dma_wait3A_72 = tpu.memref_squeeze %dma_wait3A_71 : memref<1x640xf32, #tpu.memory_space<hbm>> -> memref<640xf32, #tpu.memory_space<hbm>>
      tpu.wait_dma2 semaphore(%run_scoped3A : memref<!tpu.dma_semaphore, #tpu.memory_space<semaphore_mem>>) src(%arg7 : memref<640xf32, #tpu.memory_space<vmem>>) dst(%dma_wait3A_72 : memref<640xf32, #tpu.memory_space<hbm>>)
      tpu.yield
    }) : () -> ()
    return
  }
}

#map = affine_map<(d0, d1) -> (0, 0, 0)>
#map1 = affine_map<(d0, d1) -> (0, 0)>
module attributes {stable_mosaic.version = 14 : i64} {
  func.func @_sc_prop(%arg0: i32, %arg1: i32, %arg2: memref<32x80x125xi32, #tpu.memory_space<hbm>>, %arg3: memref<32x80x125xi32, #tpu.memory_space<hbm>>, %arg4: memref<10240x32xf32, #tpu.memory_space<hbm>>, %arg5: memref<10240x32xf32, #tpu.memory_space<hbm>>, %arg6: memref<2x10240x32xf32, #tpu.memory_space<hbm>>, %arg7: memref<80x125xi32, #tpu.memory_space<vmem>>, %arg8: memref<80x125xi32, #tpu.memory_space<vmem>>, %arg9: memref<125x32xf32, #tpu.memory_space<vmem>>, %arg10: memref<125x32xf32, #tpu.memory_space<vmem>>, %arg11: memref<125x32xf32, #tpu.memory_space<vmem>>, %arg12: memref<125x32xf32, #tpu.memory_space<vmem>>, %arg13: memref<640x32xf32, #tpu.memory_space<vmem>>, %arg14: memref<10240x32xf32, #tpu.memory_space<vmem_shared>>, %arg15: memref<10240x32xf32, #tpu.memory_space<vmem_shared>>, %arg16: memref<!tpu.dma_semaphore, #tpu.memory_space<semaphore_mem>>, %arg17: memref<!tpu.dma_semaphore, #tpu.memory_space<semaphore_mem>>, %arg18: memref<!tpu.dma_semaphore, #tpu.memory_space<semaphore_mem>>, %arg19: memref<!tpu.dma_semaphore, #tpu.memory_space<semaphore_mem>>, %arg20: memref<!tpu.dma_semaphore, #tpu.memory_space<semaphore_mem>>, %arg21: memref<!tpu.dma_semaphore, #tpu.memory_space<semaphore_mem>>, %arg22: memref<!tpu.dma_semaphore, #tpu.memory_space<semaphore_mem>>, %arg23: memref<!tpu.dma_semaphore, #tpu.memory_space<semaphore_mem>>) attributes {dimension_semantics = [#tpu.dimension_semantics<core_parallel>, #tpu.dimension_semantics<subcore_parallel>], iteration_bounds = array<i64: 2, 16>, scalar_prefetch = 0 : i64, scratch_operands = 17 : i64, tpu.core_type = #tpu.core_type<sc_vector_subcore>, window_params = [{transform_indices = #map}, {transform_indices = #map}, {transform_indices = #map1}, {transform_indices = #map1}, {transform_indices = #map}]} {
    %mul3A = arith.constant 16 : i32
    %mul3A_0 = arith.muli %arg0, %mul3A : i32
    %add3A = arith.addi %mul3A_0, %arg1 : i32
    "tpu.region"() ({
      %run_scoped3A = tpu.sem_alloc : memref<!tpu.dma_semaphore, #tpu.memory_space<semaphore_mem>>
      %dma_start3A_129 = arith.constant 0 : i32
      %dma_start3A_130 = arith.constant 0 : i32
      %dma_start3A_131 = tpu.memref_slice %arg2[%add3A, %dma_start3A_129, %dma_start3A_130] : memref<32x80x125xi32, #tpu.memory_space<hbm>> -> memref<1x80x125xi32, #tpu.memory_space<hbm>>
      %dma_start3A_132 = tpu.memref_squeeze %dma_start3A_131 : memref<1x80x125xi32, #tpu.memory_space<hbm>> -> memref<80x125xi32, #tpu.memory_space<hbm>>
      %dma_start3A_133 = arith.constant 0 : i32
      %dma_start3A_134 = arith.constant 0 : i32
      %dma_start3A_135 = tpu.memref_slice %arg2[%add3A, %dma_start3A_133, %dma_start3A_134] : memref<32x80x125xi32, #tpu.memory_space<hbm>> -> memref<1x80x125xi32, #tpu.memory_space<hbm>>
      %dma_start3A_136 = tpu.memref_squeeze %dma_start3A_135 : memref<1x80x125xi32, #tpu.memory_space<hbm>> -> memref<80x125xi32, #tpu.memory_space<hbm>>
      tpu.enqueue_dma source(%dma_start3A_136 : memref<80x125xi32, #tpu.memory_space<hbm>>) target(%arg7 : memref<80x125xi32, #tpu.memory_space<vmem>>) target_semaphore(%run_scoped3A : memref<!tpu.dma_semaphore, #tpu.memory_space<semaphore_mem>>)
      %dma_wait3A_137 = arith.constant 0 : i32
      %dma_wait3A_138 = arith.constant 0 : i32
      %dma_wait3A_139 = tpu.memref_slice %arg2[%add3A, %dma_wait3A_137, %dma_wait3A_138] : memref<32x80x125xi32, #tpu.memory_space<hbm>> -> memref<1x80x125xi32, #tpu.memory_space<hbm>>
      %dma_wait3A_140 = tpu.memref_squeeze %dma_wait3A_139 : memref<1x80x125xi32, #tpu.memory_space<hbm>> -> memref<80x125xi32, #tpu.memory_space<hbm>>
      %dma_wait3A_141 = arith.constant 0 : i32
      %dma_wait3A_142 = arith.constant 0 : i32
      %dma_wait3A_143 = tpu.memref_slice %arg2[%add3A, %dma_wait3A_141, %dma_wait3A_142] : memref<32x80x125xi32, #tpu.memory_space<hbm>> -> memref<1x80x125xi32, #tpu.memory_space<hbm>>
      %dma_wait3A_144 = tpu.memref_squeeze %dma_wait3A_143 : memref<1x80x125xi32, #tpu.memory_space<hbm>> -> memref<80x125xi32, #tpu.memory_space<hbm>>
      tpu.wait_dma2 semaphore(%run_scoped3A : memref<!tpu.dma_semaphore, #tpu.memory_space<semaphore_mem>>) src(%dma_wait3A_144 : memref<80x125xi32, #tpu.memory_space<hbm>>) dst(%arg7 : memref<80x125xi32, #tpu.memory_space<vmem>>)
      tpu.yield
    }) : () -> ()
    "tpu.region"() ({
      %run_scoped3A = tpu.sem_alloc : memref<!tpu.dma_semaphore, #tpu.memory_space<semaphore_mem>>
      %dma_start3A_129 = arith.constant 0 : i32
      %dma_start3A_130 = arith.constant 0 : i32
      %dma_start3A_131 = tpu.memref_slice %arg3[%add3A, %dma_start3A_129, %dma_start3A_130] : memref<32x80x125xi32, #tpu.memory_space<hbm>> -> memref<1x80x125xi32, #tpu.memory_space<hbm>>
      %dma_start3A_132 = tpu.memref_squeeze %dma_start3A_131 : memref<1x80x125xi32, #tpu.memory_space<hbm>> -> memref<80x125xi32, #tpu.memory_space<hbm>>
      %dma_start3A_133 = arith.constant 0 : i32
      %dma_start3A_134 = arith.constant 0 : i32
      %dma_start3A_135 = tpu.memref_slice %arg3[%add3A, %dma_start3A_133, %dma_start3A_134] : memref<32x80x125xi32, #tpu.memory_space<hbm>> -> memref<1x80x125xi32, #tpu.memory_space<hbm>>
      %dma_start3A_136 = tpu.memref_squeeze %dma_start3A_135 : memref<1x80x125xi32, #tpu.memory_space<hbm>> -> memref<80x125xi32, #tpu.memory_space<hbm>>
      tpu.enqueue_dma source(%dma_start3A_136 : memref<80x125xi32, #tpu.memory_space<hbm>>) target(%arg8 : memref<80x125xi32, #tpu.memory_space<vmem>>) target_semaphore(%run_scoped3A : memref<!tpu.dma_semaphore, #tpu.memory_space<semaphore_mem>>)
      %dma_wait3A_137 = arith.constant 0 : i32
      %dma_wait3A_138 = arith.constant 0 : i32
      %dma_wait3A_139 = tpu.memref_slice %arg3[%add3A, %dma_wait3A_137, %dma_wait3A_138] : memref<32x80x125xi32, #tpu.memory_space<hbm>> -> memref<1x80x125xi32, #tpu.memory_space<hbm>>
      %dma_wait3A_140 = tpu.memref_squeeze %dma_wait3A_139 : memref<1x80x125xi32, #tpu.memory_space<hbm>> -> memref<80x125xi32, #tpu.memory_space<hbm>>
      %dma_wait3A_141 = arith.constant 0 : i32
      %dma_wait3A_142 = arith.constant 0 : i32
      %dma_wait3A_143 = tpu.memref_slice %arg3[%add3A, %dma_wait3A_141, %dma_wait3A_142] : memref<32x80x125xi32, #tpu.memory_space<hbm>> -> memref<1x80x125xi32, #tpu.memory_space<hbm>>
      %dma_wait3A_144 = tpu.memref_squeeze %dma_wait3A_143 : memref<1x80x125xi32, #tpu.memory_space<hbm>> -> memref<80x125xi32, #tpu.memory_space<hbm>>
      tpu.wait_dma2 semaphore(%run_scoped3A : memref<!tpu.dma_semaphore, #tpu.memory_space<semaphore_mem>>) src(%dma_wait3A_144 : memref<80x125xi32, #tpu.memory_space<hbm>>) dst(%arg8 : memref<80x125xi32, #tpu.memory_space<vmem>>)
      tpu.yield
    }) : () -> ()
    %mul3A_1 = arith.constant 640 : i32
    %mul3A_2 = arith.muli %arg1, %mul3A_1 : i32
    %mul3A_3 = arith.constant 640 : i32
    %mul3A_4 = arith.muli %arg1, %mul3A_3 : i32
    "tpu.region"() ({
      %run_scoped3A = tpu.sem_alloc : memref<!tpu.dma_semaphore, #tpu.memory_space<semaphore_mem>>
      %dma_start3A_129 = arith.constant 0 : i32
      %dma_start3A_130 = tpu.memref_slice %arg14[%mul3A_4, %dma_start3A_129] : memref<10240x32xf32, #tpu.memory_space<vmem_shared>> -> memref<640x32xf32, #tpu.memory_space<vmem_shared>>
      %dma_start3A_131 = arith.constant 0 : i32
      %dma_start3A_132 = tpu.memref_slice %arg5[%mul3A_2, %dma_start3A_131] : memref<10240x32xf32, #tpu.memory_space<hbm>> -> memref<640x32xf32, #tpu.memory_space<hbm>>
      tpu.enqueue_dma source(%dma_start3A_132 : memref<640x32xf32, #tpu.memory_space<hbm>>) target(%dma_start3A_130 : memref<640x32xf32, #tpu.memory_space<vmem_shared>>) target_semaphore(%run_scoped3A : memref<!tpu.dma_semaphore, #tpu.memory_space<semaphore_mem>>)
      %dma_wait3A_133 = arith.constant 0 : i32
      %dma_wait3A_134 = tpu.memref_slice %arg14[%mul3A_4, %dma_wait3A_133] : memref<10240x32xf32, #tpu.memory_space<vmem_shared>> -> memref<640x32xf32, #tpu.memory_space<vmem_shared>>
      %dma_wait3A_135 = arith.constant 0 : i32
      %dma_wait3A_136 = tpu.memref_slice %arg5[%mul3A_2, %dma_wait3A_135] : memref<10240x32xf32, #tpu.memory_space<hbm>> -> memref<640x32xf32, #tpu.memory_space<hbm>>
      tpu.wait_dma2 semaphore(%run_scoped3A : memref<!tpu.dma_semaphore, #tpu.memory_space<semaphore_mem>>) src(%dma_wait3A_136 : memref<640x32xf32, #tpu.memory_space<hbm>>) dst(%dma_wait3A_134 : memref<640x32xf32, #tpu.memory_space<vmem_shared>>)
      tpu.yield
    }) : () -> ()
    %mul3A_5 = arith.constant 640 : i32
    %mul3A_6 = arith.muli %arg1, %mul3A_5 : i32
    %mul3A_7 = arith.constant 640 : i32
    %mul3A_8 = arith.muli %arg1, %mul3A_7 : i32
    "tpu.region"() ({
      %run_scoped3A = tpu.sem_alloc : memref<!tpu.dma_semaphore, #tpu.memory_space<semaphore_mem>>
      %dma_start3A_129 = arith.constant 0 : i32
      %dma_start3A_130 = tpu.memref_slice %arg15[%mul3A_8, %dma_start3A_129] : memref<10240x32xf32, #tpu.memory_space<vmem_shared>> -> memref<640x32xf32, #tpu.memory_space<vmem_shared>>
      %dma_start3A_131 = arith.constant 0 : i32
      %dma_start3A_132 = tpu.memref_slice %arg4[%mul3A_6, %dma_start3A_131] : memref<10240x32xf32, #tpu.memory_space<hbm>> -> memref<640x32xf32, #tpu.memory_space<hbm>>
      tpu.enqueue_dma source(%dma_start3A_132 : memref<640x32xf32, #tpu.memory_space<hbm>>) target(%dma_start3A_130 : memref<640x32xf32, #tpu.memory_space<vmem_shared>>) target_semaphore(%run_scoped3A : memref<!tpu.dma_semaphore, #tpu.memory_space<semaphore_mem>>)
      %dma_wait3A_133 = arith.constant 0 : i32
      %dma_wait3A_134 = tpu.memref_slice %arg15[%mul3A_8, %dma_wait3A_133] : memref<10240x32xf32, #tpu.memory_space<vmem_shared>> -> memref<640x32xf32, #tpu.memory_space<vmem_shared>>
      %dma_wait3A_135 = arith.constant 0 : i32
      %dma_wait3A_136 = tpu.memref_slice %arg4[%mul3A_6, %dma_wait3A_135] : memref<10240x32xf32, #tpu.memory_space<hbm>> -> memref<640x32xf32, #tpu.memory_space<hbm>>
      tpu.wait_dma2 semaphore(%run_scoped3A : memref<!tpu.dma_semaphore, #tpu.memory_space<semaphore_mem>>) src(%dma_wait3A_136 : memref<640x32xf32, #tpu.memory_space<hbm>>) dst(%dma_wait3A_134 : memref<640x32xf32, #tpu.memory_space<vmem_shared>>)
      tpu.yield
    }) : () -> ()
    %barrier3A = arith.constant 0 : index
    tpu.barrier barrier_id(%barrier3A)
    %dma_start3A = arith.constant 0 : i32
    %dma_start3A_9 = arith.constant 0 : i32
    %dma_start3A_10 = tpu.memref_slice %arg7[%dma_start3A, %dma_start3A_9] : memref<80x125xi32, #tpu.memory_space<vmem>> -> memref<1x125xi32, #tpu.memory_space<vmem>>
    %dma_start3A_11 = tpu.memref_squeeze %dma_start3A_10 : memref<1x125xi32, #tpu.memory_space<vmem>> -> memref<125xi32, #tpu.memory_space<vmem>>
    %dma_start3A_12 = arith.constant 0 : i32
    %dma_start3A_13 = arith.constant 0 : i32
    %dma_start3A_14 = tpu.memref_slice %arg15[%dma_start3A_12, %dma_start3A_13] : memref<10240x32xf32, #tpu.memory_space<vmem_shared>> -> memref<10240x32xf32, #tpu.memory_space<vmem_shared>>
    tpu.enqueue_indirect_dma source(%dma_start3A_14 : memref<10240x32xf32, #tpu.memory_space<vmem_shared>>) target(%arg9 : memref<125x32xf32, #tpu.memory_space<vmem>>) offsets(%dma_start3A_11 : memref<125xi32, #tpu.memory_space<vmem>>) semaphore(%arg16 : memref<!tpu.dma_semaphore, #tpu.memory_space<semaphore_mem>>)
    %dma_start3A_15 = arith.constant 1 : i32
    %dma_start3A_16 = arith.constant 0 : i32
    %dma_start3A_17 = tpu.memref_slice %arg7[%dma_start3A_15, %dma_start3A_16] : memref<80x125xi32, #tpu.memory_space<vmem>> -> memref<1x125xi32, #tpu.memory_space<vmem>>
    %dma_start3A_18 = tpu.memref_squeeze %dma_start3A_17 : memref<1x125xi32, #tpu.memory_space<vmem>> -> memref<125xi32, #tpu.memory_space<vmem>>
    %dma_start3A_19 = arith.constant 0 : i32
    %dma_start3A_20 = arith.constant 0 : i32
    %dma_start3A_21 = tpu.memref_slice %arg15[%dma_start3A_19, %dma_start3A_20] : memref<10240x32xf32, #tpu.memory_space<vmem_shared>> -> memref<10240x32xf32, #tpu.memory_space<vmem_shared>>
    tpu.enqueue_indirect_dma source(%dma_start3A_21 : memref<10240x32xf32, #tpu.memory_space<vmem_shared>>) target(%arg10 : memref<125x32xf32, #tpu.memory_space<vmem>>) offsets(%dma_start3A_18 : memref<125xi32, #tpu.memory_space<vmem>>) semaphore(%arg17 : memref<!tpu.dma_semaphore, #tpu.memory_space<semaphore_mem>>)
    %dma_start3A_22 = arith.constant 2 : i32
    %dma_start3A_23 = arith.constant 0 : i32
    %dma_start3A_24 = tpu.memref_slice %arg7[%dma_start3A_22, %dma_start3A_23] : memref<80x125xi32, #tpu.memory_space<vmem>> -> memref<1x125xi32, #tpu.memory_space<vmem>>
    %dma_start3A_25 = tpu.memref_squeeze %dma_start3A_24 : memref<1x125xi32, #tpu.memory_space<vmem>> -> memref<125xi32, #tpu.memory_space<vmem>>
    %dma_start3A_26 = arith.constant 0 : i32
    %dma_start3A_27 = arith.constant 0 : i32
    %dma_start3A_28 = tpu.memref_slice %arg15[%dma_start3A_26, %dma_start3A_27] : memref<10240x32xf32, #tpu.memory_space<vmem_shared>> -> memref<10240x32xf32, #tpu.memory_space<vmem_shared>>
    tpu.enqueue_indirect_dma source(%dma_start3A_28 : memref<10240x32xf32, #tpu.memory_space<vmem_shared>>) target(%arg11 : memref<125x32xf32, #tpu.memory_space<vmem>>) offsets(%dma_start3A_25 : memref<125xi32, #tpu.memory_space<vmem>>) semaphore(%arg18 : memref<!tpu.dma_semaphore, #tpu.memory_space<semaphore_mem>>)
    %dma_start3A_29 = arith.constant 3 : i32
    %dma_start3A_30 = arith.constant 0 : i32
    %dma_start3A_31 = tpu.memref_slice %arg7[%dma_start3A_29, %dma_start3A_30] : memref<80x125xi32, #tpu.memory_space<vmem>> -> memref<1x125xi32, #tpu.memory_space<vmem>>
    %dma_start3A_32 = tpu.memref_squeeze %dma_start3A_31 : memref<1x125xi32, #tpu.memory_space<vmem>> -> memref<125xi32, #tpu.memory_space<vmem>>
    %dma_start3A_33 = arith.constant 0 : i32
    %dma_start3A_34 = arith.constant 0 : i32
    %dma_start3A_35 = tpu.memref_slice %arg15[%dma_start3A_33, %dma_start3A_34] : memref<10240x32xf32, #tpu.memory_space<vmem_shared>> -> memref<10240x32xf32, #tpu.memory_space<vmem_shared>>
    tpu.enqueue_indirect_dma source(%dma_start3A_35 : memref<10240x32xf32, #tpu.memory_space<vmem_shared>>) target(%arg12 : memref<125x32xf32, #tpu.memory_space<vmem>>) offsets(%dma_start3A_32 : memref<125xi32, #tpu.memory_space<vmem>>) semaphore(%arg19 : memref<!tpu.dma_semaphore, #tpu.memory_space<semaphore_mem>>)
    %scan3A = arith.constant 0 : i32
    %scan3A_36 = arith.constant 0 : i32
    %scan3A_37 = arith.constant 19 : i32
    %scan3A_38 = arith.addi %scan3A_36, %scan3A_37 : i32
    %scan3A_39 = arith.constant 1 : i32
    scf.for %scan3A_129 = %scan3A_36 to %scan3A_38 step %scan3A_39  : i32 {
      %mul3A_130 = arith.constant 4 : i32
      %mul3A_131 = arith.muli %mul3A_130, %scan3A_129 : i32
      %dma_wait3A_132 = arith.constant 0 : i32
      %dma_wait3A_133 = arith.constant 0 : i32
      %dma_wait3A_134 = tpu.memref_slice %arg7[%dma_wait3A_132, %dma_wait3A_133] : memref<80x125xi32, #tpu.memory_space<vmem>> -> memref<1x125xi32, #tpu.memory_space<vmem>>
      %dma_wait3A_135 = tpu.memref_squeeze %dma_wait3A_134 : memref<1x125xi32, #tpu.memory_space<vmem>> -> memref<125xi32, #tpu.memory_space<vmem>>
      %dma_wait3A_136 = arith.constant 0 : i32
      %dma_wait3A_137 = arith.constant 0 : i32
      %dma_wait3A_138 = tpu.memref_slice %arg15[%dma_wait3A_136, %dma_wait3A_137] : memref<10240x32xf32, #tpu.memory_space<vmem_shared>> -> memref<10240x32xf32, #tpu.memory_space<vmem_shared>>
      tpu.wait_indirect_dma semaphore(%arg16 : memref<!tpu.dma_semaphore, #tpu.memory_space<semaphore_mem>>) src(%dma_wait3A_138 : memref<10240x32xf32, #tpu.memory_space<vmem_shared>>) dst(%arg9 : memref<125x32xf32, #tpu.memory_space<vmem>>)
      %add3A_139 = arith.constant 0 : i32
      %add3A_140 = arith.addi %mul3A_131, %add3A_139 : i32
      %dma_start3A_141 = arith.constant 0 : i32
      %dma_start3A_142 = tpu.memref_slice %arg8[%add3A_140, %dma_start3A_141] : memref<80x125xi32, #tpu.memory_space<vmem>> -> memref<1x125xi32, #tpu.memory_space<vmem>>
      %dma_start3A_143 = tpu.memref_squeeze %dma_start3A_142 : memref<1x125xi32, #tpu.memory_space<vmem>> -> memref<125xi32, #tpu.memory_space<vmem>>
      %dma_start3A_144 = arith.constant 0 : i32
      %dma_start3A_145 = arith.constant 0 : i32
      %dma_start3A_146 = tpu.memref_slice %arg14[%dma_start3A_144, %dma_start3A_145] : memref<10240x32xf32, #tpu.memory_space<vmem_shared>> -> memref<10240x32xf32, #tpu.memory_space<vmem_shared>>
      tpu.enqueue_indirect_dma source(%arg9 : memref<125x32xf32, #tpu.memory_space<vmem>>) target(%dma_start3A_146 : memref<10240x32xf32, #tpu.memory_space<vmem_shared>>) offsets(%dma_start3A_143 : memref<125xi32, #tpu.memory_space<vmem>>) semaphore(%arg20 : memref<!tpu.dma_semaphore, #tpu.memory_space<semaphore_mem>>) {add = true}
      %dma_wait3A_147 = arith.constant 0 : i32
      %dma_wait3A_148 = arith.constant 0 : i32
      %dma_wait3A_149 = tpu.memref_slice %arg7[%dma_wait3A_147, %dma_wait3A_148] : memref<80x125xi32, #tpu.memory_space<vmem>> -> memref<1x125xi32, #tpu.memory_space<vmem>>
      %dma_wait3A_150 = tpu.memref_squeeze %dma_wait3A_149 : memref<1x125xi32, #tpu.memory_space<vmem>> -> memref<125xi32, #tpu.memory_space<vmem>>
      %dma_wait3A_151 = arith.constant 0 : i32
      %dma_wait3A_152 = arith.constant 0 : i32
      %dma_wait3A_153 = tpu.memref_slice %arg15[%dma_wait3A_151, %dma_wait3A_152] : memref<10240x32xf32, #tpu.memory_space<vmem_shared>> -> memref<10240x32xf32, #tpu.memory_space<vmem_shared>>
      tpu.wait_indirect_dma semaphore(%arg17 : memref<!tpu.dma_semaphore, #tpu.memory_space<semaphore_mem>>) src(%dma_wait3A_153 : memref<10240x32xf32, #tpu.memory_space<vmem_shared>>) dst(%arg10 : memref<125x32xf32, #tpu.memory_space<vmem>>)
      %add3A_154 = arith.constant 1 : i32
      %add3A_155 = arith.addi %mul3A_131, %add3A_154 : i32
      %dma_start3A_156 = arith.constant 0 : i32
      %dma_start3A_157 = tpu.memref_slice %arg8[%add3A_155, %dma_start3A_156] : memref<80x125xi32, #tpu.memory_space<vmem>> -> memref<1x125xi32, #tpu.memory_space<vmem>>
      %dma_start3A_158 = tpu.memref_squeeze %dma_start3A_157 : memref<1x125xi32, #tpu.memory_space<vmem>> -> memref<125xi32, #tpu.memory_space<vmem>>
      %dma_start3A_159 = arith.constant 0 : i32
      %dma_start3A_160 = arith.constant 0 : i32
      %dma_start3A_161 = tpu.memref_slice %arg14[%dma_start3A_159, %dma_start3A_160] : memref<10240x32xf32, #tpu.memory_space<vmem_shared>> -> memref<10240x32xf32, #tpu.memory_space<vmem_shared>>
      tpu.enqueue_indirect_dma source(%arg10 : memref<125x32xf32, #tpu.memory_space<vmem>>) target(%dma_start3A_161 : memref<10240x32xf32, #tpu.memory_space<vmem_shared>>) offsets(%dma_start3A_158 : memref<125xi32, #tpu.memory_space<vmem>>) semaphore(%arg21 : memref<!tpu.dma_semaphore, #tpu.memory_space<semaphore_mem>>) {add = true}
      %dma_wait3A_162 = arith.constant 0 : i32
      %dma_wait3A_163 = arith.constant 0 : i32
      %dma_wait3A_164 = tpu.memref_slice %arg7[%dma_wait3A_162, %dma_wait3A_163] : memref<80x125xi32, #tpu.memory_space<vmem>> -> memref<1x125xi32, #tpu.memory_space<vmem>>
      %dma_wait3A_165 = tpu.memref_squeeze %dma_wait3A_164 : memref<1x125xi32, #tpu.memory_space<vmem>> -> memref<125xi32, #tpu.memory_space<vmem>>
      %dma_wait3A_166 = arith.constant 0 : i32
      %dma_wait3A_167 = arith.constant 0 : i32
      %dma_wait3A_168 = tpu.memref_slice %arg15[%dma_wait3A_166, %dma_wait3A_167] : memref<10240x32xf32, #tpu.memory_space<vmem_shared>> -> memref<10240x32xf32, #tpu.memory_space<vmem_shared>>
      tpu.wait_indirect_dma semaphore(%arg18 : memref<!tpu.dma_semaphore, #tpu.memory_space<semaphore_mem>>) src(%dma_wait3A_168 : memref<10240x32xf32, #tpu.memory_space<vmem_shared>>) dst(%arg11 : memref<125x32xf32, #tpu.memory_space<vmem>>)
      %add3A_169 = arith.constant 2 : i32
      %add3A_170 = arith.addi %mul3A_131, %add3A_169 : i32
      %dma_start3A_171 = arith.constant 0 : i32
      %dma_start3A_172 = tpu.memref_slice %arg8[%add3A_170, %dma_start3A_171] : memref<80x125xi32, #tpu.memory_space<vmem>> -> memref<1x125xi32, #tpu.memory_space<vmem>>
      %dma_start3A_173 = tpu.memref_squeeze %dma_start3A_172 : memref<1x125xi32, #tpu.memory_space<vmem>> -> memref<125xi32, #tpu.memory_space<vmem>>
      %dma_start3A_174 = arith.constant 0 : i32
      %dma_start3A_175 = arith.constant 0 : i32
      %dma_start3A_176 = tpu.memref_slice %arg14[%dma_start3A_174, %dma_start3A_175] : memref<10240x32xf32, #tpu.memory_space<vmem_shared>> -> memref<10240x32xf32, #tpu.memory_space<vmem_shared>>
      tpu.enqueue_indirect_dma source(%arg11 : memref<125x32xf32, #tpu.memory_space<vmem>>) target(%dma_start3A_176 : memref<10240x32xf32, #tpu.memory_space<vmem_shared>>) offsets(%dma_start3A_173 : memref<125xi32, #tpu.memory_space<vmem>>) semaphore(%arg22 : memref<!tpu.dma_semaphore, #tpu.memory_space<semaphore_mem>>) {add = true}
      %dma_wait3A_177 = arith.constant 0 : i32
      %dma_wait3A_178 = arith.constant 0 : i32
      %dma_wait3A_179 = tpu.memref_slice %arg7[%dma_wait3A_177, %dma_wait3A_178] : memref<80x125xi32, #tpu.memory_space<vmem>> -> memref<1x125xi32, #tpu.memory_space<vmem>>
      %dma_wait3A_180 = tpu.memref_squeeze %dma_wait3A_179 : memref<1x125xi32, #tpu.memory_space<vmem>> -> memref<125xi32, #tpu.memory_space<vmem>>
      %dma_wait3A_181 = arith.constant 0 : i32
      %dma_wait3A_182 = arith.constant 0 : i32
      %dma_wait3A_183 = tpu.memref_slice %arg15[%dma_wait3A_181, %dma_wait3A_182] : memref<10240x32xf32, #tpu.memory_space<vmem_shared>> -> memref<10240x32xf32, #tpu.memory_space<vmem_shared>>
      tpu.wait_indirect_dma semaphore(%arg19 : memref<!tpu.dma_semaphore, #tpu.memory_space<semaphore_mem>>) src(%dma_wait3A_183 : memref<10240x32xf32, #tpu.memory_space<vmem_shared>>) dst(%arg12 : memref<125x32xf32, #tpu.memory_space<vmem>>)
      %add3A_184 = arith.constant 3 : i32
      %add3A_185 = arith.addi %mul3A_131, %add3A_184 : i32
      %dma_start3A_186 = arith.constant 0 : i32
      %dma_start3A_187 = tpu.memref_slice %arg8[%add3A_185, %dma_start3A_186] : memref<80x125xi32, #tpu.memory_space<vmem>> -> memref<1x125xi32, #tpu.memory_space<vmem>>
      %dma_start3A_188 = tpu.memref_squeeze %dma_start3A_187 : memref<1x125xi32, #tpu.memory_space<vmem>> -> memref<125xi32, #tpu.memory_space<vmem>>
      %dma_start3A_189 = arith.constant 0 : i32
      %dma_start3A_190 = arith.constant 0 : i32
      %dma_start3A_191 = tpu.memref_slice %arg14[%dma_start3A_189, %dma_start3A_190] : memref<10240x32xf32, #tpu.memory_space<vmem_shared>> -> memref<10240x32xf32, #tpu.memory_space<vmem_shared>>
      tpu.enqueue_indirect_dma source(%arg12 : memref<125x32xf32, #tpu.memory_space<vmem>>) target(%dma_start3A_191 : memref<10240x32xf32, #tpu.memory_space<vmem_shared>>) offsets(%dma_start3A_188 : memref<125xi32, #tpu.memory_space<vmem>>) semaphore(%arg23 : memref<!tpu.dma_semaphore, #tpu.memory_space<semaphore_mem>>) {add = true}
      %dma_wait3A_192 = arith.constant 0 : i32
      %dma_wait3A_193 = arith.constant 0 : i32
      %dma_wait3A_194 = tpu.memref_slice %arg8[%dma_wait3A_192, %dma_wait3A_193] : memref<80x125xi32, #tpu.memory_space<vmem>> -> memref<1x125xi32, #tpu.memory_space<vmem>>
      %dma_wait3A_195 = tpu.memref_squeeze %dma_wait3A_194 : memref<1x125xi32, #tpu.memory_space<vmem>> -> memref<125xi32, #tpu.memory_space<vmem>>
      %dma_wait3A_196 = arith.constant 0 : i32
      %dma_wait3A_197 = arith.constant 0 : i32
      %dma_wait3A_198 = tpu.memref_slice %arg14[%dma_wait3A_196, %dma_wait3A_197] : memref<10240x32xf32, #tpu.memory_space<vmem_shared>> -> memref<10240x32xf32, #tpu.memory_space<vmem_shared>>
      tpu.wait_indirect_dma semaphore(%arg20 : memref<!tpu.dma_semaphore, #tpu.memory_space<semaphore_mem>>) src(%arg9 : memref<125x32xf32, #tpu.memory_space<vmem>>) dst(%dma_wait3A_198 : memref<10240x32xf32, #tpu.memory_space<vmem_shared>>)
      %add3A_199 = arith.constant 4 : i32
      %add3A_200 = arith.addi %mul3A_131, %add3A_199 : i32
      %add3A_201 = arith.constant 0 : i32
      %add3A_202 = arith.addi %add3A_200, %add3A_201 : i32
      %dma_start3A_203 = arith.constant 0 : i32
      %dma_start3A_204 = tpu.memref_slice %arg7[%add3A_202, %dma_start3A_203] : memref<80x125xi32, #tpu.memory_space<vmem>> -> memref<1x125xi32, #tpu.memory_space<vmem>>
      %dma_start3A_205 = tpu.memref_squeeze %dma_start3A_204 : memref<1x125xi32, #tpu.memory_space<vmem>> -> memref<125xi32, #tpu.memory_space<vmem>>
      %dma_start3A_206 = arith.constant 0 : i32
      %dma_start3A_207 = arith.constant 0 : i32
      %dma_start3A_208 = tpu.memref_slice %arg15[%dma_start3A_206, %dma_start3A_207] : memref<10240x32xf32, #tpu.memory_space<vmem_shared>> -> memref<10240x32xf32, #tpu.memory_space<vmem_shared>>
      tpu.enqueue_indirect_dma source(%dma_start3A_208 : memref<10240x32xf32, #tpu.memory_space<vmem_shared>>) target(%arg9 : memref<125x32xf32, #tpu.memory_space<vmem>>) offsets(%dma_start3A_205 : memref<125xi32, #tpu.memory_space<vmem>>) semaphore(%arg16 : memref<!tpu.dma_semaphore, #tpu.memory_space<semaphore_mem>>)
      %dma_wait3A_209 = arith.constant 0 : i32
      %dma_wait3A_210 = arith.constant 0 : i32
      %dma_wait3A_211 = tpu.memref_slice %arg8[%dma_wait3A_209, %dma_wait3A_210] : memref<80x125xi32, #tpu.memory_space<vmem>> -> memref<1x125xi32, #tpu.memory_space<vmem>>
      %dma_wait3A_212 = tpu.memref_squeeze %dma_wait3A_211 : memref<1x125xi32, #tpu.memory_space<vmem>> -> memref<125xi32, #tpu.memory_space<vmem>>
      %dma_wait3A_213 = arith.constant 0 : i32
      %dma_wait3A_214 = arith.constant 0 : i32
      %dma_wait3A_215 = tpu.memref_slice %arg14[%dma_wait3A_213, %dma_wait3A_214] : memref<10240x32xf32, #tpu.memory_space<vmem_shared>> -> memref<10240x32xf32, #tpu.memory_space<vmem_shared>>
      tpu.wait_indirect_dma semaphore(%arg21 : memref<!tpu.dma_semaphore, #tpu.memory_space<semaphore_mem>>) src(%arg10 : memref<125x32xf32, #tpu.memory_space<vmem>>) dst(%dma_wait3A_215 : memref<10240x32xf32, #tpu.memory_space<vmem_shared>>)
      %add3A_216 = arith.constant 4 : i32
      %add3A_217 = arith.addi %mul3A_131, %add3A_216 : i32
      %add3A_218 = arith.constant 1 : i32
      %add3A_219 = arith.addi %add3A_217, %add3A_218 : i32
      %dma_start3A_220 = arith.constant 0 : i32
      %dma_start3A_221 = tpu.memref_slice %arg7[%add3A_219, %dma_start3A_220] : memref<80x125xi32, #tpu.memory_space<vmem>> -> memref<1x125xi32, #tpu.memory_space<vmem>>
      %dma_start3A_222 = tpu.memref_squeeze %dma_start3A_221 : memref<1x125xi32, #tpu.memory_space<vmem>> -> memref<125xi32, #tpu.memory_space<vmem>>
      %dma_start3A_223 = arith.constant 0 : i32
      %dma_start3A_224 = arith.constant 0 : i32
      %dma_start3A_225 = tpu.memref_slice %arg15[%dma_start3A_223, %dma_start3A_224] : memref<10240x32xf32, #tpu.memory_space<vmem_shared>> -> memref<10240x32xf32, #tpu.memory_space<vmem_shared>>
      tpu.enqueue_indirect_dma source(%dma_start3A_225 : memref<10240x32xf32, #tpu.memory_space<vmem_shared>>) target(%arg10 : memref<125x32xf32, #tpu.memory_space<vmem>>) offsets(%dma_start3A_222 : memref<125xi32, #tpu.memory_space<vmem>>) semaphore(%arg17 : memref<!tpu.dma_semaphore, #tpu.memory_space<semaphore_mem>>)
      %dma_wait3A_226 = arith.constant 0 : i32
      %dma_wait3A_227 = arith.constant 0 : i32
      %dma_wait3A_228 = tpu.memref_slice %arg8[%dma_wait3A_226, %dma_wait3A_227] : memref<80x125xi32, #tpu.memory_space<vmem>> -> memref<1x125xi32, #tpu.memory_space<vmem>>
      %dma_wait3A_229 = tpu.memref_squeeze %dma_wait3A_228 : memref<1x125xi32, #tpu.memory_space<vmem>> -> memref<125xi32, #tpu.memory_space<vmem>>
      %dma_wait3A_230 = arith.constant 0 : i32
      %dma_wait3A_231 = arith.constant 0 : i32
      %dma_wait3A_232 = tpu.memref_slice %arg14[%dma_wait3A_230, %dma_wait3A_231] : memref<10240x32xf32, #tpu.memory_space<vmem_shared>> -> memref<10240x32xf32, #tpu.memory_space<vmem_shared>>
      tpu.wait_indirect_dma semaphore(%arg22 : memref<!tpu.dma_semaphore, #tpu.memory_space<semaphore_mem>>) src(%arg11 : memref<125x32xf32, #tpu.memory_space<vmem>>) dst(%dma_wait3A_232 : memref<10240x32xf32, #tpu.memory_space<vmem_shared>>)
      %add3A_233 = arith.constant 4 : i32
      %add3A_234 = arith.addi %mul3A_131, %add3A_233 : i32
      %add3A_235 = arith.constant 2 : i32
      %add3A_236 = arith.addi %add3A_234, %add3A_235 : i32
      %dma_start3A_237 = arith.constant 0 : i32
      %dma_start3A_238 = tpu.memref_slice %arg7[%add3A_236, %dma_start3A_237] : memref<80x125xi32, #tpu.memory_space<vmem>> -> memref<1x125xi32, #tpu.memory_space<vmem>>
      %dma_start3A_239 = tpu.memref_squeeze %dma_start3A_238 : memref<1x125xi32, #tpu.memory_space<vmem>> -> memref<125xi32, #tpu.memory_space<vmem>>
      %dma_start3A_240 = arith.constant 0 : i32
      %dma_start3A_241 = arith.constant 0 : i32
      %dma_start3A_242 = tpu.memref_slice %arg15[%dma_start3A_240, %dma_start3A_241] : memref<10240x32xf32, #tpu.memory_space<vmem_shared>> -> memref<10240x32xf32, #tpu.memory_space<vmem_shared>>
      tpu.enqueue_indirect_dma source(%dma_start3A_242 : memref<10240x32xf32, #tpu.memory_space<vmem_shared>>) target(%arg11 : memref<125x32xf32, #tpu.memory_space<vmem>>) offsets(%dma_start3A_239 : memref<125xi32, #tpu.memory_space<vmem>>) semaphore(%arg18 : memref<!tpu.dma_semaphore, #tpu.memory_space<semaphore_mem>>)
      %dma_wait3A_243 = arith.constant 0 : i32
      %dma_wait3A_244 = arith.constant 0 : i32
      %dma_wait3A_245 = tpu.memref_slice %arg8[%dma_wait3A_243, %dma_wait3A_244] : memref<80x125xi32, #tpu.memory_space<vmem>> -> memref<1x125xi32, #tpu.memory_space<vmem>>
      %dma_wait3A_246 = tpu.memref_squeeze %dma_wait3A_245 : memref<1x125xi32, #tpu.memory_space<vmem>> -> memref<125xi32, #tpu.memory_space<vmem>>
      %dma_wait3A_247 = arith.constant 0 : i32
      %dma_wait3A_248 = arith.constant 0 : i32
      %dma_wait3A_249 = tpu.memref_slice %arg14[%dma_wait3A_247, %dma_wait3A_248] : memref<10240x32xf32, #tpu.memory_space<vmem_shared>> -> memref<10240x32xf32, #tpu.memory_space<vmem_shared>>
      tpu.wait_indirect_dma semaphore(%arg23 : memref<!tpu.dma_semaphore, #tpu.memory_space<semaphore_mem>>) src(%arg12 : memref<125x32xf32, #tpu.memory_space<vmem>>) dst(%dma_wait3A_249 : memref<10240x32xf32, #tpu.memory_space<vmem_shared>>)
      %add3A_250 = arith.constant 4 : i32
      %add3A_251 = arith.addi %mul3A_131, %add3A_250 : i32
      %add3A_252 = arith.constant 3 : i32
      %add3A_253 = arith.addi %add3A_251, %add3A_252 : i32
      %dma_start3A_254 = arith.constant 0 : i32
      %dma_start3A_255 = tpu.memref_slice %arg7[%add3A_253, %dma_start3A_254] : memref<80x125xi32, #tpu.memory_space<vmem>> -> memref<1x125xi32, #tpu.memory_space<vmem>>
      %dma_start3A_256 = tpu.memref_squeeze %dma_start3A_255 : memref<1x125xi32, #tpu.memory_space<vmem>> -> memref<125xi32, #tpu.memory_space<vmem>>
      %dma_start3A_257 = arith.constant 0 : i32
      %dma_start3A_258 = arith.constant 0 : i32
      %dma_start3A_259 = tpu.memref_slice %arg15[%dma_start3A_257, %dma_start3A_258] : memref<10240x32xf32, #tpu.memory_space<vmem_shared>> -> memref<10240x32xf32, #tpu.memory_space<vmem_shared>>
      tpu.enqueue_indirect_dma source(%dma_start3A_259 : memref<10240x32xf32, #tpu.memory_space<vmem_shared>>) target(%arg12 : memref<125x32xf32, #tpu.memory_space<vmem>>) offsets(%dma_start3A_256 : memref<125xi32, #tpu.memory_space<vmem>>) semaphore(%arg19 : memref<!tpu.dma_semaphore, #tpu.memory_space<semaphore_mem>>)
    }
    %scan3A_40 = arith.constant 19 : i32
    %dma_wait3A = arith.constant 0 : i32
    %dma_wait3A_41 = arith.constant 0 : i32
    %dma_wait3A_42 = tpu.memref_slice %arg7[%dma_wait3A, %dma_wait3A_41] : memref<80x125xi32, #tpu.memory_space<vmem>> -> memref<1x125xi32, #tpu.memory_space<vmem>>
    %dma_wait3A_43 = tpu.memref_squeeze %dma_wait3A_42 : memref<1x125xi32, #tpu.memory_space<vmem>> -> memref<125xi32, #tpu.memory_space<vmem>>
    %dma_wait3A_44 = arith.constant 0 : i32
    %dma_wait3A_45 = arith.constant 0 : i32
    %dma_wait3A_46 = tpu.memref_slice %arg15[%dma_wait3A_44, %dma_wait3A_45] : memref<10240x32xf32, #tpu.memory_space<vmem_shared>> -> memref<10240x32xf32, #tpu.memory_space<vmem_shared>>
    tpu.wait_indirect_dma semaphore(%arg16 : memref<!tpu.dma_semaphore, #tpu.memory_space<semaphore_mem>>) src(%dma_wait3A_46 : memref<10240x32xf32, #tpu.memory_space<vmem_shared>>) dst(%arg9 : memref<125x32xf32, #tpu.memory_space<vmem>>)
    %dma_start3A_47 = arith.constant 76 : i32
    %dma_start3A_48 = arith.constant 0 : i32
    %dma_start3A_49 = tpu.memref_slice %arg8[%dma_start3A_47, %dma_start3A_48] : memref<80x125xi32, #tpu.memory_space<vmem>> -> memref<1x125xi32, #tpu.memory_space<vmem>>
    %dma_start3A_50 = tpu.memref_squeeze %dma_start3A_49 : memref<1x125xi32, #tpu.memory_space<vmem>> -> memref<125xi32, #tpu.memory_space<vmem>>
    %dma_start3A_51 = arith.constant 0 : i32
    %dma_start3A_52 = arith.constant 0 : i32
    %dma_start3A_53 = tpu.memref_slice %arg14[%dma_start3A_51, %dma_start3A_52] : memref<10240x32xf32, #tpu.memory_space<vmem_shared>> -> memref<10240x32xf32, #tpu.memory_space<vmem_shared>>
    tpu.enqueue_indirect_dma source(%arg9 : memref<125x32xf32, #tpu.memory_space<vmem>>) target(%dma_start3A_53 : memref<10240x32xf32, #tpu.memory_space<vmem_shared>>) offsets(%dma_start3A_50 : memref<125xi32, #tpu.memory_space<vmem>>) semaphore(%arg20 : memref<!tpu.dma_semaphore, #tpu.memory_space<semaphore_mem>>) {add = true}
    %dma_wait3A_54 = arith.constant 0 : i32
    %dma_wait3A_55 = arith.constant 0 : i32
    %dma_wait3A_56 = tpu.memref_slice %arg7[%dma_wait3A_54, %dma_wait3A_55] : memref<80x125xi32, #tpu.memory_space<vmem>> -> memref<1x125xi32, #tpu.memory_space<vmem>>
    %dma_wait3A_57 = tpu.memref_squeeze %dma_wait3A_56 : memref<1x125xi32, #tpu.memory_space<vmem>> -> memref<125xi32, #tpu.memory_space<vmem>>
    %dma_wait3A_58 = arith.constant 0 : i32
    %dma_wait3A_59 = arith.constant 0 : i32
    %dma_wait3A_60 = tpu.memref_slice %arg15[%dma_wait3A_58, %dma_wait3A_59] : memref<10240x32xf32, #tpu.memory_space<vmem_shared>> -> memref<10240x32xf32, #tpu.memory_space<vmem_shared>>
    tpu.wait_indirect_dma semaphore(%arg17 : memref<!tpu.dma_semaphore, #tpu.memory_space<semaphore_mem>>) src(%dma_wait3A_60 : memref<10240x32xf32, #tpu.memory_space<vmem_shared>>) dst(%arg10 : memref<125x32xf32, #tpu.memory_space<vmem>>)
    %dma_start3A_61 = arith.constant 77 : i32
    %dma_start3A_62 = arith.constant 0 : i32
    %dma_start3A_63 = tpu.memref_slice %arg8[%dma_start3A_61, %dma_start3A_62] : memref<80x125xi32, #tpu.memory_space<vmem>> -> memref<1x125xi32, #tpu.memory_space<vmem>>
    %dma_start3A_64 = tpu.memref_squeeze %dma_start3A_63 : memref<1x125xi32, #tpu.memory_space<vmem>> -> memref<125xi32, #tpu.memory_space<vmem>>
    %dma_start3A_65 = arith.constant 0 : i32
    %dma_start3A_66 = arith.constant 0 : i32
    %dma_start3A_67 = tpu.memref_slice %arg14[%dma_start3A_65, %dma_start3A_66] : memref<10240x32xf32, #tpu.memory_space<vmem_shared>> -> memref<10240x32xf32, #tpu.memory_space<vmem_shared>>
    tpu.enqueue_indirect_dma source(%arg10 : memref<125x32xf32, #tpu.memory_space<vmem>>) target(%dma_start3A_67 : memref<10240x32xf32, #tpu.memory_space<vmem_shared>>) offsets(%dma_start3A_64 : memref<125xi32, #tpu.memory_space<vmem>>) semaphore(%arg21 : memref<!tpu.dma_semaphore, #tpu.memory_space<semaphore_mem>>) {add = true}
    %dma_wait3A_68 = arith.constant 0 : i32
    %dma_wait3A_69 = arith.constant 0 : i32
    %dma_wait3A_70 = tpu.memref_slice %arg7[%dma_wait3A_68, %dma_wait3A_69] : memref<80x125xi32, #tpu.memory_space<vmem>> -> memref<1x125xi32, #tpu.memory_space<vmem>>
    %dma_wait3A_71 = tpu.memref_squeeze %dma_wait3A_70 : memref<1x125xi32, #tpu.memory_space<vmem>> -> memref<125xi32, #tpu.memory_space<vmem>>
    %dma_wait3A_72 = arith.constant 0 : i32
    %dma_wait3A_73 = arith.constant 0 : i32
    %dma_wait3A_74 = tpu.memref_slice %arg15[%dma_wait3A_72, %dma_wait3A_73] : memref<10240x32xf32, #tpu.memory_space<vmem_shared>> -> memref<10240x32xf32, #tpu.memory_space<vmem_shared>>
    tpu.wait_indirect_dma semaphore(%arg18 : memref<!tpu.dma_semaphore, #tpu.memory_space<semaphore_mem>>) src(%dma_wait3A_74 : memref<10240x32xf32, #tpu.memory_space<vmem_shared>>) dst(%arg11 : memref<125x32xf32, #tpu.memory_space<vmem>>)
    %dma_start3A_75 = arith.constant 78 : i32
    %dma_start3A_76 = arith.constant 0 : i32
    %dma_start3A_77 = tpu.memref_slice %arg8[%dma_start3A_75, %dma_start3A_76] : memref<80x125xi32, #tpu.memory_space<vmem>> -> memref<1x125xi32, #tpu.memory_space<vmem>>
    %dma_start3A_78 = tpu.memref_squeeze %dma_start3A_77 : memref<1x125xi32, #tpu.memory_space<vmem>> -> memref<125xi32, #tpu.memory_space<vmem>>
    %dma_start3A_79 = arith.constant 0 : i32
    %dma_start3A_80 = arith.constant 0 : i32
    %dma_start3A_81 = tpu.memref_slice %arg14[%dma_start3A_79, %dma_start3A_80] : memref<10240x32xf32, #tpu.memory_space<vmem_shared>> -> memref<10240x32xf32, #tpu.memory_space<vmem_shared>>
    tpu.enqueue_indirect_dma source(%arg11 : memref<125x32xf32, #tpu.memory_space<vmem>>) target(%dma_start3A_81 : memref<10240x32xf32, #tpu.memory_space<vmem_shared>>) offsets(%dma_start3A_78 : memref<125xi32, #tpu.memory_space<vmem>>) semaphore(%arg22 : memref<!tpu.dma_semaphore, #tpu.memory_space<semaphore_mem>>) {add = true}
    %dma_wait3A_82 = arith.constant 0 : i32
    %dma_wait3A_83 = arith.constant 0 : i32
    %dma_wait3A_84 = tpu.memref_slice %arg7[%dma_wait3A_82, %dma_wait3A_83] : memref<80x125xi32, #tpu.memory_space<vmem>> -> memref<1x125xi32, #tpu.memory_space<vmem>>
    %dma_wait3A_85 = tpu.memref_squeeze %dma_wait3A_84 : memref<1x125xi32, #tpu.memory_space<vmem>> -> memref<125xi32, #tpu.memory_space<vmem>>
    %dma_wait3A_86 = arith.constant 0 : i32
    %dma_wait3A_87 = arith.constant 0 : i32
    %dma_wait3A_88 = tpu.memref_slice %arg15[%dma_wait3A_86, %dma_wait3A_87] : memref<10240x32xf32, #tpu.memory_space<vmem_shared>> -> memref<10240x32xf32, #tpu.memory_space<vmem_shared>>
    tpu.wait_indirect_dma semaphore(%arg19 : memref<!tpu.dma_semaphore, #tpu.memory_space<semaphore_mem>>) src(%dma_wait3A_88 : memref<10240x32xf32, #tpu.memory_space<vmem_shared>>) dst(%arg12 : memref<125x32xf32, #tpu.memory_space<vmem>>)
    %dma_start3A_89 = arith.constant 79 : i32
    %dma_start3A_90 = arith.constant 0 : i32
    %dma_start3A_91 = tpu.memref_slice %arg8[%dma_start3A_89, %dma_start3A_90] : memref<80x125xi32, #tpu.memory_space<vmem>> -> memref<1x125xi32, #tpu.memory_space<vmem>>
    %dma_start3A_92 = tpu.memref_squeeze %dma_start3A_91 : memref<1x125xi32, #tpu.memory_space<vmem>> -> memref<125xi32, #tpu.memory_space<vmem>>
    %dma_start3A_93 = arith.constant 0 : i32
    %dma_start3A_94 = arith.constant 0 : i32
    %dma_start3A_95 = tpu.memref_slice %arg14[%dma_start3A_93, %dma_start3A_94] : memref<10240x32xf32, #tpu.memory_space<vmem_shared>> -> memref<10240x32xf32, #tpu.memory_space<vmem_shared>>
    tpu.enqueue_indirect_dma source(%arg12 : memref<125x32xf32, #tpu.memory_space<vmem>>) target(%dma_start3A_95 : memref<10240x32xf32, #tpu.memory_space<vmem_shared>>) offsets(%dma_start3A_92 : memref<125xi32, #tpu.memory_space<vmem>>) semaphore(%arg23 : memref<!tpu.dma_semaphore, #tpu.memory_space<semaphore_mem>>) {add = true}
    %dma_wait3A_96 = arith.constant 0 : i32
    %dma_wait3A_97 = arith.constant 0 : i32
    %dma_wait3A_98 = tpu.memref_slice %arg8[%dma_wait3A_96, %dma_wait3A_97] : memref<80x125xi32, #tpu.memory_space<vmem>> -> memref<1x125xi32, #tpu.memory_space<vmem>>
    %dma_wait3A_99 = tpu.memref_squeeze %dma_wait3A_98 : memref<1x125xi32, #tpu.memory_space<vmem>> -> memref<125xi32, #tpu.memory_space<vmem>>
    %dma_wait3A_100 = arith.constant 0 : i32
    %dma_wait3A_101 = arith.constant 0 : i32
    %dma_wait3A_102 = tpu.memref_slice %arg14[%dma_wait3A_100, %dma_wait3A_101] : memref<10240x32xf32, #tpu.memory_space<vmem_shared>> -> memref<10240x32xf32, #tpu.memory_space<vmem_shared>>
    tpu.wait_indirect_dma semaphore(%arg20 : memref<!tpu.dma_semaphore, #tpu.memory_space<semaphore_mem>>) src(%arg9 : memref<125x32xf32, #tpu.memory_space<vmem>>) dst(%dma_wait3A_102 : memref<10240x32xf32, #tpu.memory_space<vmem_shared>>)
    %dma_wait3A_103 = arith.constant 0 : i32
    %dma_wait3A_104 = arith.constant 0 : i32
    %dma_wait3A_105 = tpu.memref_slice %arg8[%dma_wait3A_103, %dma_wait3A_104] : memref<80x125xi32, #tpu.memory_space<vmem>> -> memref<1x125xi32, #tpu.memory_space<vmem>>
    %dma_wait3A_106 = tpu.memref_squeeze %dma_wait3A_105 : memref<1x125xi32, #tpu.memory_space<vmem>> -> memref<125xi32, #tpu.memory_space<vmem>>
    %dma_wait3A_107 = arith.constant 0 : i32
    %dma_wait3A_108 = arith.constant 0 : i32
    %dma_wait3A_109 = tpu.memref_slice %arg14[%dma_wait3A_107, %dma_wait3A_108] : memref<10240x32xf32, #tpu.memory_space<vmem_shared>> -> memref<10240x32xf32, #tpu.memory_space<vmem_shared>>
    tpu.wait_indirect_dma semaphore(%arg21 : memref<!tpu.dma_semaphore, #tpu.memory_space<semaphore_mem>>) src(%arg10 : memref<125x32xf32, #tpu.memory_space<vmem>>) dst(%dma_wait3A_109 : memref<10240x32xf32, #tpu.memory_space<vmem_shared>>)
    %dma_wait3A_110 = arith.constant 0 : i32
    %dma_wait3A_111 = arith.constant 0 : i32
    %dma_wait3A_112 = tpu.memref_slice %arg8[%dma_wait3A_110, %dma_wait3A_111] : memref<80x125xi32, #tpu.memory_space<vmem>> -> memref<1x125xi32, #tpu.memory_space<vmem>>
    %dma_wait3A_113 = tpu.memref_squeeze %dma_wait3A_112 : memref<1x125xi32, #tpu.memory_space<vmem>> -> memref<125xi32, #tpu.memory_space<vmem>>
    %dma_wait3A_114 = arith.constant 0 : i32
    %dma_wait3A_115 = arith.constant 0 : i32
    %dma_wait3A_116 = tpu.memref_slice %arg14[%dma_wait3A_114, %dma_wait3A_115] : memref<10240x32xf32, #tpu.memory_space<vmem_shared>> -> memref<10240x32xf32, #tpu.memory_space<vmem_shared>>
    tpu.wait_indirect_dma semaphore(%arg22 : memref<!tpu.dma_semaphore, #tpu.memory_space<semaphore_mem>>) src(%arg11 : memref<125x32xf32, #tpu.memory_space<vmem>>) dst(%dma_wait3A_116 : memref<10240x32xf32, #tpu.memory_space<vmem_shared>>)
    %dma_wait3A_117 = arith.constant 0 : i32
    %dma_wait3A_118 = arith.constant 0 : i32
    %dma_wait3A_119 = tpu.memref_slice %arg8[%dma_wait3A_117, %dma_wait3A_118] : memref<80x125xi32, #tpu.memory_space<vmem>> -> memref<1x125xi32, #tpu.memory_space<vmem>>
    %dma_wait3A_120 = tpu.memref_squeeze %dma_wait3A_119 : memref<1x125xi32, #tpu.memory_space<vmem>> -> memref<125xi32, #tpu.memory_space<vmem>>
    %dma_wait3A_121 = arith.constant 0 : i32
    %dma_wait3A_122 = arith.constant 0 : i32
    %dma_wait3A_123 = tpu.memref_slice %arg14[%dma_wait3A_121, %dma_wait3A_122] : memref<10240x32xf32, #tpu.memory_space<vmem_shared>> -> memref<10240x32xf32, #tpu.memory_space<vmem_shared>>
    tpu.wait_indirect_dma semaphore(%arg23 : memref<!tpu.dma_semaphore, #tpu.memory_space<semaphore_mem>>) src(%arg12 : memref<125x32xf32, #tpu.memory_space<vmem>>) dst(%dma_wait3A_123 : memref<10240x32xf32, #tpu.memory_space<vmem_shared>>)
    %barrier3A_124 = arith.constant 0 : index
    tpu.barrier barrier_id(%barrier3A_124)
    %mul3A_125 = arith.constant 640 : i32
    %mul3A_126 = arith.muli %arg1, %mul3A_125 : i32
    "tpu.region"() ({
      %run_scoped3A = tpu.sem_alloc : memref<!tpu.dma_semaphore, #tpu.memory_space<semaphore_mem>>
      %dma_start3A_129 = arith.constant 0 : i32
      %dma_start3A_130 = tpu.memref_slice %arg14[%mul3A_126, %dma_start3A_129] : memref<10240x32xf32, #tpu.memory_space<vmem_shared>> -> memref<640x32xf32, #tpu.memory_space<vmem_shared>>
      %dma_start3A_131 = arith.constant 0 : i32
      %dma_start3A_132 = tpu.memref_slice %arg14[%mul3A_126, %dma_start3A_131] : memref<10240x32xf32, #tpu.memory_space<vmem_shared>> -> memref<640x32xf32, #tpu.memory_space<vmem_shared>>
      tpu.enqueue_dma source(%dma_start3A_132 : memref<640x32xf32, #tpu.memory_space<vmem_shared>>) target(%arg13 : memref<640x32xf32, #tpu.memory_space<vmem>>) target_semaphore(%run_scoped3A : memref<!tpu.dma_semaphore, #tpu.memory_space<semaphore_mem>>)
      %dma_wait3A_133 = arith.constant 0 : i32
      %dma_wait3A_134 = tpu.memref_slice %arg14[%mul3A_126, %dma_wait3A_133] : memref<10240x32xf32, #tpu.memory_space<vmem_shared>> -> memref<640x32xf32, #tpu.memory_space<vmem_shared>>
      %dma_wait3A_135 = arith.constant 0 : i32
      %dma_wait3A_136 = tpu.memref_slice %arg14[%mul3A_126, %dma_wait3A_135] : memref<10240x32xf32, #tpu.memory_space<vmem_shared>> -> memref<640x32xf32, #tpu.memory_space<vmem_shared>>
      tpu.wait_dma2 semaphore(%run_scoped3A : memref<!tpu.dma_semaphore, #tpu.memory_space<semaphore_mem>>) src(%dma_wait3A_136 : memref<640x32xf32, #tpu.memory_space<vmem_shared>>) dst(%arg13 : memref<640x32xf32, #tpu.memory_space<vmem>>)
      tpu.yield
    }) : () -> ()
    %mul3A_127 = arith.constant 640 : i32
    %mul3A_128 = arith.muli %arg1, %mul3A_127 : i32
    "tpu.region"() ({
      %run_scoped3A = tpu.sem_alloc : memref<!tpu.dma_semaphore, #tpu.memory_space<semaphore_mem>>
      %dma_start3A_129 = arith.constant 0 : i32
      %dma_start3A_130 = tpu.memref_slice %arg6[%arg0, %mul3A_128, %dma_start3A_129] : memref<2x10240x32xf32, #tpu.memory_space<hbm>> -> memref<1x640x32xf32, #tpu.memory_space<hbm>>
      %dma_start3A_131 = tpu.memref_squeeze %dma_start3A_130 : memref<1x640x32xf32, #tpu.memory_space<hbm>> -> memref<640x32xf32, #tpu.memory_space<hbm>>
      %dma_start3A_132 = arith.constant 0 : i32
      %dma_start3A_133 = tpu.memref_slice %arg6[%arg0, %mul3A_128, %dma_start3A_132] : memref<2x10240x32xf32, #tpu.memory_space<hbm>> -> memref<1x640x32xf32, #tpu.memory_space<hbm>>
      %dma_start3A_134 = tpu.memref_squeeze %dma_start3A_133 : memref<1x640x32xf32, #tpu.memory_space<hbm>> -> memref<640x32xf32, #tpu.memory_space<hbm>>
      tpu.enqueue_dma source(%arg13 : memref<640x32xf32, #tpu.memory_space<vmem>>) target(%dma_start3A_134 : memref<640x32xf32, #tpu.memory_space<hbm>>) target_semaphore(%run_scoped3A : memref<!tpu.dma_semaphore, #tpu.memory_space<semaphore_mem>>)
      %dma_wait3A_135 = arith.constant 0 : i32
      %dma_wait3A_136 = tpu.memref_slice %arg6[%arg0, %mul3A_128, %dma_wait3A_135] : memref<2x10240x32xf32, #tpu.memory_space<hbm>> -> memref<1x640x32xf32, #tpu.memory_space<hbm>>
      %dma_wait3A_137 = tpu.memref_squeeze %dma_wait3A_136 : memref<1x640x32xf32, #tpu.memory_space<hbm>> -> memref<640x32xf32, #tpu.memory_space<hbm>>
      %dma_wait3A_138 = arith.constant 0 : i32
      %dma_wait3A_139 = tpu.memref_slice %arg6[%arg0, %mul3A_128, %dma_wait3A_138] : memref<2x10240x32xf32, #tpu.memory_space<hbm>> -> memref<1x640x32xf32, #tpu.memory_space<hbm>>
      %dma_wait3A_140 = tpu.memref_squeeze %dma_wait3A_139 : memref<1x640x32xf32, #tpu.memory_space<hbm>> -> memref<640x32xf32, #tpu.memory_space<hbm>>
      tpu.wait_dma2 semaphore(%run_scoped3A : memref<!tpu.dma_semaphore, #tpu.memory_space<semaphore_mem>>) src(%arg13 : memref<640x32xf32, #tpu.memory_space<vmem>>) dst(%dma_wait3A_140 : memref<640x32xf32, #tpu.memory_space<hbm>>)
      tpu.yield
    }) : () -> ()
    return
  }
}

module attributes {stable_mosaic.version = 14 : i64} {
  func.func @_z1_body(%arg0: i32, %arg1: memref<256x128xf32, #tpu.memory_space<vmem>>, %arg2: memref<256x128xf32, #tpu.memory_space<vmem>>, %arg3: memref<256x128xf32, #tpu.memory_space<vmem>>, %arg4: memref<256x128xf32, #tpu.memory_space<vmem>>, %arg5: memref<4x128x128xf32, #tpu.memory_space<vmem>>, %arg6: memref<256x128xf32, #tpu.memory_space<vmem>>) attributes {dimension_semantics = [#tpu.dimension_semantics<arbitrary>], iteration_bounds = array<i64: 10>, scalar_prefetch = 0 : i64, scratch_operands = 0 : i64, tpu.core_type = #tpu.core_type<tc>, window_params = [{transform_indices = @transform_0, window_bounds = array<i64: 256, 128>}, {transform_indices = @transform_1, window_bounds = array<i64: 256, 128>}, {transform_indices = @transform_2, window_bounds = array<i64: 256, 128>}, {transform_indices = @transform_3, window_bounds = array<i64: 256, 128>}, {pipeline_mode = #tpu.pipeline_mode<synchronous>, transform_indices = @transform_4, window_bounds = array<i64: 4, 128, 128>}, {transform_indices = @transform_5, window_bounds = array<i64: 256, 128>}]} {
    %broadcast_in_dim3A = arith.constant 0.000000e+00 : f32
    %broadcast_in_dim3A_0 = vector.broadcast %broadcast_in_dim3A : f32 to vector<256x128xf32>
    %get3A = arith.constant 0 : index
    %get3A_1 = arith.constant 0 : index
    %get3A_2 = vector.load %arg1[%get3A, %get3A_1] : memref<256x128xf32, #tpu.memory_space<vmem>>, vector<256x128xf32>
    %get3A_3 = arith.constant 0 : index
    %get3A_4 = arith.constant 0 : index
    %get3A_5 = arith.constant 0 : index
    %get3A_6 = vector.load %arg5[%get3A_3, %get3A_4, %get3A_5] : memref<4x128x128xf32, #tpu.memory_space<vmem>>, vector<1x128x128xf32>
    %get3A_7 = vector.shape_cast %get3A_6 : vector<1x128x128xf32> to vector<128x128xf32>
    %dot_general3A = arith.constant dense<0.000000e+00> : vector<256x128xf32>
    %dot_general3A_8 = tpu.matmul %get3A_2, %get3A_7, %dot_general3A {dimension_numbers = #tpu.dot_dimension_numbers<[1], [0], [0], [1], [0, 0, 1, 1], [], []>, transpose_lhs_hint = false} : vector<256x128xf32>, vector<128x128xf32>, vector<256x128xf32> -> vector<256x128xf32>
    %add3A = arith.addf %broadcast_in_dim3A_0, %dot_general3A_8 : vector<256x128xf32>
    %get3A_9 = arith.constant 0 : index
    %get3A_10 = arith.constant 0 : index
    %get3A_11 = vector.load %arg2[%get3A_9, %get3A_10] : memref<256x128xf32, #tpu.memory_space<vmem>>, vector<256x128xf32>
    %get3A_12 = arith.constant 1 : index
    %get3A_13 = arith.constant 0 : index
    %get3A_14 = arith.constant 0 : index
    %get3A_15 = vector.load %arg5[%get3A_12, %get3A_13, %get3A_14] : memref<4x128x128xf32, #tpu.memory_space<vmem>>, vector<1x128x128xf32>
    %get3A_16 = vector.shape_cast %get3A_15 : vector<1x128x128xf32> to vector<128x128xf32>
    %dot_general3A_17 = arith.constant dense<0.000000e+00> : vector<256x128xf32>
    %dot_general3A_18 = tpu.matmul %get3A_11, %get3A_16, %dot_general3A_17 {dimension_numbers = #tpu.dot_dimension_numbers<[1], [0], [0], [1], [0, 0, 1, 1], [], []>, transpose_lhs_hint = false} : vector<256x128xf32>, vector<128x128xf32>, vector<256x128xf32> -> vector<256x128xf32>
    %add3A_19 = arith.addf %add3A, %dot_general3A_18 : vector<256x128xf32>
    %get3A_20 = arith.constant 0 : index
    %get3A_21 = arith.constant 0 : index
    %get3A_22 = vector.load %arg3[%get3A_20, %get3A_21] : memref<256x128xf32, #tpu.memory_space<vmem>>, vector<256x128xf32>
    %get3A_23 = arith.constant 2 : index
    %get3A_24 = arith.constant 0 : index
    %get3A_25 = arith.constant 0 : index
    %get3A_26 = vector.load %arg5[%get3A_23, %get3A_24, %get3A_25] : memref<4x128x128xf32, #tpu.memory_space<vmem>>, vector<1x128x128xf32>
    %get3A_27 = vector.shape_cast %get3A_26 : vector<1x128x128xf32> to vector<128x128xf32>
    %dot_general3A_28 = arith.constant dense<0.000000e+00> : vector<256x128xf32>
    %dot_general3A_29 = tpu.matmul %get3A_22, %get3A_27, %dot_general3A_28 {dimension_numbers = #tpu.dot_dimension_numbers<[1], [0], [0], [1], [0, 0, 1, 1], [], []>, transpose_lhs_hint = false} : vector<256x128xf32>, vector<128x128xf32>, vector<256x128xf32> -> vector<256x128xf32>
    %add3A_30 = arith.addf %add3A_19, %dot_general3A_29 : vector<256x128xf32>
    %get3A_31 = arith.constant 0 : index
    %get3A_32 = arith.constant 0 : index
    %get3A_33 = vector.load %arg4[%get3A_31, %get3A_32] : memref<256x128xf32, #tpu.memory_space<vmem>>, vector<256x128xf32>
    %get3A_34 = arith.constant 3 : index
    %get3A_35 = arith.constant 0 : index
    %get3A_36 = arith.constant 0 : index
    %get3A_37 = vector.load %arg5[%get3A_34, %get3A_35, %get3A_36] : memref<4x128x128xf32, #tpu.memory_space<vmem>>, vector<1x128x128xf32>
    %get3A_38 = vector.shape_cast %get3A_37 : vector<1x128x128xf32> to vector<128x128xf32>
    %dot_general3A_39 = arith.constant dense<0.000000e+00> : vector<256x128xf32>
    %dot_general3A_40 = tpu.matmul %get3A_33, %get3A_38, %dot_general3A_39 {dimension_numbers = #tpu.dot_dimension_numbers<[1], [0], [0], [1], [0, 0, 1, 1], [], []>, transpose_lhs_hint = false} : vector<256x128xf32>, vector<128x128xf32>, vector<256x128xf32> -> vector<256x128xf32>
    %add3A_41 = arith.addf %add3A_30, %dot_general3A_40 : vector<256x128xf32>
    %swap3A = arith.constant 0 : index
    %swap3A_42 = arith.constant 0 : index
    %swap3A_43 = vector.load %arg6[%swap3A, %swap3A_42] : memref<256x128xf32, #tpu.memory_space<vmem>>, vector<256x128xf32>
    tpu.vector_store %arg6[%swap3A, %swap3A_42], %add3A_41 {strides = array<i32>} : memref<256x128xf32, #tpu.memory_space<vmem>>, vector<256x128xf32>,
    return
  }
  func.func @transform_0(%arg0: i32) -> (i32, i32) {
    %add3A = arith.constant 0 : i32
    %add3A_0 = arith.addi %add3A, %arg0 : i32
    %c0_i32 = arith.constant 0 : i32
    %c0_i32_1 = arith.constant 0 : i32
    return %add3A_0, %c0_i32 : i32, i32
  }
  func.func @transform_1(%arg0: i32) -> (i32, i32) {
    %add3A = arith.constant 10 : i32
    %add3A_0 = arith.addi %add3A, %arg0 : i32
    %c0_i32 = arith.constant 0 : i32
    %c0_i32_1 = arith.constant 0 : i32
    return %add3A_0, %c0_i32 : i32, i32
  }
  func.func @transform_2(%arg0: i32) -> (i32, i32) {
    %add3A = arith.constant 20 : i32
    %add3A_0 = arith.addi %add3A, %arg0 : i32
    %c0_i32 = arith.constant 0 : i32
    %c0_i32_1 = arith.constant 0 : i32
    return %add3A_0, %c0_i32 : i32, i32
  }
  func.func @transform_3(%arg0: i32) -> (i32, i32) {
    %add3A = arith.constant 30 : i32
    %add3A_0 = arith.addi %add3A, %arg0 : i32
    %c0_i32 = arith.constant 0 : i32
    %c0_i32_1 = arith.constant 0 : i32
    return %add3A_0, %c0_i32 : i32, i32
  }
  func.func @transform_4(%arg0: i32) -> (i32, i32, i32) {
    %c0_i32 = arith.constant 0 : i32
    %c0_i32_0 = arith.constant 0 : i32
    %c0_i32_1 = arith.constant 0 : i32
    %c0_i32_2 = arith.constant 0 : i32
    return %c0_i32, %c0_i32_0, %c0_i32_1 : i32, i32, i32
  }
  func.func @transform_5(%arg0: i32) -> (i32, i32) {
    %c0_i32 = arith.constant 0 : i32
    %c0_i32_0 = arith.constant 0 : i32
    return %arg0, %c0_i32 : i32, i32
  }
}

module attributes {stable_mosaic.version = 14 : i64} {
  func.func @_pre_body(%arg0: i32, %arg1: memref<256x128xf32, #tpu.memory_space<vmem>>, %arg2: memref<2x256xf32, #tpu.memory_space<vmem>>, %arg3: memref<2x256xf32, #tpu.memory_space<vmem>>, %arg4: memref<2x256xf32, #tpu.memory_space<vmem>>, %arg5: memref<2x256xf32, #tpu.memory_space<vmem>>, %arg6: memref<256x128xf32, #tpu.memory_space<vmem>>, %arg7: memref<256x128xf32, #tpu.memory_space<vmem>>) attributes {dimension_semantics = [#tpu.dimension_semantics<arbitrary>], iteration_bounds = array<i64: 10>, scalar_prefetch = 0 : i64, scratch_operands = 0 : i64, tpu.core_type = #tpu.core_type<tc>, window_params = [{transform_indices = @transform_0, window_bounds = array<i64: 256, 128>}, {transform_indices = @transform_1, window_bounds = array<i64: 2, 256>}, {transform_indices = @transform_2, window_bounds = array<i64: 2, 256>}, {transform_indices = @transform_3, window_bounds = array<i64: 2, 256>}, {transform_indices = @transform_4, window_bounds = array<i64: 2, 256>}, {transform_indices = @transform_5, window_bounds = array<i64: 256, 128>}, {transform_indices = @transform_6, window_bounds = array<i64: 256, 128>}]} {
    %iota3A = tpu.iota {dimensions = array<i32: 1>} : vector<256x128xi32>
    %jit3A = arith.constant 32 : i32
    %div3A = vector.broadcast %jit3A : i32 to vector<256x128xi32>
    %div3A_0 = arith.divsi %iota3A, %div3A : vector<256x128xi32>
    %sign3A = arith.constant 0 : i32
    %sign3A_1 = vector.broadcast %sign3A : i32 to vector<256x128xi32>
    %sign3A_2 = arith.cmpi sgt, %iota3A, %sign3A_1 : vector<256x128xi32>
    %sign3A_3 = arith.extui %sign3A_2 : vector<256x128xi1> to vector<256x128xi32>
    %sign3A_4 = arith.constant 0 : i32
    %sign3A_5 = vector.broadcast %sign3A_4 : i32 to vector<256x128xi32>
    %sign3A_6 = arith.cmpi slt, %iota3A, %sign3A_5 : vector<256x128xi32>
    %sign3A_7 = arith.extui %sign3A_6 : vector<256x128xi1> to vector<256x128xi32>
    %sign3A_8 = arith.subi %sign3A_3, %sign3A_7 : vector<256x128xi32>
    %sign3A_9 = arith.constant 0 : i32
    %sign3A_10 = arith.cmpi sgt, %jit3A, %sign3A_9 : i32
    %sign3A_11 = arith.extui %sign3A_10 : i1 to i32
    %sign3A_12 = arith.constant 0 : i32
    %sign3A_13 = arith.cmpi slt, %jit3A, %sign3A_12 : i32
    %sign3A_14 = arith.extui %sign3A_13 : i1 to i32
    %sign3A_15 = arith.subi %sign3A_11, %sign3A_14 : i32
    %ne3A = vector.broadcast %sign3A_15 : i32 to vector<256x128xi32>
    %ne3A_16 = arith.cmpi ne, %sign3A_8, %ne3A : vector<256x128xi32>
    %rem3A = vector.broadcast %jit3A : i32 to vector<256x128xi32>
    %rem3A_17 = arith.remsi %iota3A, %rem3A : vector<256x128xi32>
    %ne3A_18 = arith.constant 0 : i32
    %ne3A_19 = vector.broadcast %ne3A_18 : i32 to vector<256x128xi32>
    %ne3A_20 = arith.cmpi ne, %rem3A_17, %ne3A_19 : vector<256x128xi32>
    %and3A = arith.andi %ne3A_16, %ne3A_20 : vector<256x128xi1>
    %sub3A = arith.constant 1 : i32
    %sub3A_21 = vector.broadcast %sub3A : i32 to vector<256x128xi32>
    %sub3A_22 = arith.subi %div3A_0, %sub3A_21 : vector<256x128xi32>
    %select_n3A = arith.select %and3A, %sub3A_22, %div3A_0 : vector<256x128xi1>, vector<256x128xi32>
    %broadcast_in_dim3A = arith.constant 0.000000e+00 : f32
    %broadcast_in_dim3A_23 = vector.broadcast %broadcast_in_dim3A : f32 to vector<256x128xf32>
    %get3A = arith.constant 0 : index
    %get3A_24 = arith.constant 0 : index
    %get3A_25 = vector.load %arg2[%get3A, %get3A_24] : memref<2x256xf32, #tpu.memory_space<vmem>>, vector<1x256xf32>
    %get3A_26 = vector.shape_cast %get3A_25 : vector<1x256xf32> to vector<256xf32>
    %add3A = arith.constant 1.000000e+00 : f32
    %add3A_27 = vector.broadcast %add3A : f32 to vector<256xf32>
    %add3A_28 = arith.addf %add3A_27, %get3A_26 : vector<256xf32>
    %get3A_29 = arith.constant 1 : index
    %get3A_30 = arith.constant 0 : index
    %get3A_31 = vector.load %arg2[%get3A_29, %get3A_30] : memref<2x256xf32, #tpu.memory_space<vmem>>, vector<1x256xf32>
    %get3A_32 = vector.shape_cast %get3A_31 : vector<1x256xf32> to vector<256xf32>
    %add3A_33 = arith.addf %add3A_28, %get3A_32 : vector<256xf32>
    %rsqrt3A = math.rsqrt %add3A_33 : vector<256xf32>
    %eq3A = arith.constant 0 : i32
    %eq3A_34 = vector.broadcast %eq3A : i32 to vector<256x128xi32>
    %eq3A_35 = arith.cmpi eq, %select_n3A, %eq3A_34 : vector<256x128xi32>
    %reshape3A = vector.shape_cast %rsqrt3A : vector<256xf32> to vector<1x256xf32>
    %transpose3A = tpu.transpose %reshape3A, [1, 0] : vector<1x256xf32> -> vector<256x1xf32>
    %jit3A_36 = arith.constant 0.000000e+00 : f32
    %broadcast_in_dim3A_37 = vector.shape_cast %transpose3A : vector<256x1xf32> to vector<256x1xf32>
    %broadcast_in_dim3A_38 = vector.broadcast %broadcast_in_dim3A_37 : vector<256x1xf32> to vector<256x128xf32>
    %broadcast_in_dim3A_39 = vector.broadcast %jit3A_36 : f32 to vector<256x128xf32>
    %select_n3A_40 = arith.select %eq3A_35, %broadcast_in_dim3A_38, %broadcast_in_dim3A_39 : vector<256x128xi1>, vector<256x128xf32>
    %add3A_41 = arith.addf %broadcast_in_dim3A_23, %select_n3A_40 : vector<256x128xf32>
    %get3A_42 = arith.constant 0 : index
    %get3A_43 = arith.constant 0 : index
    %get3A_44 = vector.load %arg3[%get3A_42, %get3A_43] : memref<2x256xf32, #tpu.memory_space<vmem>>, vector<1x256xf32>
    %get3A_45 = vector.shape_cast %get3A_44 : vector<1x256xf32> to vector<256xf32>
    %add3A_46 = arith.constant 1.000000e+00 : f32
    %add3A_47 = vector.broadcast %add3A_46 : f32 to vector<256xf32>
    %add3A_48 = arith.addf %add3A_47, %get3A_45 : vector<256xf32>
    %get3A_49 = arith.constant 1 : index
    %get3A_50 = arith.constant 0 : index
    %get3A_51 = vector.load %arg3[%get3A_49, %get3A_50] : memref<2x256xf32, #tpu.memory_space<vmem>>, vector<1x256xf32>
    %get3A_52 = vector.shape_cast %get3A_51 : vector<1x256xf32> to vector<256xf32>
    %add3A_53 = arith.addf %add3A_48, %get3A_52 : vector<256xf32>
    %rsqrt3A_54 = math.rsqrt %add3A_53 : vector<256xf32>
    %eq3A_55 = arith.constant 1 : i32
    %eq3A_56 = vector.broadcast %eq3A_55 : i32 to vector<256x128xi32>
    %eq3A_57 = arith.cmpi eq, %select_n3A, %eq3A_56 : vector<256x128xi32>
    %reshape3A_58 = vector.shape_cast %rsqrt3A_54 : vector<256xf32> to vector<1x256xf32>
    %transpose3A_59 = tpu.transpose %reshape3A_58, [1, 0] : vector<1x256xf32> -> vector<256x1xf32>
    %jit3A_60 = arith.constant 0.000000e+00 : f32
    %broadcast_in_dim3A_61 = vector.shape_cast %transpose3A_59 : vector<256x1xf32> to vector<256x1xf32>
    %broadcast_in_dim3A_62 = vector.broadcast %broadcast_in_dim3A_61 : vector<256x1xf32> to vector<256x128xf32>
    %broadcast_in_dim3A_63 = vector.broadcast %jit3A_60 : f32 to vector<256x128xf32>
    %select_n3A_64 = arith.select %eq3A_57, %broadcast_in_dim3A_62, %broadcast_in_dim3A_63 : vector<256x128xi1>, vector<256x128xf32>
    %add3A_65 = arith.addf %add3A_41, %select_n3A_64 : vector<256x128xf32>
    %get3A_66 = arith.constant 0 : index
    %get3A_67 = arith.constant 0 : index
    %get3A_68 = vector.load %arg4[%get3A_66, %get3A_67] : memref<2x256xf32, #tpu.memory_space<vmem>>, vector<1x256xf32>
    %get3A_69 = vector.shape_cast %get3A_68 : vector<1x256xf32> to vector<256xf32>
    %add3A_70 = arith.constant 1.000000e+00 : f32
    %add3A_71 = vector.broadcast %add3A_70 : f32 to vector<256xf32>
    %add3A_72 = arith.addf %add3A_71, %get3A_69 : vector<256xf32>
    %get3A_73 = arith.constant 1 : index
    %get3A_74 = arith.constant 0 : index
    %get3A_75 = vector.load %arg4[%get3A_73, %get3A_74] : memref<2x256xf32, #tpu.memory_space<vmem>>, vector<1x256xf32>
    %get3A_76 = vector.shape_cast %get3A_75 : vector<1x256xf32> to vector<256xf32>
    %add3A_77 = arith.addf %add3A_72, %get3A_76 : vector<256xf32>
    %rsqrt3A_78 = math.rsqrt %add3A_77 : vector<256xf32>
    %eq3A_79 = arith.constant 2 : i32
    %eq3A_80 = vector.broadcast %eq3A_79 : i32 to vector<256x128xi32>
    %eq3A_81 = arith.cmpi eq, %select_n3A, %eq3A_80 : vector<256x128xi32>
    %reshape3A_82 = vector.shape_cast %rsqrt3A_78 : vector<256xf32> to vector<1x256xf32>
    %transpose3A_83 = tpu.transpose %reshape3A_82, [1, 0] : vector<1x256xf32> -> vector<256x1xf32>
    %jit3A_84 = arith.constant 0.000000e+00 : f32
    %broadcast_in_dim3A_85 = vector.shape_cast %transpose3A_83 : vector<256x1xf32> to vector<256x1xf32>
    %broadcast_in_dim3A_86 = vector.broadcast %broadcast_in_dim3A_85 : vector<256x1xf32> to vector<256x128xf32>
    %broadcast_in_dim3A_87 = vector.broadcast %jit3A_84 : f32 to vector<256x128xf32>
    %select_n3A_88 = arith.select %eq3A_81, %broadcast_in_dim3A_86, %broadcast_in_dim3A_87 : vector<256x128xi1>, vector<256x128xf32>
    %add3A_89 = arith.addf %add3A_65, %select_n3A_88 : vector<256x128xf32>
    %get3A_90 = arith.constant 0 : index
    %get3A_91 = arith.constant 0 : index
    %get3A_92 = vector.load %arg5[%get3A_90, %get3A_91] : memref<2x256xf32, #tpu.memory_space<vmem>>, vector<1x256xf32>
    %get3A_93 = vector.shape_cast %get3A_92 : vector<1x256xf32> to vector<256xf32>
    %add3A_94 = arith.constant 1.000000e+00 : f32
    %add3A_95 = vector.broadcast %add3A_94 : f32 to vector<256xf32>
    %add3A_96 = arith.addf %add3A_95, %get3A_93 : vector<256xf32>
    %get3A_97 = arith.constant 1 : index
    %get3A_98 = arith.constant 0 : index
    %get3A_99 = vector.load %arg5[%get3A_97, %get3A_98] : memref<2x256xf32, #tpu.memory_space<vmem>>, vector<1x256xf32>
    %get3A_100 = vector.shape_cast %get3A_99 : vector<1x256xf32> to vector<256xf32>
    %add3A_101 = arith.addf %add3A_96, %get3A_100 : vector<256xf32>
    %rsqrt3A_102 = math.rsqrt %add3A_101 : vector<256xf32>
    %eq3A_103 = arith.constant 3 : i32
    %eq3A_104 = vector.broadcast %eq3A_103 : i32 to vector<256x128xi32>
    %eq3A_105 = arith.cmpi eq, %select_n3A, %eq3A_104 : vector<256x128xi32>
    %reshape3A_106 = vector.shape_cast %rsqrt3A_102 : vector<256xf32> to vector<1x256xf32>
    %transpose3A_107 = tpu.transpose %reshape3A_106, [1, 0] : vector<1x256xf32> -> vector<256x1xf32>
    %jit3A_108 = arith.constant 0.000000e+00 : f32
    %broadcast_in_dim3A_109 = vector.shape_cast %transpose3A_107 : vector<256x1xf32> to vector<256x1xf32>
    %broadcast_in_dim3A_110 = vector.broadcast %broadcast_in_dim3A_109 : vector<256x1xf32> to vector<256x128xf32>
    %broadcast_in_dim3A_111 = vector.broadcast %jit3A_108 : f32 to vector<256x128xf32>
    %select_n3A_112 = arith.select %eq3A_105, %broadcast_in_dim3A_110, %broadcast_in_dim3A_111 : vector<256x128xi1>, vector<256x128xf32>
    %add3A_113 = arith.addf %add3A_89, %select_n3A_112 : vector<256x128xf32>
    %swap3A = arith.constant 0 : index
    %swap3A_114 = arith.constant 0 : index
    %swap3A_115 = vector.load %arg6[%swap3A, %swap3A_114] : memref<256x128xf32, #tpu.memory_space<vmem>>, vector<256x128xf32>
    tpu.vector_store %arg6[%swap3A, %swap3A_114], %add3A_113 {strides = array<i32>} : memref<256x128xf32, #tpu.memory_space<vmem>>, vector<256x128xf32>,
    %get3A_116 = arith.constant 0 : index
    %get3A_117 = arith.constant 0 : index
    %get3A_118 = vector.load %arg1[%get3A_116, %get3A_117] : memref<256x128xf32, #tpu.memory_space<vmem>>, vector<256x128xf32>
    %mul3A = arith.mulf %get3A_118, %add3A_113 : vector<256x128xf32>
    %swap3A_119 = arith.constant 0 : index
    %swap3A_120 = arith.constant 0 : index
    %swap3A_121 = vector.load %arg7[%swap3A_119, %swap3A_120] : memref<256x128xf32, #tpu.memory_space<vmem>>, vector<256x128xf32>
    tpu.vector_store %arg7[%swap3A_119, %swap3A_120], %mul3A {strides = array<i32>} : memref<256x128xf32, #tpu.memory_space<vmem>>, vector<256x128xf32>,
    return
  }
  func.func @transform_0(%arg0: i32) -> (i32, i32) {
    %c0_i32 = arith.constant 0 : i32
    %c0_i32_0 = arith.constant 0 : i32
    return %arg0, %c0_i32 : i32, i32
  }
  func.func @transform_1(%arg0: i32) -> (i32, i32) {
    %add3A = arith.constant 0 : i32
    %add3A_0 = arith.addi %add3A, %arg0 : i32
    %c0_i32 = arith.constant 0 : i32
    %c0_i32_1 = arith.constant 0 : i32
    return %c0_i32, %add3A_0 : i32, i32
  }
  func.func @transform_2(%arg0: i32) -> (i32, i32) {
    %add3A = arith.constant 10 : i32
    %add3A_0 = arith.addi %add3A, %arg0 : i32
    %c0_i32 = arith.constant 0 : i32
    %c0_i32_1 = arith.constant 0 : i32
    return %c0_i32, %add3A_0 : i32, i32
  }
  func.func @transform_3(%arg0: i32) -> (i32, i32) {
    %add3A = arith.constant 20 : i32
    %add3A_0 = arith.addi %add3A, %arg0 : i32
    %c0_i32 = arith.constant 0 : i32
    %c0_i32_1 = arith.constant 0 : i32
    return %c0_i32, %add3A_0 : i32, i32
  }
  func.func @transform_4(%arg0: i32) -> (i32, i32) {
    %add3A = arith.constant 30 : i32
    %add3A_0 = arith.addi %add3A, %arg0 : i32
    %c0_i32 = arith.constant 0 : i32
    %c0_i32_1 = arith.constant 0 : i32
    return %c0_i32, %add3A_0 : i32, i32
  }
  func.func @transform_5(%arg0: i32) -> (i32, i32) {
    %c0_i32 = arith.constant 0 : i32
    %c0_i32_0 = arith.constant 0 : i32
    return %arg0, %c0_i32 : i32, i32
  }
  func.func @transform_6(%arg0: i32) -> (i32, i32) {
    %c0_i32 = arith.constant 0 : i32
    %c0_i32_0 = arith.constant 0 : i32
    return %arg0, %c0_i32 : i32, i32
  }
}

module attributes {stable_mosaic.version = 14 : i64} {
  func.func @_mid_body(%arg0: i32, %arg1: memref<256x128xf32, #tpu.memory_space<vmem>>, %arg2: memref<2x256x128xf32, #tpu.memory_space<vmem>>, %arg3: memref<256x128xf32, #tpu.memory_space<vmem>>, %arg4: memref<1x128xf32, #tpu.memory_space<vmem>>, %arg5: memref<128x128xf32, #tpu.memory_space<vmem>>, %arg6: memref<256x128xf32, #tpu.memory_space<vmem>>, %arg7: memref<256x128xf32, #tpu.memory_space<vmem>>) attributes {dimension_semantics = [#tpu.dimension_semantics<arbitrary>], iteration_bounds = array<i64: 10>, scalar_prefetch = 0 : i64, scratch_operands = 0 : i64, tpu.core_type = #tpu.core_type<tc>, window_params = [{transform_indices = @transform_0, window_bounds = array<i64: 256, 128>}, {transform_indices = @transform_1, window_bounds = array<i64: 2, 256, 128>}, {transform_indices = @transform_2, window_bounds = array<i64: 256, 128>}, {pipeline_mode = #tpu.pipeline_mode<synchronous>, transform_indices = @transform_3, window_bounds = array<i64: 1, 128>}, {pipeline_mode = #tpu.pipeline_mode<synchronous>, transform_indices = @transform_4, window_bounds = array<i64: 128, 128>}, {transform_indices = @transform_5, window_bounds = array<i64: 256, 128>}, {transform_indices = @transform_6, window_bounds = array<i64: 256, 128>}]} {
    %get3A = arith.constant 0 : index
    %get3A_0 = arith.constant 0 : index
    %get3A_1 = vector.load %arg3[%get3A, %get3A_0] : memref<256x128xf32, #tpu.memory_space<vmem>>, vector<256x128xf32>
    %get3A_2 = arith.constant 0 : index
    %get3A_3 = arith.constant 0 : index
    %get3A_4 = arith.constant 0 : index
    %get3A_5 = vector.load %arg2[%get3A_2, %get3A_3, %get3A_4] : memref<2x256x128xf32, #tpu.memory_space<vmem>>, vector<1x256x128xf32>
    %get3A_6 = vector.shape_cast %get3A_5 : vector<1x256x128xf32> to vector<256x128xf32>
    %get3A_7 = arith.constant 1 : index
    %get3A_8 = arith.constant 0 : index
    %get3A_9 = arith.constant 0 : index
    %get3A_10 = vector.load %arg2[%get3A_7, %get3A_8, %get3A_9] : memref<2x256x128xf32, #tpu.memory_space<vmem>>, vector<1x256x128xf32>
    %get3A_11 = vector.shape_cast %get3A_10 : vector<1x256x128xf32> to vector<256x128xf32>
    %add3A = arith.addf %get3A_6, %get3A_11 : vector<256x128xf32>
    %mul3A = arith.mulf %get3A_1, %add3A : vector<256x128xf32>
    %mul3A_12 = arith.mulf %get3A_1, %get3A_1 : vector<256x128xf32>
    %get3A_13 = arith.constant 0 : index
    %get3A_14 = arith.constant 0 : index
    %get3A_15 = vector.load %arg1[%get3A_13, %get3A_14] : memref<256x128xf32, #tpu.memory_space<vmem>>, vector<256x128xf32>
    %mul3A_16 = arith.mulf %mul3A_12, %get3A_15 : vector<256x128xf32>
    %add3A_17 = arith.addf %mul3A, %mul3A_16 : vector<256x128xf32>
    %get3A_18 = arith.constant 0 : index
    %get3A_19 = arith.constant 0 : index
    %get3A_20 = vector.load %arg4[%get3A_18, %get3A_19] : memref<1x128xf32, #tpu.memory_space<vmem>>, vector<1x128xf32>
    %add3A_21 = vector.broadcast %get3A_20 : vector<1x128xf32> to vector<256x128xf32>
    %add3A_22 = arith.addf %add3A_17, %add3A_21 : vector<256x128xf32>
    %max3A = arith.constant 0.000000e+00 : f32
    %max3A_23 = vector.broadcast %max3A : f32 to vector<256x128xf32>
    %max3A_24 = arith.maximumf %add3A_22, %max3A_23 : vector<256x128xf32>
    %get3A_25 = arith.constant 0 : index
    %get3A_26 = arith.constant 0 : index
    %get3A_27 = vector.load %arg5[%get3A_25, %get3A_26] : memref<128x128xf32, #tpu.memory_space<vmem>>, vector<128x128xf32>
    %dot_general3A = arith.constant dense<0.000000e+00> : vector<256x128xf32>
    %dot_general3A_28 = tpu.matmul %max3A_24, %get3A_27, %dot_general3A {dimension_numbers = #tpu.dot_dimension_numbers<[1], [0], [0], [1], [0, 0, 1, 1], [], []>, transpose_lhs_hint = false} : vector<256x128xf32>, vector<128x128xf32>, vector<256x128xf32> -> vector<256x128xf32>
    %swap3A = arith.constant 0 : index
    %swap3A_29 = arith.constant 0 : index
    %swap3A_30 = vector.load %arg6[%swap3A, %swap3A_29] : memref<256x128xf32, #tpu.memory_space<vmem>>, vector<256x128xf32>
    tpu.vector_store %arg6[%swap3A, %swap3A_29], %dot_general3A_28 {strides = array<i32>} : memref<256x128xf32, #tpu.memory_space<vmem>>, vector<256x128xf32>,
    %mul3A_31 = arith.mulf %dot_general3A_28, %get3A_1 : vector<256x128xf32>
    %swap3A_32 = arith.constant 0 : index
    %swap3A_33 = arith.constant 0 : index
    %swap3A_34 = vector.load %arg7[%swap3A_32, %swap3A_33] : memref<256x128xf32, #tpu.memory_space<vmem>>, vector<256x128xf32>
    tpu.vector_store %arg7[%swap3A_32, %swap3A_33], %mul3A_31 {strides = array<i32>} : memref<256x128xf32, #tpu.memory_space<vmem>>, vector<256x128xf32>,
    return
  }
  func.func @transform_0(%arg0: i32) -> (i32, i32) {
    %c0_i32 = arith.constant 0 : i32
    %c0_i32_0 = arith.constant 0 : i32
    return %arg0, %c0_i32 : i32, i32
  }
  func.func @transform_1(%arg0: i32) -> (i32, i32, i32) {
    %c0_i32 = arith.constant 0 : i32
    %c0_i32_0 = arith.constant 0 : i32
    %c0_i32_1 = arith.constant 0 : i32
    return %c0_i32, %arg0, %c0_i32_0 : i32, i32, i32
  }
  func.func @transform_2(%arg0: i32) -> (i32, i32) {
    %c0_i32 = arith.constant 0 : i32
    %c0_i32_0 = arith.constant 0 : i32
    return %arg0, %c0_i32 : i32, i32
  }
  func.func @transform_3(%arg0: i32) -> (i32, i32) {
    %c0_i32 = arith.constant 0 : i32
    %c0_i32_0 = arith.constant 0 : i32
    %c0_i32_1 = arith.constant 0 : i32
    return %c0_i32, %c0_i32_0 : i32, i32
  }
  func.func @transform_4(%arg0: i32) -> (i32, i32) {
    %c0_i32 = arith.constant 0 : i32
    %c0_i32_0 = arith.constant 0 : i32
    %c0_i32_1 = arith.constant 0 : i32
    return %c0_i32, %c0_i32_0 : i32, i32
  }
  func.func @transform_5(%arg0: i32) -> (i32, i32) {
    %c0_i32 = arith.constant 0 : i32
    %c0_i32_0 = arith.constant 0 : i32
    return %arg0, %c0_i32 : i32, i32
  }
  func.func @transform_6(%arg0: i32) -> (i32, i32) {
    %c0_i32 = arith.constant 0 : i32
    %c0_i32_0 = arith.constant 0 : i32
    return %arg0, %c0_i32 : i32, i32
  }
}

module attributes {stable_mosaic.version = 14 : i64} {
  func.func @_post_body(%arg0: i32, %arg1: memref<256x128xf32, #tpu.memory_space<vmem>>, %arg2: memref<2x256x128xf32, #tpu.memory_space<vmem>>, %arg3: memref<256x128xf32, #tpu.memory_space<vmem>>, %arg4: memref<1x128xf32, #tpu.memory_space<vmem>>, %arg5: memref<4x128x512xf32, #tpu.memory_space<vmem>>, %arg6: memref<1x512xf32, #tpu.memory_space<vmem>>, %arg7: memref<512x64xf32, #tpu.memory_space<vmem>>, %arg8: memref<1x64xf32, #tpu.memory_space<vmem>>, %arg9: memref<4x256x64xf32, #tpu.memory_space<vmem>>) attributes {dimension_semantics = [#tpu.dimension_semantics<arbitrary>], iteration_bounds = array<i64: 10>, scalar_prefetch = 0 : i64, scratch_operands = 0 : i64, tpu.core_type = #tpu.core_type<tc>, window_params = [{transform_indices = @transform_0, window_bounds = array<i64: 256, 128>}, {transform_indices = @transform_1, window_bounds = array<i64: 2, 256, 128>}, {transform_indices = @transform_2, window_bounds = array<i64: 256, 128>}, {pipeline_mode = #tpu.pipeline_mode<synchronous>, transform_indices = @transform_3, window_bounds = array<i64: 1, 128>}, {pipeline_mode = #tpu.pipeline_mode<synchronous>, transform_indices = @transform_4, window_bounds = array<i64: 4, 128, 512>}, {pipeline_mode = #tpu.pipeline_mode<synchronous>, transform_indices = @transform_5, window_bounds = array<i64: 1, 512>}, {pipeline_mode = #tpu.pipeline_mode<synchronous>, transform_indices = @transform_6, window_bounds = array<i64: 512, 64>}, {pipeline_mode = #tpu.pipeline_mode<synchronous>, transform_indices = @transform_7, window_bounds = array<i64: 1, 64>}, {transform_indices = @transform_8, window_bounds = array<i64: 4, 256, 64>}]} {
    %get3A = arith.constant 0 : index
    %get3A_0 = arith.constant 0 : index
    %get3A_1 = vector.load %arg3[%get3A, %get3A_0] : memref<256x128xf32, #tpu.memory_space<vmem>>, vector<256x128xf32>
    %get3A_2 = arith.constant 0 : index
    %get3A_3 = arith.constant 0 : index
    %get3A_4 = arith.constant 0 : index
    %get3A_5 = vector.load %arg2[%get3A_2, %get3A_3, %get3A_4] : memref<2x256x128xf32, #tpu.memory_space<vmem>>, vector<1x256x128xf32>
    %get3A_6 = vector.shape_cast %get3A_5 : vector<1x256x128xf32> to vector<256x128xf32>
    %get3A_7 = arith.constant 1 : index
    %get3A_8 = arith.constant 0 : index
    %get3A_9 = arith.constant 0 : index
    %get3A_10 = vector.load %arg2[%get3A_7, %get3A_8, %get3A_9] : memref<2x256x128xf32, #tpu.memory_space<vmem>>, vector<1x256x128xf32>
    %get3A_11 = vector.shape_cast %get3A_10 : vector<1x256x128xf32> to vector<256x128xf32>
    %add3A = arith.addf %get3A_6, %get3A_11 : vector<256x128xf32>
    %mul3A = arith.mulf %get3A_1, %add3A : vector<256x128xf32>
    %mul3A_12 = arith.mulf %get3A_1, %get3A_1 : vector<256x128xf32>
    %get3A_13 = arith.constant 0 : index
    %get3A_14 = arith.constant 0 : index
    %get3A_15 = vector.load %arg1[%get3A_13, %get3A_14] : memref<256x128xf32, #tpu.memory_space<vmem>>, vector<256x128xf32>
    %mul3A_16 = arith.mulf %mul3A_12, %get3A_15 : vector<256x128xf32>
    %add3A_17 = arith.addf %mul3A, %mul3A_16 : vector<256x128xf32>
    %get3A_18 = arith.constant 0 : index
    %get3A_19 = arith.constant 0 : index
    %get3A_20 = vector.load %arg4[%get3A_18, %get3A_19] : memref<1x128xf32, #tpu.memory_space<vmem>>, vector<1x128xf32>
    %add3A_21 = vector.broadcast %get3A_20 : vector<1x128xf32> to vector<256x128xf32>
    %add3A_22 = arith.addf %add3A_17, %add3A_21 : vector<256x128xf32>
    %max3A = arith.constant 0.000000e+00 : f32
    %max3A_23 = vector.broadcast %max3A : f32 to vector<256x128xf32>
    %max3A_24 = arith.maximumf %add3A_22, %max3A_23 : vector<256x128xf32>
    %get3A_25 = arith.constant 0 : index
    %get3A_26 = arith.constant 0 : index
    %get3A_27 = arith.constant 0 : index
    %get3A_28 = vector.load %arg5[%get3A_25, %get3A_26, %get3A_27] : memref<4x128x512xf32, #tpu.memory_space<vmem>>, vector<1x128x512xf32>
    %get3A_29 = vector.shape_cast %get3A_28 : vector<1x128x512xf32> to vector<128x512xf32>
    %dot_general3A = arith.constant dense<0.000000e+00> : vector<256x512xf32>
    %dot_general3A_30 = tpu.matmul %max3A_24, %get3A_29, %dot_general3A {dimension_numbers = #tpu.dot_dimension_numbers<[1], [0], [0], [1], [0, 0, 1, 1], [], []>, transpose_lhs_hint = false} : vector<256x128xf32>, vector<128x512xf32>, vector<256x512xf32> -> vector<256x512xf32>
    %get3A_31 = arith.constant 0 : index
    %get3A_32 = arith.constant 0 : index
    %get3A_33 = vector.load %arg6[%get3A_31, %get3A_32] : memref<1x512xf32, #tpu.memory_space<vmem>>, vector<1x512xf32>
    %add3A_34 = vector.broadcast %get3A_33 : vector<1x512xf32> to vector<256x512xf32>
    %add3A_35 = arith.addf %dot_general3A_30, %add3A_34 : vector<256x512xf32>
    %max3A_36 = arith.constant 0.000000e+00 : f32
    %max3A_37 = vector.broadcast %max3A_36 : f32 to vector<256x512xf32>
    %max3A_38 = arith.maximumf %add3A_35, %max3A_37 : vector<256x512xf32>
    %get3A_39 = arith.constant 0 : index
    %get3A_40 = arith.constant 0 : index
    %get3A_41 = vector.load %arg7[%get3A_39, %get3A_40] : memref<512x64xf32, #tpu.memory_space<vmem>>, vector<512x64xf32>
    %dot_general3A_42 = arith.constant dense<0.000000e+00> : vector<256x64xf32>
    %dot_general3A_43 = tpu.matmul %max3A_38, %get3A_41, %dot_general3A_42 {dimension_numbers = #tpu.dot_dimension_numbers<[1], [0], [0], [1], [0, 0, 1, 1], [], []>, transpose_lhs_hint = false} : vector<256x512xf32>, vector<512x64xf32>, vector<256x64xf32> -> vector<256x64xf32>
    %get3A_44 = arith.constant 0 : index
    %get3A_45 = arith.constant 0 : index
    %get3A_46 = vector.load %arg8[%get3A_44, %get3A_45] : memref<1x64xf32, #tpu.memory_space<vmem>>, vector<1x64xf32>
    %add3A_47 = vector.broadcast %get3A_46 : vector<1x64xf32> to vector<256x64xf32>
    %add3A_48 = arith.addf %dot_general3A_43, %add3A_47 : vector<256x64xf32>
    %swap3A = arith.constant 0 : index
    %swap3A_49 = arith.constant 0 : index
    %swap3A_50 = arith.constant 0 : index
    %swap3A_51 = vector.load %arg9[%swap3A, %swap3A_49, %swap3A_50] : memref<4x256x64xf32, #tpu.memory_space<vmem>>, vector<1x256x64xf32>
    %swap3A_52 = vector.shape_cast %swap3A_51 : vector<1x256x64xf32> to vector<256x64xf32>
    %swap3A_53 = vector.shape_cast %add3A_48 : vector<256x64xf32> to vector<1x256x64xf32>
    tpu.vector_store %arg9[%swap3A, %swap3A_49, %swap3A_50], %swap3A_53 {strides = array<i32>} : memref<4x256x64xf32, #tpu.memory_space<vmem>>, vector<1x256x64xf32>,
    %get3A_54 = arith.constant 1 : index
    %get3A_55 = arith.constant 0 : index
    %get3A_56 = arith.constant 0 : index
    %get3A_57 = vector.load %arg5[%get3A_54, %get3A_55, %get3A_56] : memref<4x128x512xf32, #tpu.memory_space<vmem>>, vector<1x128x512xf32>
    %get3A_58 = vector.shape_cast %get3A_57 : vector<1x128x512xf32> to vector<128x512xf32>
    %dot_general3A_59 = arith.constant dense<0.000000e+00> : vector<256x512xf32>
    %dot_general3A_60 = tpu.matmul %max3A_24, %get3A_58, %dot_general3A_59 {dimension_numbers = #tpu.dot_dimension_numbers<[1], [0], [0], [1], [0, 0, 1, 1], [], []>, transpose_lhs_hint = false} : vector<256x128xf32>, vector<128x512xf32>, vector<256x512xf32> -> vector<256x512xf32>
    %get3A_61 = arith.constant 0 : index
    %get3A_62 = arith.constant 0 : index
    %get3A_63 = vector.load %arg6[%get3A_61, %get3A_62] : memref<1x512xf32, #tpu.memory_space<vmem>>, vector<1x512xf32>
    %add3A_64 = vector.broadcast %get3A_63 : vector<1x512xf32> to vector<256x512xf32>
    %add3A_65 = arith.addf %dot_general3A_60, %add3A_64 : vector<256x512xf32>
    %max3A_66 = arith.constant 0.000000e+00 : f32
    %max3A_67 = vector.broadcast %max3A_66 : f32 to vector<256x512xf32>
    %max3A_68 = arith.maximumf %add3A_65, %max3A_67 : vector<256x512xf32>
    %get3A_69 = arith.constant 0 : index
    %get3A_70 = arith.constant 0 : index
    %get3A_71 = vector.load %arg7[%get3A_69, %get3A_70] : memref<512x64xf32, #tpu.memory_space<vmem>>, vector<512x64xf32>
    %dot_general3A_72 = arith.constant dense<0.000000e+00> : vector<256x64xf32>
    %dot_general3A_73 = tpu.matmul %max3A_68, %get3A_71, %dot_general3A_72 {dimension_numbers = #tpu.dot_dimension_numbers<[1], [0], [0], [1], [0, 0, 1, 1], [], []>, transpose_lhs_hint = false} : vector<256x512xf32>, vector<512x64xf32>, vector<256x64xf32> -> vector<256x64xf32>
    %get3A_74 = arith.constant 0 : index
    %get3A_75 = arith.constant 0 : index
    %get3A_76 = vector.load %arg8[%get3A_74, %get3A_75] : memref<1x64xf32, #tpu.memory_space<vmem>>, vector<1x64xf32>
    %add3A_77 = vector.broadcast %get3A_76 : vector<1x64xf32> to vector<256x64xf32>
    %add3A_78 = arith.addf %dot_general3A_73, %add3A_77 : vector<256x64xf32>
    %swap3A_79 = arith.constant 1 : index
    %swap3A_80 = arith.constant 0 : index
    %swap3A_81 = arith.constant 0 : index
    %swap3A_82 = vector.load %arg9[%swap3A_79, %swap3A_80, %swap3A_81] : memref<4x256x64xf32, #tpu.memory_space<vmem>>, vector<1x256x64xf32>
    %swap3A_83 = vector.shape_cast %swap3A_82 : vector<1x256x64xf32> to vector<256x64xf32>
    %swap3A_84 = vector.shape_cast %add3A_78 : vector<256x64xf32> to vector<1x256x64xf32>
    tpu.vector_store %arg9[%swap3A_79, %swap3A_80, %swap3A_81], %swap3A_84 {strides = array<i32>} : memref<4x256x64xf32, #tpu.memory_space<vmem>>, vector<1x256x64xf32>,
    %get3A_85 = arith.constant 2 : index
    %get3A_86 = arith.constant 0 : index
    %get3A_87 = arith.constant 0 : index
    %get3A_88 = vector.load %arg5[%get3A_85, %get3A_86, %get3A_87] : memref<4x128x512xf32, #tpu.memory_space<vmem>>, vector<1x128x512xf32>
    %get3A_89 = vector.shape_cast %get3A_88 : vector<1x128x512xf32> to vector<128x512xf32>
    %dot_general3A_90 = arith.constant dense<0.000000e+00> : vector<256x512xf32>
    %dot_general3A_91 = tpu.matmul %max3A_24, %get3A_89, %dot_general3A_90 {dimension_numbers = #tpu.dot_dimension_numbers<[1], [0], [0], [1], [0, 0, 1, 1], [], []>, transpose_lhs_hint = false} : vector<256x128xf32>, vector<128x512xf32>, vector<256x512xf32> -> vector<256x512xf32>
    %get3A_92 = arith.constant 0 : index
    %get3A_93 = arith.constant 0 : index
    %get3A_94 = vector.load %arg6[%get3A_92, %get3A_93] : memref<1x512xf32, #tpu.memory_space<vmem>>, vector<1x512xf32>
    %add3A_95 = vector.broadcast %get3A_94 : vector<1x512xf32> to vector<256x512xf32>
    %add3A_96 = arith.addf %dot_general3A_91, %add3A_95 : vector<256x512xf32>
    %max3A_97 = arith.constant 0.000000e+00 : f32
    %max3A_98 = vector.broadcast %max3A_97 : f32 to vector<256x512xf32>
    %max3A_99 = arith.maximumf %add3A_96, %max3A_98 : vector<256x512xf32>
    %get3A_100 = arith.constant 0 : index
    %get3A_101 = arith.constant 0 : index
    %get3A_102 = vector.load %arg7[%get3A_100, %get3A_101] : memref<512x64xf32, #tpu.memory_space<vmem>>, vector<512x64xf32>
    %dot_general3A_103 = arith.constant dense<0.000000e+00> : vector<256x64xf32>
    %dot_general3A_104 = tpu.matmul %max3A_99, %get3A_102, %dot_general3A_103 {dimension_numbers = #tpu.dot_dimension_numbers<[1], [0], [0], [1], [0, 0, 1, 1], [], []>, transpose_lhs_hint = false} : vector<256x512xf32>, vector<512x64xf32>, vector<256x64xf32> -> vector<256x64xf32>
    %get3A_105 = arith.constant 0 : index
    %get3A_106 = arith.constant 0 : index
    %get3A_107 = vector.load %arg8[%get3A_105, %get3A_106] : memref<1x64xf32, #tpu.memory_space<vmem>>, vector<1x64xf32>
    %add3A_108 = vector.broadcast %get3A_107 : vector<1x64xf32> to vector<256x64xf32>
    %add3A_109 = arith.addf %dot_general3A_104, %add3A_108 : vector<256x64xf32>
    %swap3A_110 = arith.constant 2 : index
    %swap3A_111 = arith.constant 0 : index
    %swap3A_112 = arith.constant 0 : index
    %swap3A_113 = vector.load %arg9[%swap3A_110, %swap3A_111, %swap3A_112] : memref<4x256x64xf32, #tpu.memory_space<vmem>>, vector<1x256x64xf32>
    %swap3A_114 = vector.shape_cast %swap3A_113 : vector<1x256x64xf32> to vector<256x64xf32>
    %swap3A_115 = vector.shape_cast %add3A_109 : vector<256x64xf32> to vector<1x256x64xf32>
    tpu.vector_store %arg9[%swap3A_110, %swap3A_111, %swap3A_112], %swap3A_115 {strides = array<i32>} : memref<4x256x64xf32, #tpu.memory_space<vmem>>, vector<1x256x64xf32>,
    %get3A_116 = arith.constant 3 : index
    %get3A_117 = arith.constant 0 : index
    %get3A_118 = arith.constant 0 : index
    %get3A_119 = vector.load %arg5[%get3A_116, %get3A_117, %get3A_118] : memref<4x128x512xf32, #tpu.memory_space<vmem>>, vector<1x128x512xf32>
    %get3A_120 = vector.shape_cast %get3A_119 : vector<1x128x512xf32> to vector<128x512xf32>
    %dot_general3A_121 = arith.constant dense<0.000000e+00> : vector<256x512xf32>
    %dot_general3A_122 = tpu.matmul %max3A_24, %get3A_120, %dot_general3A_121 {dimension_numbers = #tpu.dot_dimension_numbers<[1], [0], [0], [1], [0, 0, 1, 1], [], []>, transpose_lhs_hint = false} : vector<256x128xf32>, vector<128x512xf32>, vector<256x512xf32> -> vector<256x512xf32>
    %get3A_123 = arith.constant 0 : index
    %get3A_124 = arith.constant 0 : index
    %get3A_125 = vector.load %arg6[%get3A_123, %get3A_124] : memref<1x512xf32, #tpu.memory_space<vmem>>, vector<1x512xf32>
    %add3A_126 = vector.broadcast %get3A_125 : vector<1x512xf32> to vector<256x512xf32>
    %add3A_127 = arith.addf %dot_general3A_122, %add3A_126 : vector<256x512xf32>
    %max3A_128 = arith.constant 0.000000e+00 : f32
    %max3A_129 = vector.broadcast %max3A_128 : f32 to vector<256x512xf32>
    %max3A_130 = arith.maximumf %add3A_127, %max3A_129 : vector<256x512xf32>
    %get3A_131 = arith.constant 0 : index
    %get3A_132 = arith.constant 0 : index
    %get3A_133 = vector.load %arg7[%get3A_131, %get3A_132] : memref<512x64xf32, #tpu.memory_space<vmem>>, vector<512x64xf32>
    %dot_general3A_134 = arith.constant dense<0.000000e+00> : vector<256x64xf32>
    %dot_general3A_135 = tpu.matmul %max3A_130, %get3A_133, %dot_general3A_134 {dimension_numbers = #tpu.dot_dimension_numbers<[1], [0], [0], [1], [0, 0, 1, 1], [], []>, transpose_lhs_hint = false} : vector<256x512xf32>, vector<512x64xf32>, vector<256x64xf32> -> vector<256x64xf32>
    %get3A_136 = arith.constant 0 : index
    %get3A_137 = arith.constant 0 : index
    %get3A_138 = vector.load %arg8[%get3A_136, %get3A_137] : memref<1x64xf32, #tpu.memory_space<vmem>>, vector<1x64xf32>
    %add3A_139 = vector.broadcast %get3A_138 : vector<1x64xf32> to vector<256x64xf32>
    %add3A_140 = arith.addf %dot_general3A_135, %add3A_139 : vector<256x64xf32>
    %swap3A_141 = arith.constant 3 : index
    %swap3A_142 = arith.constant 0 : index
    %swap3A_143 = arith.constant 0 : index
    %swap3A_144 = vector.load %arg9[%swap3A_141, %swap3A_142, %swap3A_143] : memref<4x256x64xf32, #tpu.memory_space<vmem>>, vector<1x256x64xf32>
    %swap3A_145 = vector.shape_cast %swap3A_144 : vector<1x256x64xf32> to vector<256x64xf32>
    %swap3A_146 = vector.shape_cast %add3A_140 : vector<256x64xf32> to vector<1x256x64xf32>
    tpu.vector_store %arg9[%swap3A_141, %swap3A_142, %swap3A_143], %swap3A_146 {strides = array<i32>} : memref<4x256x64xf32, #tpu.memory_space<vmem>>, vector<1x256x64xf32>,
    return
  }
  func.func @transform_0(%arg0: i32) -> (i32, i32) {
    %c0_i32 = arith.constant 0 : i32
    %c0_i32_0 = arith.constant 0 : i32
    return %arg0, %c0_i32 : i32, i32
  }
  func.func @transform_1(%arg0: i32) -> (i32, i32, i32) {
    %c0_i32 = arith.constant 0 : i32
    %c0_i32_0 = arith.constant 0 : i32
    %c0_i32_1 = arith.constant 0 : i32
    return %c0_i32, %arg0, %c0_i32_0 : i32, i32, i32
  }
  func.func @transform_2(%arg0: i32) -> (i32, i32) {
    %c0_i32 = arith.constant 0 : i32
    %c0_i32_0 = arith.constant 0 : i32
    return %arg0, %c0_i32 : i32, i32
  }
  func.func @transform_3(%arg0: i32) -> (i32, i32) {
    %c0_i32 = arith.constant 0 : i32
    %c0_i32_0 = arith.constant 0 : i32
    %c0_i32_1 = arith.constant 0 : i32
    return %c0_i32, %c0_i32_0 : i32, i32
  }
  func.func @transform_4(%arg0: i32) -> (i32, i32, i32) {
    %c0_i32 = arith.constant 0 : i32
    %c0_i32_0 = arith.constant 0 : i32
    %c0_i32_1 = arith.constant 0 : i32
    %c0_i32_2 = arith.constant 0 : i32
    return %c0_i32, %c0_i32_0, %c0_i32_1 : i32, i32, i32
  }
  func.func @transform_5(%arg0: i32) -> (i32, i32) {
    %c0_i32 = arith.constant 0 : i32
    %c0_i32_0 = arith.constant 0 : i32
    %c0_i32_1 = arith.constant 0 : i32
    return %c0_i32, %c0_i32_0 : i32, i32
  }
  func.func @transform_6(%arg0: i32) -> (i32, i32) {
    %c0_i32 = arith.constant 0 : i32
    %c0_i32_0 = arith.constant 0 : i32
    %c0_i32_1 = arith.constant 0 : i32
    return %c0_i32, %c0_i32_0 : i32, i32
  }
  func.func @transform_7(%arg0: i32) -> (i32, i32) {
    %c0_i32 = arith.constant 0 : i32
    %c0_i32_0 = arith.constant 0 : i32
    %c0_i32_1 = arith.constant 0 : i32
    return %c0_i32, %c0_i32_0 : i32, i32
  }
  func.func @transform_8(%arg0: i32) -> (i32, i32, i32) {
    %c0_i32 = arith.constant 0 : i32
    %c0_i32_0 = arith.constant 0 : i32
    %c0_i32_1 = arith.constant 0 : i32
    return %c0_i32, %arg0, %c0_i32_0 : i32, i32, i32
  }
}

</mosaic_0001>

<sc_bundles>
// kernel: kernel.12.cloned.1.call-start
scs
__scs_entry_jumppad:
0x0: {  	(pc) =	sbr.rel $0x88, $3  }
0x1: {  	(tag) =	ssettag $0x0;
	lr =	simm.s32 $0x1  }
0x2: {  	[smem:$0x3F97] =	sst lr;
	_ =	strace $0xD0000000  }
0x3: {  	_ = 	snop  }
0x4: {  	_ = 	snop  }
0x5: {  	_ = 	snop  }
0x6: {  	_ = 	snop  }
0x7: {  	_ = 	snop  }
__scs_overlays_trampoline_lowered:
0x8: {  	[smem:$0x3FA6] =	sst s0  }
0x9: {  	[smem:$0x3FA7] =	sst s1  }
0xa: {  	[smem:$0x3FA8] =	sst s2  }
0xb: {  	[smem:$0x3FA9] =	sst s3  }
0xc: {  	[smem:$0x3FAA] =	sst s4  }
0xd: {  	[smem:$0x3FAB] =	sst s5  }
0xe: {  	[smem:$0x3FAC] =	sst s6  }
0xf: {  	[smem:$0x3FAD] =	sst s7  }
0x10: {  	[smem:$0x3FAE] =	sst s8  }
0x11: {  	[smem:$0x3FAF] =	sst s9;
	s0 =	simm.s32 @!p0 $0x0  }
0x12: {  	s1 =	sld [smem:$0x3F95];
	s0 =	simm.s32 @p0 $0x1  }
0x13: {  	[smem:$0x3FB0] =	sst s0;
	s0 =	simm.s32 @!p1 $0x0  }
0x14: {  	s2 =	sld [smem:$0x3F94];
	s0 =	simm.s32 @p1 $0x1  }
0x15: {  	[smem:$0x3FB1] =	sst s0;
	s0 =	simm.s32 @!p2 $0x0  }
0x16: {  	s3 =	sld [smem:$0x3FDB];
	s0 =	simm.s32 @p2 $0x1  }
0x17: {  	s4 =	simm.s32 $0x1BF5;
	[smem:$0x3FB3] =	sst s0  }
0x18: {  	s0 =	sld [smem:$0x3F96];
	_ =	swait.ge [sflag:s4], $0x0  }
0x19: {  	s7 =	sld [smem:$0x3F97]  }
0x1a: {  	s8 =	sadd.s32 $0xFFFFE003, lr  }
0x1b: {  	s9 =	sadd.s32 $0xFFFFFEF7, lr;
	s5 =	simm.s32 $0xFFFFFFFF;
	p2 =	slt.u32 s8, $0xFFFFF086  }
0x1c: {  	p1 =	slt.u32 s9, $0xF7A;
	s5 =	simm.s32 @!p2 $0x0  }
0x1d: {  	s5 =	simm.s32 @p1 $0x1;
	p0 =	seq.s32 s7, s2  }
0x1e: {  	s7 =	smul.u32 @!p0 $0xF7A, s2;
	p2 =	seq.s32 @!p0 s5, $0x0  }
0x1f: {  	s9 =	smul.u32 $0xF7A, s1;
	s8 =	simm.s32 @!p0 $0x1BF5;
	p2 =	por !p2, p0  }
0x20: {  	[sflag:s8] =	ssyncset.s32 @!p0 $0xFFFFF086;
	s6 =	sadd.s32 @!p0 s3, s7;
	s7 =	simm.s32 @!p0 $0x108  }
0x21: {  	s3 =	sadd.s32 s3, s9;
	s6 =	sadd.s32 @!p0 $0x88, s6;
	s7 =	simm.s32 @p2 $0x1082  }
0x22: {  	[simem:s7], [sflag:s8] =	dma.local @!p0 [hbm:s6], $0xF7A  }
0x23: {  	s9 =	sor.u32 $0xD0000000, s2;
	s6 =	simm.s32 $0x108;
	_ =	swait.ge @!p0 [sflag:s8], $0x0  }
0x24: {  	s3 =	sadd.s32 $0x88, s3;
	s6 =	simm.s32 @!p1 $0x1082;
	[sflag:s4] =	ssyncset.s32 $0xFFFFF086  }
0x25: {  	[simem:s6], [sflag:s4] =	dma.local [hbm:s3], $0xF7A  }
0x26: {  	[smem:$0x3F97] =	sst s1;
	(tag) =	ssettag s2;
	_ =	strace s9  }
0x27: {  	s1 =	sld [smem:$0x3FA7]  }
0x28: {  	s2 =	sld [smem:$0x3FA8]  }
0x29: {  	s4 =	sld [smem:$0x3FAA]  }
0x2a: {  	p0 =	seq.s32 s5, $0x0;
	s5 =	sld [smem:$0x3FAB]  }
0x2b: {  	s6 =	sld [smem:$0x3FAC]  }
0x2c: {  	s7 =	sld [smem:$0x3FAD]  }
0x2d: {  	s3 =	simm.s32 $0x108;
	s8 =	sld [smem:$0x3FAE]  }
0x2e: {  	s3 =	simm.s32 @!p0 $0x1082;
	s9 =	sld [smem:$0x3FAF]  }
0x2f: {  	lr =	sadd.s32 s0, s3;
	s0 =	sld [smem:$0x3FA6]  }
0x30: {  	s3 =	sld [smem:$0x3FA9]  }
0x31: {  	[smem:$0x3FB2] =	sst s10  }
0x32: {  	s10 =	sld [smem:$0x3FB0];
	_ =	sdelay $0x3  }
0x33: {  	p0 =	seq.s32 s10, $0x1;
	s10 =	sld [smem:$0x3FB2];
	_ =	sdelay $0x3  }
0x34: {  	[smem:$0x3FB2] =	sst s10  }
0x35: {  	s10 =	sld [smem:$0x3FB1];
	_ =	sdelay $0x3  }
0x36: {  	p1 =	seq.s32 s10, $0x1;
	s10 =	sld [smem:$0x3FB2];
	_ =	sdelay $0x3  }
0x37: {  	[smem:$0x3FB2] =	sst s10  }
0x38: {  	s10 =	sld [smem:$0x3FB3]  }
0x39: {  	_ = 	snop;
	(pc) =	sbr.ind lr, $3  }
0x3a: {  	_ = 	snop  }
0x3b: {  	_ = 	snop  }
0x3c: {  	p2 =	seq.s32 s10, $0x1;
	s10 =	sld [smem:$0x3FB2]  }
0x3d: {  	_ =	shalt  }
0x3e: {  	_ =	shalt  }
0x3f: {  	_ =	shalt  }
0x40: {  	_ =	shalt  }
0x41: {  	_ =	shalt  }
0x42: {  	_ =	shalt  }
0x43: {  	_ =	shalt  }
0x44: {  	_ =	shalt  }
0x45: {  	_ =	shalt  }
0x46: {  	_ =	shalt  }
0x47: {  	_ =	shalt  }
0x48: {  	_ =	shalt  }
0x49: {  	_ =	shalt  }
0x4a: {  	_ =	shalt  }
0x4b: {  	_ =	shalt  }
0x4c: {  	_ =	shalt  }
0x4d: {  	_ =	shalt  }
0x4e: {  	_ =	shalt  }
0x4f: {  	_ =	shalt  }
0x50: {  	_ =	shalt  }
0x51: {  	_ =	shalt  }
0x52: {  	_ =	shalt  }
0x53: {  	_ =	shalt  }
0x54: {  	_ =	shalt  }
0x55: {  	_ =	shalt  }
0x56: {  	_ =	shalt  }
0x57: {  	_ =	shalt  }
0x58: {  	_ =	shalt  }
0x59: {  	_ =	shalt  }
0x5a: {  	_ =	shalt  }
0x5b: {  	_ =	shalt  }
0x5c: {  	_ =	shalt  }
0x5d: {  	_ =	shalt  }
0x5e: {  	_ =	shalt  }
0x5f: {  	_ =	shalt  }
0x60: {  	_ =	shalt  }
0x61: {  	_ =	shalt  }
0x62: {  	_ =	shalt  }
0x63: {  	_ =	shalt  }
0x64: {  	_ =	shalt  }
0x65: {  	_ =	shalt  }
0x66: {  	_ =	shalt  }
0x67: {  	_ =	shalt  }
0x68: {  	_ =	shalt  }
0x69: {  	_ =	shalt  }
0x6a: {  	_ =	shalt  }
0x6b: {  	_ =	shalt  }
0x6c: {  	_ =	shalt  }
0x6d: {  	_ =	shalt  }
0x6e: {  	_ =	shalt  }
0x6f: {  	_ =	shalt  }
0x70: {  	_ =	shalt  }
0x71: {  	_ =	shalt  }
0x72: {  	_ =	shalt  }
0x73: {  	_ =	shalt  }
0x74: {  	_ =	shalt  }
0x75: {  	_ =	shalt  }
0x76: {  	_ =	shalt  }
0x77: {  	_ =	shalt  }
0x78: {  	_ =	shalt  }
0x79: {  	_ =	shalt  }
0x7a: {  	_ =	shalt  }
0x7b: {  	_ =	shalt  }
0x7c: {  	_ =	shalt  }
0x7d: {  	_ =	shalt  }
0x7e: {  	_ =	shalt  }
0x7f: {  	_ =	shalt  }
0x80: {  	_ =	shalt  }
0x81: {  	_ =	shalt  }
0x82: {  	_ =	shalt  }
0x83: {  	_ =	shalt  }
0x84: {  	_ =	shalt  }
0x85: {  	_ =	shalt  }
0x86: {  	_ =	shalt  }
0x87: {  	_ =	shalt  }
.Lfunc_end0:
.L_simem_size_0:
called_computation.1_lowered:
.L_overlay_start_0:
0x88: {  	s2 =	sld [smem:$0x3FD9]  }
0x89: {  	s3 =	sld [smem:$0x3FFE];
	_ =	sdelay $0x1  }
0x8a: {  	s1 =	srdreg.scid  }
0x8b: {  	s0 =	sand.u32 $0x1, s1  }
0x8c: {  	s17 =	sshll.u32 s0, $0xA;
	s2 =	sadd.s32 s3, s2  }
0x8d: {  	s2 =	sadd.s32 s2, s17  }
0x8e: {  	[smem:$0x3FBE] =	sst s2  }
0x8f: {  	_ = 	snop  }
0x90: {  	s2 =	sld [smem:$0x3FD0];
	(tm) =	ssettm $0x1  }
0x91: {  	s18 =	sld [smem:$0x3FFB];
	_ =	sdelay $0x3  }
0x92: {  	_ =	strace s18  }
0x93: {  	s3 =	sld [smem:$0x3FFC];
	_ =	sdelay $0x3  }
0x94: {  	_ =	strace s3  }
0x95: {  	s3 =	sld [smem:$0x3FFD];
	_ =	sdelay $0x3  }
0x96: {  	_ =	strace s3  }
0x97: {  	_ =	strace $0x8FFFFFFF  }
0x98: {  	s19 =	sld [smem:$0x3FDB];
	_ =	sdelay $0x1  }
0x99: {  	s4 =	simm.s32 $_scs_section_size  }
0x9a: {  	s5 =	simm.s32 $_size__tile_overlayer_lowered;
	s6 =	simm.s32 $_tile_overlayer_lowered  }
0x9b: {  	s22 =	simm.s32 $0x1BFF;
	s21 =	sshll.u32 s6, $0x1;
	s3 =	sadd.s32 s4, s19  }
0x9c: {  	s7 =	simm.s32 $0x0;
	s20 =	sshll.u32 s5, $0x1;
	s5 =	sadd.s32 s21, s3  }
0x9d: {  	[timem:s7], [sflag:s22] =	dma.local [hbm:s5], s20  }
0x9e: {  	_ =	swait.ge [sflag:s22], s20  }
0x9f: {  	s4 =	ssub.s32 $0x0, s20;
	[sflag:s22] =	ssyncset.done $0x0  }
0xa0: {  	[sflag:s22] =	ssyncadd.s32 s4;
	_ =	sdelay $0x1  }
0xa1: {  	s23 =	simm.s32 $0x1B8B  }
0xa2: {  	_ =	swait.ge [sflag:s23], $0x1  }
0xa3: {  	[sflag:s23] =	ssyncset.done $0x0  }
0xa4: {  	s25 =	simm.s32 $0x1B8E;
	s24 =	sld [smem:$0x3FFE];
	[sflag:s23] =	ssyncadd.s32 $0xFFFFFFFF  }
0xa5: {  	s26 =	simm.s32 $execute0_lowered;
	[smem:$0x3FD2] =	sst s25  }
0xa6: {  	s5 =	sshll.u32 s26, $0x1;
	_ =	strace $0x80000049;
	[dreg:$0x1] =	wrdreg $0xFFFFFFFF  }
0xa7: {  	s28 =	simm.s32 $_size_execute0_lowered;
	s3 =	sadd.s32 s3, s5;
	[dreg:$0x0] =	wrdreg $0x0  }
0xa8: {  	s5 =	sshll.u32 s28, $0x1;
	[dreg:$0x2] =	wrdreg s3  }
0xa9: {  	[dreg:$0x3] =	wrdreg s5  }
0xaa: {  	[dreg:$0x4] =	wrdreg $0xC0  }
0xab: {  	_ =	task [dreg:s7], $0x5FFFF  }
0xac: {  	[dreg:$0x1] =	wrdreg $0xFFFFFFFF  }
0xad: {  	[dreg:$0x0] =	wrdreg $0x60  }
0xae: {  	[dreg:$0x2] =	wrdreg s2  }
0xaf: {  	[dreg:$0x3] =	wrdreg s24  }
0xb0: {  	[dreg:$0x4] =	wrdreg $0xDE800  }
0xb1: {  	[dreg:$0x5] =	wrdreg $0x12E800  }
0xb2: {  	[dreg:$0x6] =	wrdreg $0x9  }
0xb3: {  	_ =	task.clear_ibuf [dreg:s7], $0x7FFFF;
	_ =	strace $0x90000049  }
0xb4: {  	s29 =	simm.s32 $0x9;
	_ =	strace $0x8000004B  }
0xb5: {  	_ =	swait.ge [sflag:s29], $0x1  }
0xb6: {  	[sflag:s29] =	ssyncadd.s32 $0xFFFFFFFF  }
0xb7: {  	_ =	strace $0x9000004B  }
0xb8: {  	_ =	sfence  }
0xb9: {  	s30 =	sld [smem:$0x0];
	_ =	sdelay $0x2  }
0xba: {  	s31 =	sshll.u32 s1, $0xD;
	s1 =	sshrl.u32 s1, $0x2  }
0xbb: {  	s3 =	sand.u32 $0x4000, s31;
	s1 =	sadd.s32 s1, s30  }
0xbc: {  	s0 =	sor.u32 s3, s0;
	s1 =	sshll.u32 s1, $0x11  }
0xbd: {  	s0 =	sor.u32 s1, s0  }
0xbe: {  	s0 =	sadd.s32 $0x8F2B, s0  }
0xbf: {  	[sflag:s0] =	ssyncadd.remote.s32 $0x1  }
0xc0: {  	_ =	sfence.sel $0xFFFF  }
0xc1: {  	[dreg:$0x0] =	wrdreg $0xFFFFFFFF;
	(pc) =	sbr.abs _section_cstart, $3  }
0xc2: {  	[dreg:$0x1] =	wrdreg $0xFFFFFFFF  }
0xc3: {  	_ =	task.clear_ibuf [dreg:s7], $0x2FFFF;
	_ =	strace $0x9FFFFFFF  }
0xc4: {  	(tm) =	ssettm $0x7FFFFFFF  }
0xc5: {  	_ =	shalt  }
tec
execute0_lowered:
.L_overlay_start_1:
0x0: {  	(tag) =	ssettag $0x1  }
0x1: {  	s1 =	rddreg [dreg:$0x0]  }
0x2: {  	s0 =	srdreg.scid;
	s5 =	rddreg [dreg:$0x1]  }
0x3: {  	s13 =	stileid.u32;
	s2 =	rddreg [dreg:$0x2]  }
0x4: {  	s17 =	simm.s32 $0x7D;
	s18 =	simm.s32 $0x5000;
	s20 =	simm.s32 $0x5FA0  }
0x5: {  	s22 =	simm.s32 $0x6F40;
	s24 =	simm.s32 $0x7EE0;
	s28 =	simm.s32 $0x3  }
0x6: {  	s29 =	simm.s32 $0x4;
	s30 =	simm.s32 $0x5;
	s31 =	simm.s32 $0x6  }
0x7: {  	s19 =	simm.s32 $0x0;
	s0 =	sand.u32 $0x1, s0;
	s9 =	smul.u32 $0x5000, s13  }
0x8: {  	s26 =	sshll.u32 s13, $0x6;
	s3 =	sshll.u32 s0, $0x4;
	s7 =	smul.u32 $0x50000, s0  }
0x9: {  	s0 =	ssub.s32 $0x2, s0;
	s14 =	sor.u32 $0x1C09, s26;
	s26 =	simm.s32 $0x2  }
0xa: {  	s4 =	sor.u32 s13, s3;
	s3 =	rddreg [dreg:$0x3];
	s10 =	sshrl.u32 s9, $0x3  }
0xb: {  	s11 =	sshrl.u32 s0, $0x1;
	s13 =	simm.s32 $0x8E80;
	s6 =	smul.u32 $0x500, s4  }
0xc: {  	s4 =	simm.s32 $0x0;
	s7 =	sadd.s32 s9, s7;
	s10 =	sadd.s32 s10, s5  }
0xd: {  	s0 =	ssub.s32 s0, s11;
	s25 =	sadd.s32 s9, s3;
	[smem:$0x7FF] =	sst s4  }
0xe: {  	s7 =	sshrl.u32 s7, $0x3;
	s11 =	smax.u32 s0, $0x1;
	s16 =	sshrl.u32 s25, $0x3  }
0xf: {  	s25 =	simm.s32 $0x1;
	s0 =	simm.s32 $0x8;
	_ =	strace $0x8000004A  }
0x10: {  	s8 =	sadd.s32 s6, s5;
	s12 =	sadd.s32 s7, s5;
	s1 =	sadd.s32 s1, s6  }
0x11: {  	s7 =	sadd.s32 s9, s2;
	s9 =	sadd.s32 $0x2200, s10;
	[dreg:$0x5] =	wrdreg s1  }
0x12: {  	s6 =	sadd.s32 $0xD200, s8;
	s8 =	sadd.s32 $0x17200, s10;
	s10 =	sadd.s32 $0x21200, s12  }
0x13: {  	s12 =	simm.s32 $0x9;
	s15 =	sshrl.u32 s7, $0x3;
	s1 =	simm.s32 $0x7  }
.LBB2_1:
0x14: {  	s5 =	rddreg [dreg:$0x5]  }
0x15: {  	[tilespmem:s4], [sflag:$0x9] =	stream.linear.gather [hbm4b:s5+s4], $0x2800, $0x38;
	[tilespmem:$0x17E80] =	vst v63  }
0x16: {  	_ =	swait.ge [sflag:s12], $0x2800  }
0x17: {  	[sflag:s12] =	ssyncset.done $0x0  }
0x18: {  	s21 =	simm.s32 $0x2800;
	[sflag:s12] =	ssyncadd.s32 $0xFFFFD800  }
0x19: {  	[tilespmem:s21], [sflag:$0x9] =	stream.linear.gather [hbm4b:s6+s4], $0x2800, $0x38;
	[tilespmem:$0x17E80] =	vst v63  }
0x1a: {  	_ =	swait.ge [sflag:s12], $0x2800  }
0x1b: {  	[sflag:s12] =	ssyncset.done $0x0  }
0x1c: {  	[sflag:s12] =	ssyncadd.s32 $0xFFFFD800  }
0x1d: {  	[spmem:s15], [sflag:s14] =	dma.local [hbm:s8], $0xA00  }
0x1e: {  	_ =	swait.ge [sflag:s12], $0xA00  }
0x1f: {  	[sflag:s12] =	ssyncset.done $0x0  }
0x20: {  	[sflag:s12] =	ssyncadd.s32 $0xFFFFF600  }
0x21: {  	[spmem:s16], [sflag:s14] =	dma.local [hbm:s9], $0xA00  }
0x22: {  	_ =	swait.ge [sflag:s12], $0xA00  }
0x23: {  	[sflag:s12] =	ssyncset.done $0x0  }
0x24: {  	[sflag:s12] =	ssyncadd.s32 $0xFFFFF600  }
0x25: {  	[bflag:$0x0] =	sbarrier.arrive $0xFFFF  }
0x26: {  	[tilespmem:s18], [sflag:$0x1] =	stream.indirect.gather [spmem:s3], $0x20, s4, s17, $0xb8;
	[tilespmem:$0x17E80] =	vst v63  }
0x27: {  	s23 =	simm.s32 $0x80  }
0x28: {  	[tilespmem:s20], [sflag:$0x2] =	stream.indirect.gather [spmem:s3], $0x20, s23, s17, $0xb8;
	[tilespmem:$0x17E80] =	vst v63  }
0x29: {  	s21 =	simm.s32 $0x100  }
0x2a: {  	[tilespmem:s22], [sflag:$0x3] =	stream.indirect.gather [spmem:s3], $0x20, s21, s17, $0xb8;
	[tilespmem:$0x17E80] =	vst v63  }
0x2b: {  	s23 =	simm.s32 $0x180  }
0x2c: {  	[tilespmem:s24], [sflag:$0x4] =	stream.indirect.gather [spmem:s3], $0x20, s23, s17, $0xb8;
	[tilespmem:$0x17E80] =	vst v63  }
0x2d: {  	_ =	swait.ge [sflag:s25], $0xFA0  }
0x2e: {  	[sflag:s25] =	ssyncset.done $0x0  }
0x2f: {  	s21 =	simm.s32 $0x2800;
	[sflag:s25] =	ssyncadd.s32 $0xFFFFF060  }
0x30: {  	[spmem:s2] =	stream.indirect.scatter.add.f32 [tilespmem:s18], [sflag:$0x5], $0x20, s21, s17, $0xb8;
	[tilespmem:$0x17E80] =	vst v63  }
0x31: {  	_ =	swait.ge [sflag:s26], $0xFA0  }
0x32: {  	[sflag:s26] =	ssyncset.done $0x0  }
0x33: {  	s5 =	simm.s32 $0x2880;
	[sflag:s26] =	ssyncadd.s32 $0xFFFFF060  }
0x34: {  	[spmem:s2] =	stream.indirect.scatter.add.f32 [tilespmem:s20], [sflag:$0x6], $0x20, s5, s17, $0xb8;
	[tilespmem:$0x17E80] =	vst v63  }
0x35: {  	_ =	swait.ge [sflag:s28], $0xFA0  }
0x36: {  	[sflag:s28] =	ssyncset.done $0x0  }
0x37: {  	s23 =	simm.s32 $0x2900;
	[sflag:s28] =	ssyncadd.s32 $0xFFFFF060  }
0x38: {  	[spmem:s2] =	stream.indirect.scatter.add.f32 [tilespmem:s22], [sflag:$0x7], $0x20, s23, s17, $0xb8;
	[tilespmem:$0x17E80] =	vst v63  }
0x39: {  	_ =	swait.ge [sflag:s29], $0xFA0  }
0x3a: {  	[sflag:s29] =	ssyncset.done $0x0  }
0x3b: {  	s5 =	simm.s32 $0x2980;
	[sflag:s29] =	ssyncadd.s32 $0xFFFFF060  }
0x3c: {  	[spmem:s2] =	stream.indirect.scatter.add.f32 [tilespmem:s24], [sflag:$0x8], $0x20, s5, s17, $0xb8;
	[tilespmem:$0x17E80] =	vst v63  }
0x3d: {  	_ =	swait.ge [sflag:s30], $0xFA0  }
0x3e: {  	[sflag:s30] =	ssyncset.done $0x0  }
0x3f: {  	s23 =	simm.s32 $0x200;
	[sflag:s30] =	ssyncadd.s32 $0xFFFFF060  }
0x40: {  	[tilespmem:s18], [sflag:$0x1] =	stream.indirect.gather [spmem:s3], $0x20, s23, s17, $0xb8;
	[tilespmem:$0x17E80] =	vst v63  }
0x41: {  	_ =	swait.ge [sflag:s31], $0xFA0  }
0x42: {  	[sflag:s31] =	ssyncset.done $0x0  }
0x43: {  	s5 =	simm.s32 $0x280;
	[sflag:s31] =	ssyncadd.s32 $0xFFFFF060  }
0x44: {  	[tilespmem:s20], [sflag:$0x2] =	stream.indirect.gather [spmem:s3], $0x20, s5, s17, $0xb8;
	[tilespmem:$0x17E80] =	vst v63  }
0x45: {  	_ =	swait.ge [sflag:s1], $0xFA0  }
0x46: {  	[sflag:s1] =	ssyncset.done $0x0  }
0x47: {  	s23 =	simm.s32 $0x300;
	[sflag:s1] =	ssyncadd.s32 $0xFFFFF060  }
0x48: {  	[tilespmem:s22], [sflag:$0x3] =	stream.indirect.gather [spmem:s3], $0x20, s23, s17, $0xb8;
	[tilespmem:$0x17E80] =	vst v63  }
0x49: {  	_ =	swait.ge [sflag:s0], $0xFA0  }
0x4a: {  	[sflag:s0] =	ssyncset.done $0x0  }
0x4b: {  	s21 =	simm.s32 $0x800;
	s23 =	simm.s32 $0x380;
	[sflag:s0] =	ssyncadd.s32 $0xFFFFF060  }
.LBB2_2:
0x4c: {  	[tilespmem:s24], [sflag:$0x4] =	stream.indirect.gather [spmem:s3], $0x20, s23, s17, $0xb8;
	[tilespmem:$0x17E80] =	vst v63  }
0x4d: {  	s23 =	smov.u32 s21  }
0x4e: {  	p0 =	sne.s32 s21, $0x9000;
	s21 =	sadd.s32 $0x800, s21;
	_ =	swait.ge [sflag:s25], $0xFA0  }
0x4f: {  	s23 =	sshra.s32 s23, $0x2;
	[sflag:s25] =	ssyncset.done $0x0  }
0x50: {  	s5 =	sadd.s32 $0x2800, s23;
	[sflag:s25] =	ssyncadd.s32 $0xFFFFF060  }
0x51: {  	[spmem:s2] =	stream.indirect.scatter.add.f32 [tilespmem:s18], [sflag:$0x5], $0x20, s5, s17, $0xb8;
	[tilespmem:$0x17E80] =	vst v63  }
0x52: {  	_ =	swait.ge [sflag:s26], $0xFA0  }
0x53: {  	[sflag:s26] =	ssyncset.done $0x0  }
0x54: {  	s5 =	sadd.s32 $0x2880, s23;
	[sflag:s26] =	ssyncadd.s32 $0xFFFFF060  }
0x55: {  	[spmem:s2] =	stream.indirect.scatter.add.f32 [tilespmem:s20], [sflag:$0x6], $0x20, s5, s17, $0xb8;
	[tilespmem:$0x17E80] =	vst v63  }
0x56: {  	_ =	swait.ge [sflag:s28], $0xFA0  }
0x57: {  	[sflag:s28] =	ssyncset.done $0x0  }
0x58: {  	s5 =	sadd.s32 $0x2900, s23;
	[sflag:s28] =	ssyncadd.s32 $0xFFFFF060  }
0x59: {  	[spmem:s2] =	stream.indirect.scatter.add.f32 [tilespmem:s22], [sflag:$0x7], $0x20, s5, s17, $0xb8;
	[tilespmem:$0x17E80] =	vst v63  }
0x5a: {  	_ =	swait.ge [sflag:s29], $0xFA0  }
0x5b: {  	[sflag:s29] =	ssyncset.done $0x0  }
0x5c: {  	s5 =	sadd.s32 $0x2980, s23;
	[sflag:s29] =	ssyncadd.s32 $0xFFFFF060  }
0x5d: {  	[spmem:s2] =	stream.indirect.scatter.add.f32 [tilespmem:s24], [sflag:$0x8], $0x20, s5, s17, $0xb8;
	[tilespmem:$0x17E80] =	vst v63  }
0x5e: {  	_ =	swait.ge [sflag:s30], $0xFA0  }
0x5f: {  	[sflag:s30] =	ssyncset.done $0x0  }
0x60: {  	s5 =	sadd.s32 $0x200, s23;
	[sflag:s30] =	ssyncadd.s32 $0xFFFFF060  }
0x61: {  	[tilespmem:s18], [sflag:$0x1] =	stream.indirect.gather [spmem:s3], $0x20, s5, s17, $0xb8;
	[tilespmem:$0x17E80] =	vst v63  }
0x62: {  	_ =	swait.ge [sflag:s31], $0xFA0  }
0x63: {  	[sflag:s31] =	ssyncset.done $0x0  }
0x64: {  	s5 =	sadd.s32 $0x280, s23;
	[sflag:s31] =	ssyncadd.s32 $0xFFFFF060  }
0x65: {  	[tilespmem:s20], [sflag:$0x2] =	stream.indirect.gather [spmem:s3], $0x20, s5, s17, $0xb8;
	[tilespmem:$0x17E80] =	vst v63  }
0x66: {  	_ =	swait.ge [sflag:s1], $0xFA0  }
0x67: {  	[sflag:s1] =	ssyncset.done $0x0  }
.Ltmp0:
0x68: {  	s5 =	sadd.s32 $0x300, s23;
	[sflag:s1] =	ssyncadd.s32 $0xFFFFF060;
	(pc) =	sbr.rel @p0 .LBB2_2-.Ltmp0, $4  }
0x69: {  	[tilespmem:s22], [sflag:$0x3] =	stream.indirect.gather [spmem:s3], $0x20, s5, s17, $0xb8;
	[tilespmem:$0x17E80] =	vst v63  }
0x6a: {  	_ =	swait.ge [sflag:s0], $0xFA0  }
0x6b: {  	[sflag:s0] =	ssyncset.done $0x0  }
0x6c: {  	s23 =	sadd.s32 $0x380, s23;
	[sflag:s0] =	ssyncadd.s32 $0xFFFFF060  }
0x6d: {  	[tilespmem:s24], [sflag:$0x4] =	stream.indirect.gather [spmem:s3], $0x20, s23, s17, $0xb8;
	[tilespmem:$0x17E80] =	vst v63  }
0x6e: {  	_ =	swait.ge [sflag:s25], $0xFA0  }
0x6f: {  	[sflag:s25] =	ssyncset.done $0x0  }
0x70: {  	s5 =	simm.s32 $0x4E00;
	[sflag:s25] =	ssyncadd.s32 $0xFFFFF060  }
0x71: {  	[spmem:s2] =	stream.indirect.scatter.add.f32 [tilespmem:s18], [sflag:$0x5], $0x20, s5, s17, $0xb8;
	[tilespmem:$0x17E80] =	vst v63  }
0x72: {  	_ =	swait.ge [sflag:s26], $0xFA0  }
0x73: {  	[sflag:s26] =	ssyncset.done $0x0  }
0x74: {  	s23 =	simm.s32 $0x4E80;
	[sflag:s26] =	ssyncadd.s32 $0xFFFFF060  }
0x75: {  	[spmem:s2] =	stream.indirect.scatter.add.f32 [tilespmem:s20], [sflag:$0x6], $0x20, s23, s17, $0xb8;
	[tilespmem:$0x17E80] =	vst v63  }
0x76: {  	_ =	swait.ge [sflag:s28], $0xFA0  }
0x77: {  	[sflag:s28] =	ssyncset.done $0x0  }
0x78: {  	s21 =	simm.s32 $0x4F00;
	[sflag:s28] =	ssyncadd.s32 $0xFFFFF060  }
0x79: {  	[spmem:s2] =	stream.indirect.scatter.add.f32 [tilespmem:s22], [sflag:$0x7], $0x20, s21, s17, $0xb8;
	[tilespmem:$0x17E80] =	vst v63  }
0x7a: {  	_ =	swait.ge [sflag:s29], $0xFA0  }
0x7b: {  	[sflag:s29] =	ssyncset.done $0x0  }
0x7c: {  	s23 =	simm.s32 $0x4F80;
	[sflag:s29] =	ssyncadd.s32 $0xFFFFF060  }
0x7d: {  	[spmem:s2] =	stream.indirect.scatter.add.f32 [tilespmem:s24], [sflag:$0x8], $0x20, s23, s17, $0xb8;
	[tilespmem:$0x17E80] =	vst v63  }
0x7e: {  	_ =	swait.ge [sflag:s30], $0xFA0  }
0x7f: {  	[sflag:s30] =	ssyncset.done $0x0  }
0x80: {  	[sflag:s30] =	ssyncadd.s32 $0xFFFFF060  }
0x81: {  	_ =	swait.ge [sflag:s31], $0xFA0  }
0x82: {  	[sflag:s31] =	ssyncset.done $0x0  }
0x83: {  	[sflag:s31] =	ssyncadd.s32 $0xFFFFF060  }
0x84: {  	_ =	swait.ge [sflag:s1], $0xFA0  }
0x85: {  	[sflag:s1] =	ssyncset.done $0x0  }
0x86: {  	[sflag:s1] =	ssyncadd.s32 $0xFFFFF060  }
0x87: {  	_ =	swait.ge [sflag:s0], $0xFA0  }
0x88: {  	[sflag:s0] =	ssyncset.done $0x0  }
0x89: {  	[sflag:s0] =	ssyncadd.s32 $0xFFFFF060  }
0x8a: {  	[bflag:$0x0] =	sbarrier.arrive $0xFFFF  }
0x8b: {  	[tilespmem:s13], [sflag:$0x9] =	stream.linear.gather [spmem:s7], $0x5000, $0x38;
	[tilespmem:$0x17E80] =	vst v63  }
0x8c: {  	s19 =	sadd.s32 $0x1, s19;
	_ =	swait.ge [sflag:s12], $0x5000  }
0x8d: {  	p0 =	sne.s32 s19, s11;
	[sflag:s12] =	ssyncset.done $0x0  }
.Ltmp1:
0x8e: {  	[sflag:s12] =	ssyncadd.s32 $0xFFFFB000;
	(pc) =	sbr.rel @p0 .LBB2_1-.Ltmp1, $4  }
0x8f: {  	[hbm4b:s10+s4] =	stream.linear.scatter [tilespmem:s13], [sflag:$0x9], $0x5000, $0x38;
	[tilespmem:$0x17E80] =	vst v63  }
0x90: {  	_ =	swait.ge [sflag:s12], $0x5000  }
0x91: {  	[sflag:s12] =	ssyncset.done $0x0  }
0x92: {  	[sflag:s12] =	ssyncadd.s32 $0xFFFFB000  }
0x93: {  	_ =	sfence.sel $0x180000  }
0x94: {  	[bflag:$0x0] =	sbarrier.arrive $0xFFFF  }
0x95: {  	_ =	strace $0x9000004A  }
0x96: {  	s0 =	stileid.u32;
	[bflag:$0x2] =	sbarrier.arrive $0xFFFF  }
0x97: {  	p0 =	sne.s32 s0, $0x0;
	s0 =	rddreg [dreg:$0x4]  }
0x98: {  	s0 =	sadd.s32 @!p0 $0x100000, s0  }
0x99: {  	[sflag:s0] =	ssyncadd.tile.s32 @!p0 $0x1;
	_ =	shalt  }
.Lfunc_end2:
_tile_overlayer_lowered:
.L_overlay_start_2:
0x9a: {  	(tag) =	ssettag $0x2  }
0x9b: {  	s0 =	rddreg [dreg:$0x0];
	s2 =	stileid.u32  }
0x9c: {  	s1 =	rddreg [dreg:$0x1];
	p0 =	sne.s32 s2, $0x0  }
0x9d: {  	s3 =	rddreg [dreg:$0x2];
	[bflag:$0x3] =	sbarrier.arrive $0xFFFF;
	s2 =	simm.s32 @!p0 $0x1C09  }
0x9e: {  	[timem:s3], [sflag:s2] =	dma.local @!p0 [hbm:s0], s1  }
0x9f: {  	s0 =	simm.s32 @!p0 $0x9  }
0xa0: {  	_ =	swait.ge @!p0 [sflag:s0], s1  }
0xa1: {  	s1 =	ssub.s32 @!p0 $0x0, s1;
	[sflag:s0] =	ssyncset.done @!p0 $0x0  }
0xa2: {  	[sflag:s0] =	ssyncadd.s32 @!p0 s1  }
0xa3: {  	[bflag:$0x3] =	sbarrier.arrive $0xFFFF  }
0xa4: {  	_ =	shalt  }

// kernel: kernel.15.cloned.1.call-start
scs
__scs_entry_jumppad:
0x0: {  	(pc) =	sbr.rel $0x88, $3  }
0x1: {  	(tag) =	ssettag $0x0;
	lr =	simm.s32 $0x1  }
0x2: {  	[smem:$0x3F97] =	sst lr;
	_ =	strace $0xD0000000  }
0x3: {  	_ = 	snop  }
0x4: {  	_ = 	snop  }
0x5: {  	_ = 	snop  }
0x6: {  	_ = 	snop  }
0x7: {  	_ = 	snop  }
__scs_overlays_trampoline_lowered:
0x8: {  	[smem:$0x3FA6] =	sst s0  }
0x9: {  	[smem:$0x3FA7] =	sst s1  }
0xa: {  	[smem:$0x3FA8] =	sst s2  }
0xb: {  	[smem:$0x3FA9] =	sst s3  }
0xc: {  	[smem:$0x3FAA] =	sst s4  }
0xd: {  	[smem:$0x3FAB] =	sst s5  }
0xe: {  	[smem:$0x3FAC] =	sst s6  }
0xf: {  	[smem:$0x3FAD] =	sst s7  }
0x10: {  	[smem:$0x3FAE] =	sst s8  }
0x11: {  	[smem:$0x3FAF] =	sst s9;
	s0 =	simm.s32 @!p0 $0x0  }
0x12: {  	s1 =	sld [smem:$0x3F95];
	s0 =	simm.s32 @p0 $0x1  }
0x13: {  	[smem:$0x3FB0] =	sst s0;
	s0 =	simm.s32 @!p1 $0x0  }
0x14: {  	s2 =	sld [smem:$0x3F94];
	s0 =	simm.s32 @p1 $0x1  }
0x15: {  	[smem:$0x3FB1] =	sst s0;
	s0 =	simm.s32 @!p2 $0x0  }
0x16: {  	s3 =	sld [smem:$0x3FDB];
	s0 =	simm.s32 @p2 $0x1  }
0x17: {  	s4 =	simm.s32 $0x1BF5;
	[smem:$0x3FB3] =	sst s0  }
0x18: {  	s0 =	sld [smem:$0x3F96];
	_ =	swait.ge [sflag:s4], $0x0  }
0x19: {  	s7 =	sld [smem:$0x3F97]  }
0x1a: {  	s8 =	sadd.s32 $0xFFFFE003, lr  }
0x1b: {  	s9 =	sadd.s32 $0xFFFFFEF7, lr;
	s5 =	simm.s32 $0xFFFFFFFF;
	p2 =	slt.u32 s8, $0xFFFFF086  }
0x1c: {  	p1 =	slt.u32 s9, $0xF7A;
	s5 =	simm.s32 @!p2 $0x0  }
0x1d: {  	s5 =	simm.s32 @p1 $0x1;
	p0 =	seq.s32 s7, s2  }
0x1e: {  	s7 =	smul.u32 @!p0 $0xF7A, s2;
	p2 =	seq.s32 @!p0 s5, $0x0  }
0x1f: {  	s9 =	smul.u32 $0xF7A, s1;
	s8 =	simm.s32 @!p0 $0x1BF5;
	p2 =	por !p2, p0  }
0x20: {  	[sflag:s8] =	ssyncset.s32 @!p0 $0xFFFFF086;
	s6 =	sadd.s32 @!p0 s3, s7;
	s7 =	simm.s32 @!p0 $0x108  }
0x21: {  	s3 =	sadd.s32 s3, s9;
	s6 =	sadd.s32 @!p0 $0x88, s6;
	s7 =	simm.s32 @p2 $0x1082  }
0x22: {  	[simem:s7], [sflag:s8] =	dma.local @!p0 [hbm:s6], $0xF7A  }
0x23: {  	s9 =	sor.u32 $0xD0000000, s2;
	s6 =	simm.s32 $0x108;
	_ =	swait.ge @!p0 [sflag:s8], $0x0  }
0x24: {  	s3 =	sadd.s32 $0x88, s3;
	s6 =	simm.s32 @!p1 $0x1082;
	[sflag:s4] =	ssyncset.s32 $0xFFFFF086  }
0x25: {  	[simem:s6], [sflag:s4] =	dma.local [hbm:s3], $0xF7A  }
0x26: {  	[smem:$0x3F97] =	sst s1;
	(tag) =	ssettag s2;
	_ =	strace s9  }
0x27: {  	s1 =	sld [smem:$0x3FA7]  }
0x28: {  	s2 =	sld [smem:$0x3FA8]  }
0x29: {  	s4 =	sld [smem:$0x3FAA]  }
0x2a: {  	p0 =	seq.s32 s5, $0x0;
	s5 =	sld [smem:$0x3FAB]  }
0x2b: {  	s6 =	sld [smem:$0x3FAC]  }
0x2c: {  	s7 =	sld [smem:$0x3FAD]  }
0x2d: {  	s3 =	simm.s32 $0x108;
	s8 =	sld [smem:$0x3FAE]  }
0x2e: {  	s3 =	simm.s32 @!p0 $0x1082;
	s9 =	sld [smem:$0x3FAF]  }
0x2f: {  	lr =	sadd.s32 s0, s3;
	s0 =	sld [smem:$0x3FA6]  }
0x30: {  	s3 =	sld [smem:$0x3FA9]  }
0x31: {  	[smem:$0x3FB2] =	sst s10  }
0x32: {  	s10 =	sld [smem:$0x3FB0];
	_ =	sdelay $0x3  }
0x33: {  	p0 =	seq.s32 s10, $0x1;
	s10 =	sld [smem:$0x3FB2];
	_ =	sdelay $0x3  }
0x34: {  	[smem:$0x3FB2] =	sst s10  }
0x35: {  	s10 =	sld [smem:$0x3FB1];
	_ =	sdelay $0x3  }
0x36: {  	p1 =	seq.s32 s10, $0x1;
	s10 =	sld [smem:$0x3FB2];
	_ =	sdelay $0x3  }
0x37: {  	[smem:$0x3FB2] =	sst s10  }
0x38: {  	s10 =	sld [smem:$0x3FB3]  }
0x39: {  	_ = 	snop;
	(pc) =	sbr.ind lr, $3  }
0x3a: {  	_ = 	snop  }
0x3b: {  	_ = 	snop  }
0x3c: {  	p2 =	seq.s32 s10, $0x1;
	s10 =	sld [smem:$0x3FB2]  }
0x3d: {  	_ =	shalt  }
0x3e: {  	_ =	shalt  }
0x3f: {  	_ =	shalt  }
0x40: {  	_ =	shalt  }
0x41: {  	_ =	shalt  }
0x42: {  	_ =	shalt  }
0x43: {  	_ =	shalt  }
0x44: {  	_ =	shalt  }
0x45: {  	_ =	shalt  }
0x46: {  	_ =	shalt  }
0x47: {  	_ =	shalt  }
0x48: {  	_ =	shalt  }
0x49: {  	_ =	shalt  }
0x4a: {  	_ =	shalt  }
0x4b: {  	_ =	shalt  }
0x4c: {  	_ =	shalt  }
0x4d: {  	_ =	shalt  }
0x4e: {  	_ =	shalt  }
0x4f: {  	_ =	shalt  }
0x50: {  	_ =	shalt  }
0x51: {  	_ =	shalt  }
0x52: {  	_ =	shalt  }
0x53: {  	_ =	shalt  }
0x54: {  	_ =	shalt  }
0x55: {  	_ =	shalt  }
0x56: {  	_ =	shalt  }
0x57: {  	_ =	shalt  }
0x58: {  	_ =	shalt  }
0x59: {  	_ =	shalt  }
0x5a: {  	_ =	shalt  }
0x5b: {  	_ =	shalt  }
0x5c: {  	_ =	shalt  }
0x5d: {  	_ =	shalt  }
0x5e: {  	_ =	shalt  }
0x5f: {  	_ =	shalt  }
0x60: {  	_ =	shalt  }
0x61: {  	_ =	shalt  }
0x62: {  	_ =	shalt  }
0x63: {  	_ =	shalt  }
0x64: {  	_ =	shalt  }
0x65: {  	_ =	shalt  }
0x66: {  	_ =	shalt  }
0x67: {  	_ =	shalt  }
0x68: {  	_ =	shalt  }
0x69: {  	_ =	shalt  }
0x6a: {  	_ =	shalt  }
0x6b: {  	_ =	shalt  }
0x6c: {  	_ =	shalt  }
0x6d: {  	_ =	shalt  }
0x6e: {  	_ =	shalt  }
0x6f: {  	_ =	shalt  }
0x70: {  	_ =	shalt  }
0x71: {  	_ =	shalt  }
0x72: {  	_ =	shalt  }
0x73: {  	_ =	shalt  }
0x74: {  	_ =	shalt  }
0x75: {  	_ =	shalt  }
0x76: {  	_ =	shalt  }
0x77: {  	_ =	shalt  }
0x78: {  	_ =	shalt  }
0x79: {  	_ =	shalt  }
0x7a: {  	_ =	shalt  }
0x7b: {  	_ =	shalt  }
0x7c: {  	_ =	shalt  }
0x7d: {  	_ =	shalt  }
0x7e: {  	_ =	shalt  }
0x7f: {  	_ =	shalt  }
0x80: {  	_ =	shalt  }
0x81: {  	_ =	shalt  }
0x82: {  	_ =	shalt  }
0x83: {  	_ =	shalt  }
0x84: {  	_ =	shalt  }
0x85: {  	_ =	shalt  }
0x86: {  	_ =	shalt  }
0x87: {  	_ =	shalt  }
.Lfunc_end0:
.L_simem_size_0:
called_computation.2_lowered:
.L_overlay_start_0:
0x88: {  	s2 =	sld [smem:$0x3FD9]  }
0x89: {  	s3 =	sld [smem:$0x3FFE];
	_ =	sdelay $0x1  }
0x8a: {  	s1 =	srdreg.scid  }
0x8b: {  	s0 =	sand.u32 $0x1, s1  }
0x8c: {  	s17 =	sshll.u32 s0, $0xA;
	s2 =	sadd.s32 s3, s2  }
0x8d: {  	s2 =	sadd.s32 s2, s17  }
0x8e: {  	[smem:$0x3FBE] =	sst s2  }
0x8f: {  	_ = 	snop  }
0x90: {  	s2 =	sld [smem:$0x3FD0];
	(tm) =	ssettm $0x1  }
0x91: {  	s18 =	sld [smem:$0x3FFB];
	_ =	sdelay $0x3  }
0x92: {  	_ =	strace s18  }
0x93: {  	s3 =	sld [smem:$0x3FFC];
	_ =	sdelay $0x3  }
0x94: {  	_ =	strace s3  }
0x95: {  	s3 =	sld [smem:$0x3FFD];
	_ =	sdelay $0x3  }
0x96: {  	_ =	strace s3  }
0x97: {  	_ =	strace $0x8FFFFFFF  }
0x98: {  	s19 =	sld [smem:$0x3FDB];
	_ =	sdelay $0x1  }
0x99: {  	s4 =	simm.s32 $_scs_section_size  }
0x9a: {  	s5 =	simm.s32 $_size__tile_overlayer_lowered;
	s6 =	simm.s32 $_tile_overlayer_lowered  }
0x9b: {  	s22 =	simm.s32 $0x1BFF;
	s21 =	sshll.u32 s6, $0x1;
	s3 =	sadd.s32 s4, s19  }
0x9c: {  	s7 =	simm.s32 $0x0;
	s20 =	sshll.u32 s5, $0x1;
	s5 =	sadd.s32 s21, s3  }
0x9d: {  	[timem:s7], [sflag:s22] =	dma.local [hbm:s5], s20  }
0x9e: {  	_ =	swait.ge [sflag:s22], s20  }
0x9f: {  	s4 =	ssub.s32 $0x0, s20;
	[sflag:s22] =	ssyncset.done $0x0  }
0xa0: {  	[sflag:s22] =	ssyncadd.s32 s4;
	_ =	sdelay $0x1  }
0xa1: {  	s23 =	simm.s32 $0x1B8B  }
0xa2: {  	_ =	swait.ge [sflag:s23], $0x1  }
0xa3: {  	[sflag:s23] =	ssyncset.done $0x0  }
0xa4: {  	s25 =	simm.s32 $0x1B8E;
	s24 =	sld [smem:$0x3FFE];
	[sflag:s23] =	ssyncadd.s32 $0xFFFFFFFF  }
0xa5: {  	s26 =	simm.s32 $execute0_lowered;
	[smem:$0x3FD2] =	sst s25  }
0xa6: {  	s5 =	sshll.u32 s26, $0x1;
	_ =	strace $0x8000004C;
	[dreg:$0x1] =	wrdreg $0xFFFFFFFF  }
0xa7: {  	s28 =	simm.s32 $_size_execute0_lowered;
	s3 =	sadd.s32 s3, s5;
	[dreg:$0x0] =	wrdreg $0x0  }
0xa8: {  	s5 =	sshll.u32 s28, $0x1;
	[dreg:$0x2] =	wrdreg s3  }
0xa9: {  	[dreg:$0x3] =	wrdreg s5  }
0xaa: {  	[dreg:$0x4] =	wrdreg $0xC0  }
0xab: {  	_ =	task [dreg:s7], $0x5FFFF  }
0xac: {  	[dreg:$0x1] =	wrdreg $0xFFFFFFFF  }
0xad: {  	[dreg:$0x0] =	wrdreg $0x60  }
0xae: {  	[dreg:$0x2] =	wrdreg s2  }
0xaf: {  	[dreg:$0x3] =	wrdreg s24  }
0xb0: {  	[dreg:$0x4] =	wrdreg $0xDE800  }
0xb1: {  	[dreg:$0x5] =	wrdreg $0x12E800  }
0xb2: {  	[dreg:$0x6] =	wrdreg $0x9  }
0xb3: {  	_ =	task.clear_ibuf [dreg:s7], $0x7FFFF;
	_ =	strace $0x9000004C  }
0xb4: {  	s29 =	simm.s32 $0x9;
	_ =	strace $0x8000004E  }
0xb5: {  	_ =	swait.ge [sflag:s29], $0x1  }
0xb6: {  	[sflag:s29] =	ssyncadd.s32 $0xFFFFFFFF  }
0xb7: {  	_ =	strace $0x9000004E  }
0xb8: {  	_ =	sfence  }
0xb9: {  	s30 =	sld [smem:$0x0];
	_ =	sdelay $0x2  }
0xba: {  	s31 =	sshll.u32 s1, $0xD;
	s1 =	sshrl.u32 s1, $0x2  }
0xbb: {  	s3 =	sand.u32 $0x4000, s31;
	s1 =	sadd.s32 s1, s30  }
0xbc: {  	s0 =	sor.u32 s3, s0;
	s1 =	sshll.u32 s1, $0x11  }
0xbd: {  	s0 =	sor.u32 s1, s0  }
0xbe: {  	s0 =	sadd.s32 $0x8F2B, s0  }
0xbf: {  	[sflag:s0] =	ssyncadd.remote.s32 $0x1  }
0xc0: {  	_ =	sfence.sel $0xFFFF  }
0xc1: {  	[dreg:$0x0] =	wrdreg $0xFFFFFFFF;
	(pc) =	sbr.abs _section_cstart, $3  }
0xc2: {  	[dreg:$0x1] =	wrdreg $0xFFFFFFFF  }
0xc3: {  	_ =	task.clear_ibuf [dreg:s7], $0x2FFFF;
	_ =	strace $0x9FFFFFFF  }
0xc4: {  	(tm) =	ssettm $0x7FFFFFFF  }
0xc5: {  	_ =	shalt  }
tec
execute0_lowered:
.L_overlay_start_1:
0x0: {  	(tag) =	ssettag $0x1  }
0x1: {  	s1 =	rddreg [dreg:$0x0]  }
0x2: {  	s0 =	srdreg.scid;
	s5 =	rddreg [dreg:$0x1]  }
0x3: {  	s13 =	stileid.u32;
	s2 =	rddreg [dreg:$0x2]  }
0x4: {  	s17 =	simm.s32 $0x7D;
	s18 =	simm.s32 $0x5000;
	s20 =	simm.s32 $0x5FA0  }
0x5: {  	s22 =	simm.s32 $0x6F40;
	s24 =	simm.s32 $0x7EE0;
	s28 =	simm.s32 $0x3  }
0x6: {  	s29 =	simm.s32 $0x4;
	s30 =	simm.s32 $0x5;
	s31 =	simm.s32 $0x6  }
0x7: {  	s19 =	simm.s32 $0x0;
	s0 =	sand.u32 $0x1, s0;
	s9 =	smul.u32 $0x5000, s13  }
0x8: {  	s26 =	sshll.u32 s13, $0x6;
	s3 =	sshll.u32 s0, $0x4;
	s7 =	smul.u32 $0x50000, s0  }
0x9: {  	s0 =	ssub.s32 $0x2, s0;
	s14 =	sor.u32 $0x1C09, s26;
	s26 =	simm.s32 $0x2  }
0xa: {  	s4 =	sor.u32 s13, s3;
	s3 =	rddreg [dreg:$0x3];
	s10 =	sshrl.u32 s9, $0x3  }
0xb: {  	s11 =	sshrl.u32 s0, $0x1;
	s13 =	simm.s32 $0x8E80;
	s6 =	smul.u32 $0x500, s4  }
0xc: {  	s4 =	simm.s32 $0x0;
	s7 =	sadd.s32 s9, s7;
	s10 =	sadd.s32 s10, s5  }
0xd: {  	s0 =	ssub.s32 s0, s11;
	s25 =	sadd.s32 s9, s3;
	[smem:$0x7FF] =	sst s4  }
0xe: {  	s7 =	sshrl.u32 s7, $0x3;
	s11 =	smax.u32 s0, $0x1;
	s16 =	sshrl.u32 s25, $0x3  }
0xf: {  	s25 =	simm.s32 $0x1;
	s0 =	simm.s32 $0x8;
	_ =	strace $0x8000004D  }
0x10: {  	s8 =	sadd.s32 s6, s5;
	s12 =	sadd.s32 s7, s5;
	s1 =	sadd.s32 s1, s6  }
0x11: {  	s7 =	sadd.s32 s9, s2;
	s9 =	sadd.s32 $0x2200, s10;
	[dreg:$0x5] =	wrdreg s1  }
0x12: {  	s6 =	sadd.s32 $0xD200, s8;
	s8 =	sadd.s32 $0x17200, s10;
	s10 =	sadd.s32 $0x21200, s12  }
0x13: {  	s12 =	simm.s32 $0x9;
	s15 =	sshrl.u32 s7, $0x3;
	s1 =	simm.s32 $0x7  }
.LBB2_1:
0x14: {  	s5 =	rddreg [dreg:$0x5]  }
0x15: {  	[tilespmem:s4], [sflag:$0x9] =	stream.linear.gather [hbm4b:s5+s4], $0x2800, $0x38;
	[tilespmem:$0x17E80] =	vst v63  }
0x16: {  	_ =	swait.ge [sflag:s12], $0x2800  }
0x17: {  	[sflag:s12] =	ssyncset.done $0x0  }
0x18: {  	s21 =	simm.s32 $0x2800;
	[sflag:s12] =	ssyncadd.s32 $0xFFFFD800  }
0x19: {  	[tilespmem:s21], [sflag:$0x9] =	stream.linear.gather [hbm4b:s6+s4], $0x2800, $0x38;
	[tilespmem:$0x17E80] =	vst v63  }
0x1a: {  	_ =	swait.ge [sflag:s12], $0x2800  }
0x1b: {  	[sflag:s12] =	ssyncset.done $0x0  }
0x1c: {  	[sflag:s12] =	ssyncadd.s32 $0xFFFFD800  }
0x1d: {  	[spmem:s15], [sflag:s14] =	dma.local [hbm:s8], $0xA00  }
0x1e: {  	_ =	swait.ge [sflag:s12], $0xA00  }
0x1f: {  	[sflag:s12] =	ssyncset.done $0x0  }
0x20: {  	[sflag:s12] =	ssyncadd.s32 $0xFFFFF600  }
0x21: {  	[spmem:s16], [sflag:s14] =	dma.local [hbm:s9], $0xA00  }
0x22: {  	_ =	swait.ge [sflag:s12], $0xA00  }
0x23: {  	[sflag:s12] =	ssyncset.done $0x0  }
0x24: {  	[sflag:s12] =	ssyncadd.s32 $0xFFFFF600  }
0x25: {  	[bflag:$0x0] =	sbarrier.arrive $0xFFFF  }
0x26: {  	[tilespmem:s18], [sflag:$0x1] =	stream.indirect.gather [spmem:s3], $0x20, s4, s17, $0xb8;
	[tilespmem:$0x17E80] =	vst v63  }
0x27: {  	s23 =	simm.s32 $0x80  }
0x28: {  	[tilespmem:s20], [sflag:$0x2] =	stream.indirect.gather [spmem:s3], $0x20, s23, s17, $0xb8;
	[tilespmem:$0x17E80] =	vst v63  }
0x29: {  	s21 =	simm.s32 $0x100  }
0x2a: {  	[tilespmem:s22], [sflag:$0x3] =	stream.indirect.gather [spmem:s3], $0x20, s21, s17, $0xb8;
	[tilespmem:$0x17E80] =	vst v63  }
0x2b: {  	s23 =	simm.s32 $0x180  }
0x2c: {  	[tilespmem:s24], [sflag:$0x4] =	stream.indirect.gather [spmem:s3], $0x20, s23, s17, $0xb8;
	[tilespmem:$0x17E80] =	vst v63  }
0x2d: {  	_ =	swait.ge [sflag:s25], $0xFA0  }
0x2e: {  	[sflag:s25] =	ssyncset.done $0x0  }
0x2f: {  	s21 =	simm.s32 $0x2800;
	[sflag:s25] =	ssyncadd.s32 $0xFFFFF060  }
0x30: {  	[spmem:s2] =	stream.indirect.scatter.add.f32 [tilespmem:s18], [sflag:$0x5], $0x20, s21, s17, $0xb8;
	[tilespmem:$0x17E80] =	vst v63  }
0x31: {  	_ =	swait.ge [sflag:s26], $0xFA0  }
0x32: {  	[sflag:s26] =	ssyncset.done $0x0  }
0x33: {  	s5 =	simm.s32 $0x2880;
	[sflag:s26] =	ssyncadd.s32 $0xFFFFF060  }
0x34: {  	[spmem:s2] =	stream.indirect.scatter.add.f32 [tilespmem:s20], [sflag:$0x6], $0x20, s5, s17, $0xb8;
	[tilespmem:$0x17E80] =	vst v63  }
0x35: {  	_ =	swait.ge [sflag:s28], $0xFA0  }
0x36: {  	[sflag:s28] =	ssyncset.done $0x0  }
0x37: {  	s23 =	simm.s32 $0x2900;
	[sflag:s28] =	ssyncadd.s32 $0xFFFFF060  }
0x38: {  	[spmem:s2] =	stream.indirect.scatter.add.f32 [tilespmem:s22], [sflag:$0x7], $0x20, s23, s17, $0xb8;
	[tilespmem:$0x17E80] =	vst v63  }
0x39: {  	_ =	swait.ge [sflag:s29], $0xFA0  }
0x3a: {  	[sflag:s29] =	ssyncset.done $0x0  }
0x3b: {  	s5 =	simm.s32 $0x2980;
	[sflag:s29] =	ssyncadd.s32 $0xFFFFF060  }
0x3c: {  	[spmem:s2] =	stream.indirect.scatter.add.f32 [tilespmem:s24], [sflag:$0x8], $0x20, s5, s17, $0xb8;
	[tilespmem:$0x17E80] =	vst v63  }
0x3d: {  	_ =	swait.ge [sflag:s30], $0xFA0  }
0x3e: {  	[sflag:s30] =	ssyncset.done $0x0  }
0x3f: {  	s23 =	simm.s32 $0x200;
	[sflag:s30] =	ssyncadd.s32 $0xFFFFF060  }
0x40: {  	[tilespmem:s18], [sflag:$0x1] =	stream.indirect.gather [spmem:s3], $0x20, s23, s17, $0xb8;
	[tilespmem:$0x17E80] =	vst v63  }
0x41: {  	_ =	swait.ge [sflag:s31], $0xFA0  }
0x42: {  	[sflag:s31] =	ssyncset.done $0x0  }
0x43: {  	s5 =	simm.s32 $0x280;
	[sflag:s31] =	ssyncadd.s32 $0xFFFFF060  }
0x44: {  	[tilespmem:s20], [sflag:$0x2] =	stream.indirect.gather [spmem:s3], $0x20, s5, s17, $0xb8;
	[tilespmem:$0x17E80] =	vst v63  }
0x45: {  	_ =	swait.ge [sflag:s1], $0xFA0  }
0x46: {  	[sflag:s1] =	ssyncset.done $0x0  }
0x47: {  	s23 =	simm.s32 $0x300;
	[sflag:s1] =	ssyncadd.s32 $0xFFFFF060  }
0x48: {  	[tilespmem:s22], [sflag:$0x3] =	stream.indirect.gather [spmem:s3], $0x20, s23, s17, $0xb8;
	[tilespmem:$0x17E80] =	vst v63  }
0x49: {  	_ =	swait.ge [sflag:s0], $0xFA0  }
0x4a: {  	[sflag:s0] =	ssyncset.done $0x0  }
0x4b: {  	s21 =	simm.s32 $0x800;
	s23 =	simm.s32 $0x380;
	[sflag:s0] =	ssyncadd.s32 $0xFFFFF060  }
.LBB2_2:
0x4c: {  	[tilespmem:s24], [sflag:$0x4] =	stream.indirect.gather [spmem:s3], $0x20, s23, s17, $0xb8;
	[tilespmem:$0x17E80] =	vst v63  }
0x4d: {  	s23 =	smov.u32 s21  }
0x4e: {  	p0 =	sne.s32 s21, $0x9000;
	s21 =	sadd.s32 $0x800, s21;
	_ =	swait.ge [sflag:s25], $0xFA0  }
0x4f: {  	s23 =	sshra.s32 s23, $0x2;
	[sflag:s25] =	ssyncset.done $0x0  }
0x50: {  	s5 =	sadd.s32 $0x2800, s23;
	[sflag:s25] =	ssyncadd.s32 $0xFFFFF060  }
0x51: {  	[spmem:s2] =	stream.indirect.scatter.add.f32 [tilespmem:s18], [sflag:$0x5], $0x20, s5, s17, $0xb8;
	[tilespmem:$0x17E80] =	vst v63  }
0x52: {  	_ =	swait.ge [sflag:s26], $0xFA0  }
0x53: {  	[sflag:s26] =	ssyncset.done $0x0  }
0x54: {  	s5 =	sadd.s32 $0x2880, s23;
	[sflag:s26] =	ssyncadd.s32 $0xFFFFF060  }
0x55: {  	[spmem:s2] =	stream.indirect.scatter.add.f32 [tilespmem:s20], [sflag:$0x6], $0x20, s5, s17, $0xb8;
	[tilespmem:$0x17E80] =	vst v63  }
0x56: {  	_ =	swait.ge [sflag:s28], $0xFA0  }
0x57: {  	[sflag:s28] =	ssyncset.done $0x0  }
0x58: {  	s5 =	sadd.s32 $0x2900, s23;
	[sflag:s28] =	ssyncadd.s32 $0xFFFFF060  }
0x59: {  	[spmem:s2] =	stream.indirect.scatter.add.f32 [tilespmem:s22], [sflag:$0x7], $0x20, s5, s17, $0xb8;
	[tilespmem:$0x17E80] =	vst v63  }
0x5a: {  	_ =	swait.ge [sflag:s29], $0xFA0  }
0x5b: {  	[sflag:s29] =	ssyncset.done $0x0  }
0x5c: {  	s5 =	sadd.s32 $0x2980, s23;
	[sflag:s29] =	ssyncadd.s32 $0xFFFFF060  }
0x5d: {  	[spmem:s2] =	stream.indirect.scatter.add.f32 [tilespmem:s24], [sflag:$0x8], $0x20, s5, s17, $0xb8;
	[tilespmem:$0x17E80] =	vst v63  }
0x5e: {  	_ =	swait.ge [sflag:s30], $0xFA0  }
0x5f: {  	[sflag:s30] =	ssyncset.done $0x0  }
0x60: {  	s5 =	sadd.s32 $0x200, s23;
	[sflag:s30] =	ssyncadd.s32 $0xFFFFF060  }
0x61: {  	[tilespmem:s18], [sflag:$0x1] =	stream.indirect.gather [spmem:s3], $0x20, s5, s17, $0xb8;
	[tilespmem:$0x17E80] =	vst v63  }
0x62: {  	_ =	swait.ge [sflag:s31], $0xFA0  }
0x63: {  	[sflag:s31] =	ssyncset.done $0x0  }
0x64: {  	s5 =	sadd.s32 $0x280, s23;
	[sflag:s31] =	ssyncadd.s32 $0xFFFFF060  }
0x65: {  	[tilespmem:s20], [sflag:$0x2] =	stream.indirect.gather [spmem:s3], $0x20, s5, s17, $0xb8;
	[tilespmem:$0x17E80] =	vst v63  }
0x66: {  	_ =	swait.ge [sflag:s1], $0xFA0  }
0x67: {  	[sflag:s1] =	ssyncset.done $0x0  }
.Ltmp0:
0x68: {  	s5 =	sadd.s32 $0x300, s23;
	[sflag:s1] =	ssyncadd.s32 $0xFFFFF060;
	(pc) =	sbr.rel @p0 .LBB2_2-.Ltmp0, $4  }
0x69: {  	[tilespmem:s22], [sflag:$0x3] =	stream.indirect.gather [spmem:s3], $0x20, s5, s17, $0xb8;
	[tilespmem:$0x17E80] =	vst v63  }
0x6a: {  	_ =	swait.ge [sflag:s0], $0xFA0  }
0x6b: {  	[sflag:s0] =	ssyncset.done $0x0  }
0x6c: {  	s23 =	sadd.s32 $0x380, s23;
	[sflag:s0] =	ssyncadd.s32 $0xFFFFF060  }
0x6d: {  	[tilespmem:s24], [sflag:$0x4] =	stream.indirect.gather [spmem:s3], $0x20, s23, s17, $0xb8;
	[tilespmem:$0x17E80] =	vst v63  }
0x6e: {  	_ =	swait.ge [sflag:s25], $0xFA0  }
0x6f: {  	[sflag:s25] =	ssyncset.done $0x0  }
0x70: {  	s5 =	simm.s32 $0x4E00;
	[sflag:s25] =	ssyncadd.s32 $0xFFFFF060  }
0x71: {  	[spmem:s2] =	stream.indirect.scatter.add.f32 [tilespmem:s18], [sflag:$0x5], $0x20, s5, s17, $0xb8;
	[tilespmem:$0x17E80] =	vst v63  }
0x72: {  	_ =	swait.ge [sflag:s26], $0xFA0  }
0x73: {  	[sflag:s26] =	ssyncset.done $0x0  }
0x74: {  	s23 =	simm.s32 $0x4E80;
	[sflag:s26] =	ssyncadd.s32 $0xFFFFF060  }
0x75: {  	[spmem:s2] =	stream.indirect.scatter.add.f32 [tilespmem:s20], [sflag:$0x6], $0x20, s23, s17, $0xb8;
	[tilespmem:$0x17E80] =	vst v63  }
0x76: {  	_ =	swait.ge [sflag:s28], $0xFA0  }
0x77: {  	[sflag:s28] =	ssyncset.done $0x0  }
0x78: {  	s21 =	simm.s32 $0x4F00;
	[sflag:s28] =	ssyncadd.s32 $0xFFFFF060  }
0x79: {  	[spmem:s2] =	stream.indirect.scatter.add.f32 [tilespmem:s22], [sflag:$0x7], $0x20, s21, s17, $0xb8;
	[tilespmem:$0x17E80] =	vst v63  }
0x7a: {  	_ =	swait.ge [sflag:s29], $0xFA0  }
0x7b: {  	[sflag:s29] =	ssyncset.done $0x0  }
0x7c: {  	s23 =	simm.s32 $0x4F80;
	[sflag:s29] =	ssyncadd.s32 $0xFFFFF060  }
0x7d: {  	[spmem:s2] =	stream.indirect.scatter.add.f32 [tilespmem:s24], [sflag:$0x8], $0x20, s23, s17, $0xb8;
	[tilespmem:$0x17E80] =	vst v63  }
0x7e: {  	_ =	swait.ge [sflag:s30], $0xFA0  }
0x7f: {  	[sflag:s30] =	ssyncset.done $0x0  }
0x80: {  	[sflag:s30] =	ssyncadd.s32 $0xFFFFF060  }
0x81: {  	_ =	swait.ge [sflag:s31], $0xFA0  }
0x82: {  	[sflag:s31] =	ssyncset.done $0x0  }
0x83: {  	[sflag:s31] =	ssyncadd.s32 $0xFFFFF060  }
0x84: {  	_ =	swait.ge [sflag:s1], $0xFA0  }
0x85: {  	[sflag:s1] =	ssyncset.done $0x0  }
0x86: {  	[sflag:s1] =	ssyncadd.s32 $0xFFFFF060  }
0x87: {  	_ =	swait.ge [sflag:s0], $0xFA0  }
0x88: {  	[sflag:s0] =	ssyncset.done $0x0  }
0x89: {  	[sflag:s0] =	ssyncadd.s32 $0xFFFFF060  }
0x8a: {  	[bflag:$0x0] =	sbarrier.arrive $0xFFFF  }
0x8b: {  	[tilespmem:s13], [sflag:$0x9] =	stream.linear.gather [spmem:s7], $0x5000, $0x38;
	[tilespmem:$0x17E80] =	vst v63  }
0x8c: {  	s19 =	sadd.s32 $0x1, s19;
	_ =	swait.ge [sflag:s12], $0x5000  }
0x8d: {  	p0 =	sne.s32 s19, s11;
	[sflag:s12] =	ssyncset.done $0x0  }
.Ltmp1:
0x8e: {  	[sflag:s12] =	ssyncadd.s32 $0xFFFFB000;
	(pc) =	sbr.rel @p0 .LBB2_1-.Ltmp1, $4  }
0x8f: {  	[hbm4b:s10+s4] =	stream.linear.scatter [tilespmem:s13], [sflag:$0x9], $0x5000, $0x38;
	[tilespmem:$0x17E80] =	vst v63  }
0x90: {  	_ =	swait.ge [sflag:s12], $0x5000  }
0x91: {  	[sflag:s12] =	ssyncset.done $0x0  }
0x92: {  	[sflag:s12] =	ssyncadd.s32 $0xFFFFB000  }
0x93: {  	_ =	sfence.sel $0x180000  }
0x94: {  	[bflag:$0x0] =	sbarrier.arrive $0xFFFF  }
0x95: {  	_ =	strace $0x9000004D  }
0x96: {  	s0 =	stileid.u32;
	[bflag:$0x2] =	sbarrier.arrive $0xFFFF  }
0x97: {  	p0 =	sne.s32 s0, $0x0;
	s0 =	rddreg [dreg:$0x4]  }
0x98: {  	s0 =	sadd.s32 @!p0 $0x100000, s0  }
0x99: {  	[sflag:s0] =	ssyncadd.tile.s32 @!p0 $0x1;
	_ =	shalt  }
.Lfunc_end2:
_tile_overlayer_lowered:
.L_overlay_start_2:
0x9a: {  	(tag) =	ssettag $0x2  }
0x9b: {  	s0 =	rddreg [dreg:$0x0];
	s2 =	stileid.u32  }
0x9c: {  	s1 =	rddreg [dreg:$0x1];
	p0 =	sne.s32 s2, $0x0  }
0x9d: {  	s3 =	rddreg [dreg:$0x2];
	[bflag:$0x3] =	sbarrier.arrive $0xFFFF;
	s2 =	simm.s32 @!p0 $0x1C09  }
0x9e: {  	[timem:s3], [sflag:s2] =	dma.local @!p0 [hbm:s0], s1  }
0x9f: {  	s0 =	simm.s32 @!p0 $0x9  }
0xa0: {  	_ =	swait.ge @!p0 [sflag:s0], s1  }
0xa1: {  	s1 =	ssub.s32 @!p0 $0x0, s1;
	[sflag:s0] =	ssyncset.done @!p0 $0x0  }
0xa2: {  	[sflag:s0] =	ssyncadd.s32 @!p0 s1  }
0xa3: {  	[bflag:$0x3] =	sbarrier.arrive $0xFFFF  }
0xa4: {  	_ =	shalt  }

// kernel: kernel.9.cloned.1.call-start
scs
__scs_entry_jumppad:
0x0: {  	(pc) =	sbr.rel $0x88, $3  }
0x1: {  	(tag) =	ssettag $0x0;
	lr =	simm.s32 $0x1  }
0x2: {  	[smem:$0x3F97] =	sst lr;
	_ =	strace $0xD0000000  }
0x3: {  	_ = 	snop  }
0x4: {  	_ = 	snop  }
0x5: {  	_ = 	snop  }
0x6: {  	_ = 	snop  }
0x7: {  	_ = 	snop  }
__scs_overlays_trampoline_lowered:
0x8: {  	[smem:$0x3FA6] =	sst s0  }
0x9: {  	[smem:$0x3FA7] =	sst s1  }
0xa: {  	[smem:$0x3FA8] =	sst s2  }
0xb: {  	[smem:$0x3FA9] =	sst s3  }
0xc: {  	[smem:$0x3FAA] =	sst s4  }
0xd: {  	[smem:$0x3FAB] =	sst s5  }
0xe: {  	[smem:$0x3FAC] =	sst s6  }
0xf: {  	[smem:$0x3FAD] =	sst s7  }
0x10: {  	[smem:$0x3FAE] =	sst s8  }
0x11: {  	[smem:$0x3FAF] =	sst s9;
	s0 =	simm.s32 @!p0 $0x0  }
0x12: {  	s1 =	sld [smem:$0x3F95];
	s0 =	simm.s32 @p0 $0x1  }
0x13: {  	[smem:$0x3FB0] =	sst s0;
	s0 =	simm.s32 @!p1 $0x0  }
0x14: {  	s2 =	sld [smem:$0x3F94];
	s0 =	simm.s32 @p1 $0x1  }
0x15: {  	[smem:$0x3FB1] =	sst s0;
	s0 =	simm.s32 @!p2 $0x0  }
0x16: {  	s3 =	sld [smem:$0x3FDB];
	s0 =	simm.s32 @p2 $0x1  }
0x17: {  	s4 =	simm.s32 $0x1BF5;
	[smem:$0x3FB3] =	sst s0  }
0x18: {  	s0 =	sld [smem:$0x3F96];
	_ =	swait.ge [sflag:s4], $0x0  }
0x19: {  	s7 =	sld [smem:$0x3F97]  }
0x1a: {  	s8 =	sadd.s32 $0xFFFFE003, lr  }
0x1b: {  	s9 =	sadd.s32 $0xFFFFFEF7, lr;
	s5 =	simm.s32 $0xFFFFFFFF;
	p2 =	slt.u32 s8, $0xFFFFF086  }
0x1c: {  	p1 =	slt.u32 s9, $0xF7A;
	s5 =	simm.s32 @!p2 $0x0  }
0x1d: {  	s5 =	simm.s32 @p1 $0x1;
	p0 =	seq.s32 s7, s2  }
0x1e: {  	s7 =	smul.u32 @!p0 $0xF7A, s2;
	p2 =	seq.s32 @!p0 s5, $0x0  }
0x1f: {  	s9 =	smul.u32 $0xF7A, s1;
	s8 =	simm.s32 @!p0 $0x1BF5;
	p2 =	por !p2, p0  }
0x20: {  	[sflag:s8] =	ssyncset.s32 @!p0 $0xFFFFF086;
	s6 =	sadd.s32 @!p0 s3, s7;
	s7 =	simm.s32 @!p0 $0x108  }
0x21: {  	s3 =	sadd.s32 s3, s9;
	s6 =	sadd.s32 @!p0 $0x88, s6;
	s7 =	simm.s32 @p2 $0x1082  }
0x22: {  	[simem:s7], [sflag:s8] =	dma.local @!p0 [hbm:s6], $0xF7A  }
0x23: {  	s9 =	sor.u32 $0xD0000000, s2;
	s6 =	simm.s32 $0x108;
	_ =	swait.ge @!p0 [sflag:s8], $0x0  }
0x24: {  	s3 =	sadd.s32 $0x88, s3;
	s6 =	simm.s32 @!p1 $0x1082;
	[sflag:s4] =	ssyncset.s32 $0xFFFFF086  }
0x25: {  	[simem:s6], [sflag:s4] =	dma.local [hbm:s3], $0xF7A  }
0x26: {  	[smem:$0x3F97] =	sst s1;
	(tag) =	ssettag s2;
	_ =	strace s9  }
0x27: {  	s1 =	sld [smem:$0x3FA7]  }
0x28: {  	s2 =	sld [smem:$0x3FA8]  }
0x29: {  	s4 =	sld [smem:$0x3FAA]  }
0x2a: {  	p0 =	seq.s32 s5, $0x0;
	s5 =	sld [smem:$0x3FAB]  }
0x2b: {  	s6 =	sld [smem:$0x3FAC]  }
0x2c: {  	s7 =	sld [smem:$0x3FAD]  }
0x2d: {  	s3 =	simm.s32 $0x108;
	s8 =	sld [smem:$0x3FAE]  }
0x2e: {  	s3 =	simm.s32 @!p0 $0x1082;
	s9 =	sld [smem:$0x3FAF]  }
0x2f: {  	lr =	sadd.s32 s0, s3;
	s0 =	sld [smem:$0x3FA6]  }
0x30: {  	s3 =	sld [smem:$0x3FA9]  }
0x31: {  	[smem:$0x3FB2] =	sst s10  }
0x32: {  	s10 =	sld [smem:$0x3FB0];
	_ =	sdelay $0x3  }
0x33: {  	p0 =	seq.s32 s10, $0x1;
	s10 =	sld [smem:$0x3FB2];
	_ =	sdelay $0x3  }
0x34: {  	[smem:$0x3FB2] =	sst s10  }
0x35: {  	s10 =	sld [smem:$0x3FB1];
	_ =	sdelay $0x3  }
0x36: {  	p1 =	seq.s32 s10, $0x1;
	s10 =	sld [smem:$0x3FB2];
	_ =	sdelay $0x3  }
0x37: {  	[smem:$0x3FB2] =	sst s10  }
0x38: {  	s10 =	sld [smem:$0x3FB3]  }
0x39: {  	_ = 	snop;
	(pc) =	sbr.ind lr, $3  }
0x3a: {  	_ = 	snop  }
0x3b: {  	_ = 	snop  }
0x3c: {  	p2 =	seq.s32 s10, $0x1;
	s10 =	sld [smem:$0x3FB2]  }
0x3d: {  	_ =	shalt  }
0x3e: {  	_ =	shalt  }
0x3f: {  	_ =	shalt  }
0x40: {  	_ =	shalt  }
0x41: {  	_ =	shalt  }
0x42: {  	_ =	shalt  }
0x43: {  	_ =	shalt  }
0x44: {  	_ =	shalt  }
0x45: {  	_ =	shalt  }
0x46: {  	_ =	shalt  }
0x47: {  	_ =	shalt  }
0x48: {  	_ =	shalt  }
0x49: {  	_ =	shalt  }
0x4a: {  	_ =	shalt  }
0x4b: {  	_ =	shalt  }
0x4c: {  	_ =	shalt  }
0x4d: {  	_ =	shalt  }
0x4e: {  	_ =	shalt  }
0x4f: {  	_ =	shalt  }
0x50: {  	_ =	shalt  }
0x51: {  	_ =	shalt  }
0x52: {  	_ =	shalt  }
0x53: {  	_ =	shalt  }
0x54: {  	_ =	shalt  }
0x55: {  	_ =	shalt  }
0x56: {  	_ =	shalt  }
0x57: {  	_ =	shalt  }
0x58: {  	_ =	shalt  }
0x59: {  	_ =	shalt  }
0x5a: {  	_ =	shalt  }
0x5b: {  	_ =	shalt  }
0x5c: {  	_ =	shalt  }
0x5d: {  	_ =	shalt  }
0x5e: {  	_ =	shalt  }
0x5f: {  	_ =	shalt  }
0x60: {  	_ =	shalt  }
0x61: {  	_ =	shalt  }
0x62: {  	_ =	shalt  }
0x63: {  	_ =	shalt  }
0x64: {  	_ =	shalt  }
0x65: {  	_ =	shalt  }
0x66: {  	_ =	shalt  }
0x67: {  	_ =	shalt  }
0x68: {  	_ =	shalt  }
0x69: {  	_ =	shalt  }
0x6a: {  	_ =	shalt  }
0x6b: {  	_ =	shalt  }
0x6c: {  	_ =	shalt  }
0x6d: {  	_ =	shalt  }
0x6e: {  	_ =	shalt  }
0x6f: {  	_ =	shalt  }
0x70: {  	_ =	shalt  }
0x71: {  	_ =	shalt  }
0x72: {  	_ =	shalt  }
0x73: {  	_ =	shalt  }
0x74: {  	_ =	shalt  }
0x75: {  	_ =	shalt  }
0x76: {  	_ =	shalt  }
0x77: {  	_ =	shalt  }
0x78: {  	_ =	shalt  }
0x79: {  	_ =	shalt  }
0x7a: {  	_ =	shalt  }
0x7b: {  	_ =	shalt  }
0x7c: {  	_ =	shalt  }
0x7d: {  	_ =	shalt  }
0x7e: {  	_ =	shalt  }
0x7f: {  	_ =	shalt  }
0x80: {  	_ =	shalt  }
0x81: {  	_ =	shalt  }
0x82: {  	_ =	shalt  }
0x83: {  	_ =	shalt  }
0x84: {  	_ =	shalt  }
0x85: {  	_ =	shalt  }
0x86: {  	_ =	shalt  }
0x87: {  	_ =	shalt  }
.Lfunc_end0:
.L_simem_size_0:
called_computation_lowered:
.L_overlay_start_0:
0x88: {  	s2 =	sld [smem:$0x3FD9]  }
0x89: {  	s3 =	sld [smem:$0x3FFE];
	_ =	sdelay $0x1  }
0x8a: {  	s1 =	srdreg.scid  }
0x8b: {  	s0 =	sand.u32 $0x1, s1  }
0x8c: {  	s16 =	sshll.u32 s0, $0xA;
	s2 =	sadd.s32 s3, s2  }
0x8d: {  	s2 =	sadd.s32 s2, s16  }
0x8e: {  	[smem:$0x3FBE] =	sst s2  }
0x8f: {  	_ = 	snop  }
0x90: {  	(tm) =	ssettm $0x1  }
0x91: {  	s17 =	sld [smem:$0x3FFB];
	_ =	sdelay $0x3  }
0x92: {  	_ =	strace s17  }
0x93: {  	s2 =	sld [smem:$0x3FFC];
	_ =	sdelay $0x3  }
0x94: {  	_ =	strace s2  }
0x95: {  	s2 =	sld [smem:$0x3FFD];
	_ =	sdelay $0x3  }
0x96: {  	_ =	strace s2  }
0x97: {  	_ =	strace $0x8FFFFFFF  }
0x98: {  	s18 =	sld [smem:$0x3FDB];
	_ =	sdelay $0x1  }
0x99: {  	s19 =	simm.s32 $_scs_section_size  }
0x9a: {  	s4 =	simm.s32 $_size__tile_overlayer_lowered;
	s5 =	simm.s32 $_tile_overlayer_lowered  }
0x9b: {  	s22 =	simm.s32 $0x1BFF;
	s21 =	sshll.u32 s5, $0x1;
	s2 =	sadd.s32 s19, s18  }
0x9c: {  	s6 =	simm.s32 $0x0;
	s20 =	sshll.u32 s4, $0x1;
	s4 =	sadd.s32 s21, s2  }
0x9d: {  	[timem:s6], [sflag:s22] =	dma.local [hbm:s4], s20  }
0x9e: {  	_ =	swait.ge [sflag:s22], s20  }
0x9f: {  	s3 =	ssub.s32 $0x0, s20;
	[sflag:s22] =	ssyncset.done $0x0  }
0xa0: {  	[sflag:s22] =	ssyncadd.s32 s3;
	_ =	sdelay $0x1  }
0xa1: {  	s23 =	simm.s32 $0x1B8B  }
0xa2: {  	_ =	swait.ge [sflag:s23], $0x1  }
0xa3: {  	[sflag:s23] =	ssyncset.done $0x0  }
0xa4: {  	s25 =	simm.s32 $0x1B8E;
	s24 =	sld [smem:$0x3FFE];
	[sflag:s23] =	ssyncadd.s32 $0xFFFFFFFF  }
0xa5: {  	s26 =	simm.s32 $execute0_lowered;
	[smem:$0x3FD2] =	sst s25  }
0xa6: {  	s4 =	sshll.u32 s26, $0x1;
	_ =	strace $0x80000046;
	[dreg:$0x1] =	wrdreg $0xFFFFFFFF  }
0xa7: {  	s28 =	simm.s32 $_size_execute0_lowered;
	s2 =	sadd.s32 s2, s4;
	[dreg:$0x0] =	wrdreg $0x0  }
0xa8: {  	s4 =	sshll.u32 s28, $0x1;
	[dreg:$0x2] =	wrdreg s2  }
0xa9: {  	[dreg:$0x3] =	wrdreg s4  }
0xaa: {  	[dreg:$0x4] =	wrdreg $0xC0  }
0xab: {  	_ =	task [dreg:s6], $0x5FFFF  }
0xac: {  	[dreg:$0x1] =	wrdreg $0xFFFFFFFF  }
0xad: {  	[dreg:$0x0] =	wrdreg $0x60  }
0xae: {  	[dreg:$0x2] =	wrdreg s24  }
0xaf: {  	[dreg:$0x3] =	wrdreg $0x2B000  }
0xb0: {  	[dreg:$0x4] =	wrdreg $0x9  }
0xb1: {  	_ =	task.clear_ibuf [dreg:s6], $0x5FFFF;
	_ =	strace $0x90000046  }
0xb2: {  	s29 =	simm.s32 $0x9;
	_ =	strace $0x80000048  }
0xb3: {  	_ =	swait.ge [sflag:s29], $0x1  }
0xb4: {  	[sflag:s29] =	ssyncadd.s32 $0xFFFFFFFF  }
0xb5: {  	_ =	strace $0x90000048  }
0xb6: {  	_ =	sfence  }
0xb7: {  	s30 =	sld [smem:$0x0];
	_ =	sdelay $0x2  }
0xb8: {  	s31 =	sshll.u32 s1, $0xD;
	s1 =	sshrl.u32 s1, $0x2  }
0xb9: {  	s3 =	sand.u32 $0x4000, s31;
	s1 =	sadd.s32 s1, s30  }
0xba: {  	s0 =	sor.u32 s3, s0;
	s1 =	sshll.u32 s1, $0x11  }
0xbb: {  	s0 =	sor.u32 s1, s0  }
0xbc: {  	s0 =	sadd.s32 $0x8F2B, s0  }
0xbd: {  	[sflag:s0] =	ssyncadd.remote.s32 $0x1  }
0xbe: {  	_ =	sfence.sel $0xFFFF  }
0xbf: {  	[dreg:$0x0] =	wrdreg $0xFFFFFFFF;
	(pc) =	sbr.abs _section_cstart, $3  }
0xc0: {  	[dreg:$0x1] =	wrdreg $0xFFFFFFFF  }
0xc1: {  	_ =	task.clear_ibuf [dreg:s6], $0x2FFFF;
	_ =	strace $0x9FFFFFFF  }
0xc2: {  	(tm) =	ssettm $0x7FFFFFFF  }
0xc3: {  	_ =	shalt  }
tec
execute0_lowered:
.L_overlay_start_1:
0x0: {  	(tag) =	ssettag $0x1  }
0x1: {  	s5 =	rddreg [dreg:$0x0]  }
0x2: {  	s0 =	srdreg.scid;
	s2 =	rddreg [dreg:$0x1];
	s3 =	simm.s32 $0x0  }
0x3: {  	s12 =	simm.s32 $0x7D;
	s13 =	simm.s32 $0x2800;
	s14 =	simm.s32 $0x1  }
0x4: {  	s15 =	simm.s32 $0x2880;
	s4 =	sand.u32 $0x1, s0;
	s0 =	stileid.u32  }
0x5: {  	s16 =	simm.s32 $0x0;
	[smem:$0x7FF] =	sst s3;
	s7 =	smul.u32 $0x280, s0  }
0x6: {  	s1 =	sshll.u32 s4, $0x4;
	s8 =	smul.u32 $0x2800, s4;
	s4 =	ssub.s32 $0x2, s4  }
0x7: {  	s11 =	sshll.u32 s0, $0x6;
	s1 =	sor.u32 s0, s1;
	s31 =	sshrl.u32 s4, $0x1  }
0x8: {  	s6 =	smul.u32 $0x500, s1;
	s1 =	rddreg [dreg:$0x2];
	_ =	strace $0x80000047  }
0x9: {  	s8 =	sadd.s32 s7, s8;
	s9 =	sshrl.u32 s7, $0x3;
	s10 =	ssub.s32 s4, s31  }
0xa: {  	s8 =	sshrl.u32 s8, $0x3;
	s9 =	sadd.s32 s9, s5;
	s6 =	sadd.s32 s6, s5  }
0xb: {  	s8 =	sadd.s32 s8, s5;
	s5 =	sadd.s32 s7, s2;
	s4 =	sadd.s32 $0x2200, s6  }
0xc: {  	s6 =	sadd.s32 $0xC200, s9;
	s7 =	sadd.s32 $0xC800, s8;
	s8 =	smax.u32 s10, $0x1  }
0xd: {  	v0 =	vimm.f32 $1.000000000e+00;
	s9 =	simm.s32 $0x2;
	s10 =	sor.u32 $0x1C02, s11;
	s11 =	sshrl.u32 s5, $0x3  }
.LBB2_1:
0xe: {  	[tilespmem:s3], [sflag:$0x2] =	stream.linear.gather [hbm4b:s4+s3], $0x2800, $0x38;
	[tilespmem:$0x2D80] =	vst v63  }
0xf: {  	_ =	swait.ge [sflag:s9], $0x2800  }
0x10: {  	[sflag:s9] =	ssyncset.done $0x0  }
0x11: {  	[sflag:s9] =	ssyncadd.s32 $0xFFFFD800  }
0x12: {  	[tilespmem:$0x2800] =	vst v0  }
0x13: {  	[tilespmem:$0x2810] =	vst v0  }
0x14: {  	[tilespmem:$0x2820] =	vst v0  }
0x15: {  	[tilespmem:$0x2830] =	vst v0  }
0x16: {  	[tilespmem:$0x2840] =	vst v0  }
0x17: {  	[tilespmem:$0x2850] =	vst v0  }
0x18: {  	[tilespmem:$0x2860] =	vst v0  }
0x19: {  	[tilespmem:$0x2870] =	vst v0  }
0x1a: {  	[spmem:s11], [sflag:s10] =	dma.local [hbm:s6], $0x50  }
0x1b: {  	_ =	swait.ge [sflag:s9], $0x50  }
0x1c: {  	[sflag:s9] =	ssyncset.done $0x0  }
0x1d: {  	[sflag:s9] =	ssyncadd.s32 $0xFFFFFFB0  }
0x1e: {  	s17 =	simm.s32 $0x0;
	[bflag:$0x0] =	sbarrier.arrive $0xFFFF  }
.LBB2_2:
0x1f: {  	p0 =	sne.s32 s17, $0x9E00  }
.Ltmp0:
0x20: {  	_ = 	snop;
	(pc) =	sbr.rel @p0 .LBB2_2-.Ltmp0, $3  }
0x21: {  	_ =	sdelay $0x1  }
0x22: {  	s18 =	sshra.s32 s17, $0x2;
	s17 =	sadd.s32 $0x200, s17  }
0x23: {  	[spmem:s2] =	stream.indirect.scatter.add.f32 [tilespmem:s13], [sflag:$0x1], $0x1, s18, s12, $0xb8;
	[tilespmem:$0x2D80] =	vst v63  }
0x24: {  	_ =	swait.ge [sflag:s14], $0x7D  }
0x25: {  	s17 =	simm.s32 $0x4F;
	[sflag:s14] =	ssyncset.done $0x0  }
.LBB2_4:
0x26: {  	p0 =	sne.s32 s17, $0x1;
	s17 =	sadd.s32 $0xFFFFFFFF, s17;
	[sflag:s14] =	ssyncadd.s32 $0xFFFFFF83  }
.Ltmp1:
0x27: {  	(pc) =	sbr.rel @p0 .LBB2_4-.Ltmp1, $3  }
0x28: {  	_ =	sdelay $0x1  }
0x29: {  	_ =	swait.ge [sflag:s14], $0x7D  }
0x2a: {  	[sflag:s14] =	ssyncset.done $0x0  }
0x2b: {  	[sflag:s14] =	ssyncadd.s32 $0xFFFFFF83  }
0x2c: {  	[bflag:$0x0] =	sbarrier.arrive $0xFFFF  }
0x2d: {  	[tilespmem:s15], [sflag:$0x2] =	stream.linear.gather [spmem:s5], $0x280, $0x38;
	[tilespmem:$0x2D80] =	vst v63  }
0x2e: {  	s16 =	sadd.s32 $0x1, s16;
	_ =	swait.ge [sflag:s9], $0x280  }
0x2f: {  	p0 =	sne.s32 s16, s8;
	[sflag:s9] =	ssyncset.done $0x0  }
.Ltmp2:
0x30: {  	[sflag:s9] =	ssyncadd.s32 $0xFFFFFD80;
	(pc) =	sbr.rel @p0 .LBB2_1-.Ltmp2, $4  }
0x31: {  	[hbm4b:s7+s3] =	stream.linear.scatter [tilespmem:s15], [sflag:$0x2], $0x280, $0x38;
	[tilespmem:$0x2D80] =	vst v63  }
0x32: {  	_ =	swait.ge [sflag:s9], $0x280  }
0x33: {  	[sflag:s9] =	ssyncset.done $0x0  }
0x34: {  	[sflag:s9] =	ssyncadd.s32 $0xFFFFFD80  }
0x35: {  	_ =	sfence.sel $0x180000  }
0x36: {  	[bflag:$0x0] =	sbarrier.arrive $0xFFFF  }
0x37: {  	p0 =	sne.s32 s0, $0x0;
	_ =	strace $0x90000047  }
0x38: {  	s0 =	sadd.s32 @!p0 $0x100000, s1;
	[bflag:$0x2] =	sbarrier.arrive $0xFFFF  }
0x39: {  	[sflag:s0] =	ssyncadd.tile.s32 @!p0 $0x1;
	_ =	shalt  }
.Lfunc_end2:
_tile_overlayer_lowered:
.L_overlay_start_2:
0x3a: {  	(tag) =	ssettag $0x2  }
0x3b: {  	s0 =	rddreg [dreg:$0x0];
	s2 =	stileid.u32  }
0x3c: {  	s1 =	rddreg [dreg:$0x1];
	p0 =	sne.s32 s2, $0x0  }
0x3d: {  	s3 =	rddreg [dreg:$0x2];
	[bflag:$0x3] =	sbarrier.arrive $0xFFFF;
	s2 =	simm.s32 @!p0 $0x1C02  }
0x3e: {  	[timem:s3], [sflag:s2] =	dma.local @!p0 [hbm:s0], s1  }
0x3f: {  	s0 =	simm.s32 @!p0 $0x2  }
0x40: {  	_ =	swait.ge @!p0 [sflag:s0], s1  }
0x41: {  	s1 =	ssub.s32 @!p0 $0x0, s1;
	[sflag:s0] =	ssyncset.done @!p0 $0x0  }
0x42: {  	[sflag:s0] =	ssyncadd.s32 @!p0 s1  }
0x43: {  	[bflag:$0x3] =	sbarrier.arrive $0xFFFF  }
0x44: {  	_ =	shalt  }

</sc_bundles>
